<compile_context>
chip_gen: v7x
topology: tpu7x:2x2x1
jax: 0.10.2.dev20260603
libtpu: 0.0.44.dev20260713+nightly
codegen_flags: <defaults>
</compile_context>

<pallas_src>
import functools

import jax
import jax.numpy as jnp
from jax import lax
from jax.experimental import pallas as pl
from jax.experimental.pallas import tpu as pltpu
from jax.experimental.pallas import tpu_sc as plsc

_N = 10000
_E = 320000
_D = 128
_NC = 2
_NS = 16
_NW = _NC * _NS
_EPT = _E // _NW
_C = 40
_NCHUNK = _EPT // _C
_RPT = 624
_TAIL0 = _RPT * _NS
_TAILN = _N - _TAIL0

_SC_MESH = plsc.VectorSubcoreMesh(core_axis_name="c", subcore_axis_name="s")


def _deg_kernel(dst_hbm, zero_hbm, out_hbm, didx_all, cnt):
    c = lax.axis_index("c")
    s = lax.axis_index("s")
    w = c * _NS + s
    pltpu.sync_copy(zero_hbm, cnt)
    pltpu.sync_copy(dst_hbm.at[pl.ds(w * _EPT, _EPT)], didx_all)
    ones_v = jnp.ones((16,), jnp.float32)

    def body(i, carry):
        idx16 = didx_all[pl.ds(i * 16, 16)]
        plsc.addupdate_scatter(cnt, [idx16], ones_v)
        return carry

    lax.fori_loop(0, _EPT // 16, body, 0)
    pltpu.sync_copy(cnt, out_hbm.at[pl.ds(w * _N, _N)])


def _deg_partials(dst, zeros_n):
    return pl.kernel(
        _deg_kernel,
        mesh=_SC_MESH,
        out_type=jax.ShapeDtypeStruct((_NW * _N,), jnp.float32),
        scratch_types=[
            pltpu.VMEM((_EPT,), jnp.int32),
            pltpu.VMEM((_N,), jnp.float32),
        ],
        compiler_params=pltpu.CompilerParams(needs_layout_passes=False),
    )(dst, zeros_n)


_NBUF = 5
_NGRP = _NCHUNK // _NBUF


def _agg_kernel(g_hbm, src_hbm, dst_hbm, zero_hbm, out_hbm, sidx_all, didx,
                rows, acc, zsem, isem, gsem):
    c = lax.axis_index("c")
    s = lax.axis_index("s")
    r0 = s * _RPT
    last = s == _NS - 1
    base = (c * _NS + s) * _EPT

    pltpu.async_copy(zero_hbm.at[pl.ds(0, _RPT)], acc.at[pl.ds(r0, _RPT)],
                     zsem)
    pltpu.sync_copy(src_hbm.at[pl.ds(base, _EPT)], sidx_all)

    def i_start(j, b):
        pltpu.async_copy(dst_hbm.at[pl.ds(base + j * _C, _C)], didx[b],
                         isem[b])

    def i_wait(b):
        pltpu.make_async_copy(dst_hbm.at[pl.ds(0, _C)], didx[b],
                              isem[b]).wait()

    def g_start(j, b):
        pltpu.async_copy(g_hbm.at[sidx_all.at[pl.ds(j * _C, _C)]], rows[b],
                         gsem[b])

    def g_wait(b):
        pltpu.make_async_copy(g_hbm.at[sidx_all.at[pl.ds(0, _C)]], rows[b],
                              gsem[b]).wait()

    for b in range(_NBUF):
        i_start(b, b)
        g_start(b, b)

    pltpu.make_async_copy(zero_hbm.at[pl.ds(0, _RPT)],
                          acc.at[pl.ds(r0, _RPT)], zsem).wait()

    @pl.when(last)
    def _():
        pltpu.sync_copy(zero_hbm.at[pl.ds(0, _TAILN)],
                        acc.at[pl.ds(_TAIL0, _TAILN)])

    plsc.subcore_barrier()

    def body(grp, carry):
        for b in range(_NBUF):
            j = grp * _NBUF + b
            i_wait(b)
            g_wait(b)
            pltpu.sync_copy(rows[b], acc.at[didx[b]], add=True)
            jj = jnp.minimum(j + _NBUF, _NCHUNK - 1)
            i_start(jj, b)
            g_start(jj, b)
        return carry

    lax.fori_loop(0, _NGRP, body, 0)
    for b in range(_NBUF):
        i_wait(b)
        g_wait(b)
    plsc.subcore_barrier()
    pltpu.sync_copy(acc.at[pl.ds(r0, _RPT)], out_hbm.at[c, pl.ds(r0, _RPT)])

    @pl.when(last)
    def _():
        pltpu.sync_copy(acc.at[pl.ds(_TAIL0, _TAILN)],
                        out_hbm.at[c, pl.ds(_TAIL0, _TAILN)])


def _agg_partials(g, src, dst, zeros_rows):
    return pl.kernel(
        _agg_kernel,
        mesh=_SC_MESH,
        out_type=jax.ShapeDtypeStruct((_NC, _N, _D), jnp.float32),
        scratch_types=[
            pltpu.VMEM((_EPT,), jnp.int32),
            [pltpu.VMEM((_C,), jnp.int32) for _ in range(_NBUF)],
            [pltpu.VMEM((_C, _D), jnp.float32) for _ in range(_NBUF)],
            pltpu.VMEM_SHARED((_N, _D), jnp.float32),
            pltpu.SemaphoreType.DMA,
            [pltpu.SemaphoreType.DMA for _ in range(_NBUF)],
            [pltpu.SemaphoreType.DMA for _ in range(_NBUF)],
        ],
        compiler_params=pltpu.CompilerParams(needs_layout_passes=False),
    )(g, src, dst, zeros_rows)


_NPT = 312
_NPT_LAST = _N - 31 * _NPT
_TRASH = 328
_ACCR = 336
_SCN = 8000
_NSCAN = _E // _SCN
_GB = 40
_ECAP = 13336


def _conv1_kernel(h_hbm, src_hbm, dst_hbm, dis_hbm, zero_hbm, out_hbm,
                  sbuf, dbuf, esrc, edst, dis_l, rows, acc, zsem, ssem, dsem,
                  gsem):
    c = lax.axis_index("c")
    s = lax.axis_index("s")
    w = c * _NS + s
    n0 = w * _NPT
    npt = jnp.where(w == _NW - 1, _NPT_LAST, _NPT)

    pltpu.async_copy(zero_hbm.at[pl.ds(0, _ACCR)], acc, zsem)
    pltpu.sync_copy(dis_hbm, dis_l)

    def scan_start(ch, b):
        pltpu.async_copy(src_hbm.at[pl.ds(ch * _SCN, _SCN)], sbuf[b], ssem[b])
        pltpu.async_copy(dst_hbm.at[pl.ds(ch * _SCN, _SCN)], dbuf[b], dsem[b])

    def scan_wait(b):
        pltpu.make_async_copy(src_hbm.at[pl.ds(0, _SCN)], sbuf[b],
                              ssem[b]).wait()
        pltpu.make_async_copy(dst_hbm.at[pl.ds(0, _SCN)], dbuf[b],
                              dsem[b]).wait()

    scan_start(0, 0)
    scan_start(1, 1)

    def outer(o, cnt):
        for b in range(2):
            ch = o * 2 + b
            scan_wait(b)

            def grp(g, cnt):
                d16 = dbuf[b][pl.ds(g * 16, 16)]
                s16 = sbuf[b][pl.ds(g * 16, 16)]
                dl = d16 - n0
                mask = (dl >= 0) & (dl < npt)
                plsc.store_compressed(esrc.at[pl.ds(cnt, 16)], s16, mask=mask)
                plsc.store_compressed(edst.at[pl.ds(cnt, 16)], dl, mask=mask)
                pc = plsc.all_reduce_population_count(mask)
                return cnt + jnp.max(pc)

            cnt = lax.fori_loop(0, _SCN // 16, grp, cnt)
            nxt = jnp.minimum(ch + 2, _NSCAN - 1)
            scan_start(nxt, b)
        return cnt

    cnt = lax.fori_loop(0, _NSCAN // 2, outer, jnp.int32(0))
    scan_wait(0)
    scan_wait(1)

    pad_s = jnp.zeros((16,), jnp.int32)
    pad_d = jnp.full((16,), _TRASH, jnp.int32)
    for k in range(7):
        esrc[pl.ds(cnt + k * 16, 16)] = pad_s
        edst[pl.ds(cnt + k * 16, 16)] = pad_d
    esrc[pl.ds(cnt + 104, 16)] = pad_s
    edst[pl.ds(cnt + 104, 16)] = pad_d
    nch = ((cnt + 119) // 120) * 3

    def g_start(ch, b):
        pltpu.async_copy(h_hbm.at[esrc.at[pl.ds(ch * _GB, _GB)]], rows[b],
                         gsem[b])

    def g_wait(b):
        pltpu.make_async_copy(h_hbm.at[esrc.at[pl.ds(0, _GB)]], rows[b],
                              gsem[b]).wait()

    pltpu.make_async_copy(zero_hbm.at[pl.ds(0, _ACCR)], acc, zsem).wait()
    for b in range(3):
        g_start(jnp.minimum(jnp.int32(b), nch - 1), b)

    def bgrp(grp_i, carry):
        for b in range(3):
            ch = grp_i * 3 + b
            g_wait(b)

            def row(r, carry2):
                e = ch * _GB + r
                sid = esrc[pl.ds(e, 16)][0]
                dl = edst[pl.ds(e, 16)][0]
                norm = dis_l[pl.ds(sid, 16)][0] * dis_l[pl.ds(n0 + dl, 16)][0]
                for k in range(8):
                    sl = pl.ds(k * 16, 16)
                    acc[dl, sl] = acc[dl, sl] + rows[b][r, sl] * norm
                return carry2

            lax.fori_loop(0, _GB, row, 0)
            g_start(jnp.minimum(ch + 3, nch - 1), b)
        return carry

    lax.fori_loop(0, nch // 3, bgrp, 0)
    for b in range(3):
        g_wait(b)

    @pl.when(w < _NW - 1)
    def _():
        pltpu.sync_copy(acc.at[pl.ds(0, _NPT)], out_hbm.at[pl.ds(n0, _NPT)])

    @pl.when(w == _NW - 1)
    def _():
        pltpu.sync_copy(acc.at[pl.ds(0, _NPT_LAST)],
                        out_hbm.at[pl.ds(31 * _NPT, _NPT_LAST)])


def _conv1_exact(h1, src, dst, dis_pad, zeros_rows):
    return pl.kernel(
        _conv1_kernel,
        mesh=_SC_MESH,
        out_type=jax.ShapeDtypeStruct((_N, _D), jnp.float32),
        scratch_types=[
            [pltpu.VMEM((_SCN,), jnp.int32) for _ in range(2)],
            [pltpu.VMEM((_SCN,), jnp.int32) for _ in range(2)],
            pltpu.VMEM((_ECAP,), jnp.int32),
            pltpu.VMEM((_ECAP,), jnp.int32),
            pltpu.VMEM((_N + 16,), jnp.float32),
            [pltpu.VMEM((_GB, _D), jnp.float32) for _ in range(3)],
            pltpu.VMEM((_ACCR, _D), jnp.float32),
            pltpu.SemaphoreType.DMA,
            [pltpu.SemaphoreType.DMA for _ in range(2)],
            [pltpu.SemaphoreType.DMA for _ in range(2)],
            [pltpu.SemaphoreType.DMA for _ in range(3)],
        ],
        compiler_params=pltpu.CompilerParams(needs_layout_passes=False),
    )(h1, src, dst, dis_pad, zeros_rows)


_BN = 1000


def _tc_first_body(dt_ref, x_ref, w_ref, g_ref, dis_ref):
    deg = jnp.sum(dt_ref[...], axis=1, keepdims=True) + 1.0
    dis = lax.rsqrt(deg)
    h = jnp.dot(x_ref[...], w_ref[...], preferred_element_type=jnp.float32)
    g_ref[...] = h
    dis_ref[...] = dis


def _tc_first(degT, x, W1):
    grid = (_N // _BN,)
    return pl.pallas_call(
        _tc_first_body,
        grid=grid,
        in_specs=[
            pl.BlockSpec((_BN, _NW), lambda i: (i, 0)),
            pl.BlockSpec((_BN, _D), lambda i: (i, 0)),
            pl.BlockSpec((_D, _D), lambda i: (0, 0)),
        ],
        out_specs=[
            pl.BlockSpec((_BN, _D), lambda i: (i, 0)),
            pl.BlockSpec((_BN, 1), lambda i: (i, 0)),
        ],
        out_shape=[
            jax.ShapeDtypeStruct((_N, _D), jnp.float32),
            jax.ShapeDtypeStruct((_N, 1), jnp.float32),
        ],
    )(degT, x, W1)


def _tc_mid_body(conv_ref, h_ref, dis_ref, w_ref, b_ref, out_ref):
    dis = dis_ref[...]
    nv = dis * dis
    t = conv_ref[...] + h_ref[...] * nv
    t = jnp.maximum(t + b_ref[...], 0.0)
    out_ref[...] = jnp.dot(t, w_ref[...],
                           preferred_element_type=jnp.float32) * dis


def _tc_mid(conv1, h1, dis, W2, b1):
    grid = (_N // _BN,)
    return pl.pallas_call(
        _tc_mid_body,
        grid=grid,
        in_specs=[
            pl.BlockSpec((_BN, _D), lambda i: (i, 0)),
            pl.BlockSpec((_BN, _D), lambda i: (i, 0)),
            pl.BlockSpec((_BN, 1), lambda i: (i, 0)),
            pl.BlockSpec((_D, _D), lambda i: (0, 0)),
            pl.BlockSpec((1, _D), lambda i: (0, 0)),
        ],
        out_specs=pl.BlockSpec((_BN, _D), lambda i: (i, 0)),
        out_shape=jax.ShapeDtypeStruct((_N, _D), jnp.float32),
    )(conv1, h1, dis, W2, b1)


def _tc_head_body(p0_ref, p1_ref, g_ref, dis_ref, b_ref, sv_ref, ac_ref,
                  w1_ref, b1_ref, w2_ref, b2_ref, w3_ref, b3_ref, out_ref,
                  acc_ref):
    i = pl.program_id(0)

    @pl.when(i == 0)
    def _():
        acc_ref[...] = jnp.zeros_like(acc_ref)

    t = (p0_ref[...] + p1_ref[...] + g_ref[...]) * dis_ref[...] + b_ref[...]
    t = jnp.maximum(t, 0.0)
    acc_ref[...] += jnp.sum(t, axis=0, keepdims=True)

    @pl.when(i == (_N // _BN) - 1)
    def _():
        pooled = acc_ref[...] / float(_N)
        z = jnp.concatenate([pooled, sv_ref[...], ac_ref[...]], axis=1)
        z = jnp.dot(z, w1_ref[...], preferred_element_type=jnp.float32)
        z = jnp.maximum(z + b1_ref[...], 0.0)
        z = jnp.dot(z, w2_ref[...], preferred_element_type=jnp.float32)
        z = jnp.maximum(z + b2_ref[...], 0.0)
        out_ref[...] = (jnp.dot(z, w3_ref[...],
                                preferred_element_type=jnp.float32)
                        + b3_ref[...])


def _tc_head(p0, p1, g, dis, b2, sv, ac, fW1, fb1, fW2, fb2, fW3, fb3):
    grid = (_N // _BN,)

    def full(shape):
        return pl.BlockSpec(shape, lambda i: tuple(0 for _ in shape))

    return pl.pallas_call(
        _tc_head_body,
        grid=grid,
        in_specs=[
            pl.BlockSpec((_BN, _D), lambda i: (i, 0)),
            pl.BlockSpec((_BN, _D), lambda i: (i, 0)),
            pl.BlockSpec((_BN, _D), lambda i: (i, 0)),
            pl.BlockSpec((_BN, 1), lambda i: (i, 0)),
            full((1, _D)),
            full((1, 64)),
            full((1, 16)),
            full((_D + 64 + 16, 256)),
            full((1, 256)),
            full((256, 256)),
            full((1, 256)),
            full((256, 1)),
            full((1, 1)),
        ],
        out_specs=pl.BlockSpec((1, 1), lambda i: (0, 0)),
        out_shape=jax.ShapeDtypeStruct((1, 1), jnp.float32),
        scratch_shapes=[pltpu.VMEM((1, _D), jnp.float32)],
    )(p0, p1, g, dis, b2, sv, ac, fW1, fb1, fW2, fb2, fW3, fb3)


@jax.jit
def kernel(x, edge_index, batch, state_vector, action, W1, b1, W2, b2, fW1,
           fb1, fW2, fb2, fW3, fb3):
    src = edge_index[0]
    dst = edge_index[1]
    zeros_n = jnp.zeros((_N,), jnp.float32)
    zeros_rows = jnp.zeros((_RPT, _D), jnp.float32)

    degp = _deg_partials(dst, zeros_n)
    degT = degp.reshape(_NW, _N).T
    h1, dis = _tc_first(degT, x, W1)
    dis_pad = jnp.pad(dis.reshape(_N), (0, 16))
    conv1 = _conv1_exact(h1, src, dst, dis_pad, zeros_rows)
    g2 = _tc_mid(conv1, h1, dis, W2, b1.reshape(1, _D))
    p2 = _agg_partials(g2, src, dst, zeros_rows)
    out = _tc_head(p2[0], p2[1], g2, dis, b2.reshape(1, _D), state_vector,
                   action, fW1, fb1.reshape(1, 256), fW2,
                   fb2.reshape(1, 256), fW3, fb3.reshape(1, 1))
    return out

# --- scband reference (transcript-rebuilt; emitter-appended) ---
"""Pipeline reference for scband-critic-19164144075376 (READ-ONLY COPY).

The authoritative reference and input builder live on the scoring server;
editing this copy changes nothing except your own understanding.
"""

import jax, jax.numpy as jnp
import numpy as np

N = 10000
E = 320000
D = 128
HID = 128
SV = 64
AD = 16


def setup_inputs(seed: int = 0):
    key = jax.random.key(seed)
    ks = jax.random.split(key, 16)
    x = jax.random.normal(ks[0], (N, D), dtype=jnp.float32)
    edge_index = jax.random.randint(ks[1], (2, E), 0, N, dtype=jnp.int32)
    batch = jnp.zeros((N,), dtype=jnp.int32)
    state_vector = jax.random.normal(ks[2], (1, SV), dtype=jnp.float32)
    action = jax.random.normal(ks[3], (1, AD), dtype=jnp.float32)
    W1 = jax.random.normal(ks[4], (D, HID), dtype=jnp.float32) * (1.0 / np.sqrt(D))
    b1 = jnp.zeros((HID,), dtype=jnp.float32)
    W2 = jax.random.normal(ks[5], (HID, HID), dtype=jnp.float32) * (1.0 / np.sqrt(HID))
    b2 = jnp.zeros((HID,), dtype=jnp.float32)
    fW1 = jax.random.normal(ks[6], (HID + SV + AD, 256), dtype=jnp.float32) * (1.0 / np.sqrt(HID + SV + AD))
    fb1 = jnp.zeros((256,), dtype=jnp.float32)
    fW2 = jax.random.normal(ks[7], (256, 256), dtype=jnp.float32) * (1.0 / np.sqrt(256))
    fb2 = jnp.zeros((256,), dtype=jnp.float32)
    fW3 = jax.random.normal(ks[8], (256, 1), dtype=jnp.float32) * (1.0 / np.sqrt(256))
    fb3 = jnp.zeros((1,), dtype=jnp.float32)
    return {"x": x, "edge_index": edge_index, "batch": batch, "state_vector": state_vector,
            "action": action, "W1": W1, "b1": b1, "W2": W2, "b2": b2,
            "fW1": fW1, "fb1": fb1, "fW2": fW2, "fb2": fb2, "fW3": fW3, "fb3": fb3}


def _gcn_conv(x, src, dst, W, b):
    # GCNConv: symmetric-normalized aggregation with self-loops: D^-1/2 (A+I) D^-1/2 X W + b
    h = x @ W
    loop = jnp.arange(N, dtype=src.dtype)
    s = jnp.concatenate([src, loop])
    d = jnp.concatenate([dst, loop])
    deg = jnp.zeros((N,), dtype=h.dtype).at[d].add(1.0)
    dis = jnp.where(deg > 0, 1.0 / jnp.sqrt(deg), 0.0)
    norm = dis[s] * dis[d]
    msg = h[s] * norm[:, None]
    out = jax.ops.segment_sum(msg, d, num_segments=N)
    return out + b


def reference(x, edge_index, batch, state_vector, action, W1, b1, W2, b2, fW1, fb1, fW2, fb2, fW3, fb3):
    src, dst = edge_index[0], edge_index[1]
    h = jax.nn.relu(_gcn_conv(x, src, dst, W1, b1))
    h = jax.nn.relu(_gcn_conv(h, src, dst, W2, b2))
    ssum = jax.ops.segment_sum(h, batch, num_segments=1)
    cnt = jax.ops.segment_sum(jnp.ones((N, 1), dtype=h.dtype), batch, num_segments=1)
    pooled = ssum / jnp.maximum(cnt, 1.0)
    z = jnp.concatenate([pooled, state_vector, action], axis=1)
    z = jax.nn.relu(z @ fW1 + fb1)
    z = jax.nn.relu(z @ fW2 + fb2)
    return z @ fW3 + fb3

if __name__ == "__main__":
    import jax
    _d = setup_inputs()
    print(jax.jit(kernel)(*tuple(_d.values())))

</pallas_src>

<mosaic_0001>
#map = affine_map<(d0, d1) -> (0, 0)>
#map1 = affine_map<(d0, d1) -> (0)>
module attributes {stable_mosaic.version = 14 : i64} {
  func.func @_conv1_kernel(%arg0: i32, %arg1: i32, %arg2: memref<10000x128xf32, #tpu.memory_space<hbm>>, %arg3: memref<320000xi32, #tpu.memory_space<hbm>>, %arg4: memref<320000xi32, #tpu.memory_space<hbm>>, %arg5: memref<10016xf32, #tpu.memory_space<hbm>>, %arg6: memref<624x128xf32, #tpu.memory_space<hbm>>, %arg7: memref<10000x128xf32, #tpu.memory_space<hbm>>, %arg8: memref<8000xi32, #tpu.memory_space<vmem>>, %arg9: memref<8000xi32, #tpu.memory_space<vmem>>, %arg10: memref<8000xi32, #tpu.memory_space<vmem>>, %arg11: memref<8000xi32, #tpu.memory_space<vmem>>, %arg12: memref<13336xi32, #tpu.memory_space<vmem>>, %arg13: memref<13336xi32, #tpu.memory_space<vmem>>, %arg14: memref<10016xf32, #tpu.memory_space<vmem>>, %arg15: memref<40x128xf32, #tpu.memory_space<vmem>>, %arg16: memref<40x128xf32, #tpu.memory_space<vmem>>, %arg17: memref<40x128xf32, #tpu.memory_space<vmem>>, %arg18: memref<336x128xf32, #tpu.memory_space<vmem>>, %arg19: memref<!tpu.dma_semaphore, #tpu.memory_space<semaphore_mem>>, %arg20: memref<!tpu.dma_semaphore, #tpu.memory_space<semaphore_mem>>, %arg21: memref<!tpu.dma_semaphore, #tpu.memory_space<semaphore_mem>>, %arg22: memref<!tpu.dma_semaphore, #tpu.memory_space<semaphore_mem>>, %arg23: memref<!tpu.dma_semaphore, #tpu.memory_space<semaphore_mem>>, %arg24: memref<!tpu.dma_semaphore, #tpu.memory_space<semaphore_mem>>, %arg25: memref<!tpu.dma_semaphore, #tpu.memory_space<semaphore_mem>>, %arg26: memref<!tpu.dma_semaphore, #tpu.memory_space<semaphore_mem>>) attributes {dimension_semantics = [#tpu.dimension_semantics<core_parallel>, #tpu.dimension_semantics<subcore_parallel>], iteration_bounds = array<i64: 2, 16>, scalar_prefetch = 0 : i64, scratch_operands = 19 : i64, tpu.core_type = #tpu.core_type<sc_vector_subcore>, window_params = [{transform_indices = #map}, {transform_indices = #map1}, {transform_indices = #map1}, {transform_indices = #map1}, {transform_indices = #map}, {transform_indices = #map}]} {
    %mul3A = arith.constant 16 : i32
    %mul3A_0 = arith.muli %arg0, %mul3A : i32
    %add3A = arith.addi %mul3A_0, %arg1 : i32
    %mul3A_1 = arith.constant 312 : i32
    %mul3A_2 = arith.muli %add3A, %mul3A_1 : i32
    %eq3A = arith.constant 31 : i32
    %eq3A_3 = arith.cmpi eq, %add3A, %eq3A : i32
    %jit3A = arith.constant 328 : i32
    %jit3A_4 = arith.constant 312 : i32
    %select_n3A = arith.select %eq3A_3, %jit3A, %jit3A_4 : i32
    %dma_start3A = arith.constant 0 : i32
    %dma_start3A_5 = arith.constant 0 : i32
    %dma_start3A_6 = tpu.memref_slice %arg6[%dma_start3A, %dma_start3A_5] : memref<624x128xf32, #tpu.memory_space<hbm>> -> memref<336x128xf32, #tpu.memory_space<hbm>>
    %dma_start3A_7 = arith.constant 0 : i32
    %dma_start3A_8 = arith.constant 0 : i32
    %dma_start3A_9 = tpu.memref_slice %arg6[%dma_start3A_7, %dma_start3A_8] : memref<624x128xf32, #tpu.memory_space<hbm>> -> memref<336x128xf32, #tpu.memory_space<hbm>>
    tpu.enqueue_dma source(%dma_start3A_9 : memref<336x128xf32, #tpu.memory_space<hbm>>) target(%arg18 : memref<336x128xf32, #tpu.memory_space<vmem>>) target_semaphore(%arg19 : memref<!tpu.dma_semaphore, #tpu.memory_space<semaphore_mem>>)
    "tpu.region"() ({
      %run_scoped3A = tpu.sem_alloc : memref<!tpu.dma_semaphore, #tpu.memory_space<semaphore_mem>>
      tpu.enqueue_dma source(%arg5 : memref<10016xf32, #tpu.memory_space<hbm>>) target(%arg14 : memref<10016xf32, #tpu.memory_space<vmem>>) target_semaphore(%run_scoped3A : memref<!tpu.dma_semaphore, #tpu.memory_space<semaphore_mem>>)
      tpu.wait_dma2 semaphore(%run_scoped3A : memref<!tpu.dma_semaphore, #tpu.memory_space<semaphore_mem>>) src(%arg5 : memref<10016xf32, #tpu.memory_space<hbm>>) dst(%arg14 : memref<10016xf32, #tpu.memory_space<vmem>>)
      tpu.yield
    }) : () -> ()
    %dma_start3A_10 = arith.constant 0 : i32
    %dma_start3A_11 = tpu.memref_slice %arg3[%dma_start3A_10] : memref<320000xi32, #tpu.memory_space<hbm>> -> memref<8000xi32, #tpu.memory_space<hbm>>
    %dma_start3A_12 = arith.constant 0 : i32
    %dma_start3A_13 = tpu.memref_slice %arg3[%dma_start3A_12] : memref<320000xi32, #tpu.memory_space<hbm>> -> memref<8000xi32, #tpu.memory_space<hbm>>
    tpu.enqueue_dma source(%dma_start3A_13 : memref<8000xi32, #tpu.memory_space<hbm>>) target(%arg8 : memref<8000xi32, #tpu.memory_space<vmem>>) target_semaphore(%arg20 : memref<!tpu.dma_semaphore, #tpu.memory_space<semaphore_mem>>)
    %dma_start3A_14 = arith.constant 0 : i32
    %dma_start3A_15 = tpu.memref_slice %arg4[%dma_start3A_14] : memref<320000xi32, #tpu.memory_space<hbm>> -> memref<8000xi32, #tpu.memory_space<hbm>>
    %dma_start3A_16 = arith.constant 0 : i32
    %dma_start3A_17 = tpu.memref_slice %arg4[%dma_start3A_16] : memref<320000xi32, #tpu.memory_space<hbm>> -> memref<8000xi32, #tpu.memory_space<hbm>>
    tpu.enqueue_dma source(%dma_start3A_17 : memref<8000xi32, #tpu.memory_space<hbm>>) target(%arg10 : memref<8000xi32, #tpu.memory_space<vmem>>) target_semaphore(%arg22 : memref<!tpu.dma_semaphore, #tpu.memory_space<semaphore_mem>>)
    %dma_start3A_18 = arith.constant 8000 : i32
    %dma_start3A_19 = tpu.memref_slice %arg3[%dma_start3A_18] : memref<320000xi32, #tpu.memory_space<hbm>> -> memref<8000xi32, #tpu.memory_space<hbm>>
    %dma_start3A_20 = arith.constant 8000 : i32
    %dma_start3A_21 = tpu.memref_slice %arg3[%dma_start3A_20] : memref<320000xi32, #tpu.memory_space<hbm>> -> memref<8000xi32, #tpu.memory_space<hbm>>
    tpu.enqueue_dma source(%dma_start3A_21 : memref<8000xi32, #tpu.memory_space<hbm>>) target(%arg9 : memref<8000xi32, #tpu.memory_space<vmem>>) target_semaphore(%arg21 : memref<!tpu.dma_semaphore, #tpu.memory_space<semaphore_mem>>)
    %dma_start3A_22 = arith.constant 8000 : i32
    %dma_start3A_23 = tpu.memref_slice %arg4[%dma_start3A_22] : memref<320000xi32, #tpu.memory_space<hbm>> -> memref<8000xi32, #tpu.memory_space<hbm>>
    %dma_start3A_24 = arith.constant 8000 : i32
    %dma_start3A_25 = tpu.memref_slice %arg4[%dma_start3A_24] : memref<320000xi32, #tpu.memory_space<hbm>> -> memref<8000xi32, #tpu.memory_space<hbm>>
    tpu.enqueue_dma source(%dma_start3A_25 : memref<8000xi32, #tpu.memory_space<hbm>>) target(%arg11 : memref<8000xi32, #tpu.memory_space<vmem>>) target_semaphore(%arg23 : memref<!tpu.dma_semaphore, #tpu.memory_space<semaphore_mem>>)
    %scan3A = arith.constant 0 : i32
    %scan3A_26 = arith.constant 0 : i32
    %scan3A_27 = arith.constant 20 : i32
    %scan3A_28 = arith.addi %scan3A_26, %scan3A_27 : i32
    %scan3A_29 = arith.constant 1 : i32
    %scan3A_30 = scf.for %scan3A_225 = %scan3A_26 to %scan3A_28 step %scan3A_29 iter_args(%scan3A_226 = %scan3A) -> (i32)  : i32 {
      %mul3A_227 = arith.constant 2 : i32
      %mul3A_228 = arith.muli %scan3A_225, %mul3A_227 : i32
      %add3A_229 = arith.constant 0 : i32
      %add3A_230 = arith.addi %mul3A_228, %add3A_229 : i32
      %dma_wait3A_231 = arith.constant 0 : i32
      %dma_wait3A_232 = tpu.memref_slice %arg3[%dma_wait3A_231] : memref<320000xi32, #tpu.memory_space<hbm>> -> memref<8000xi32, #tpu.memory_space<hbm>>
      %dma_wait3A_233 = arith.constant 0 : i32
      %dma_wait3A_234 = tpu.memref_slice %arg3[%dma_wait3A_233] : memref<320000xi32, #tpu.memory_space<hbm>> -> memref<8000xi32, #tpu.memory_space<hbm>>
      tpu.wait_dma2 semaphore(%arg20 : memref<!tpu.dma_semaphore, #tpu.memory_space<semaphore_mem>>) src(%dma_wait3A_234 : memref<8000xi32, #tpu.memory_space<hbm>>) dst(%arg8 : memref<8000xi32, #tpu.memory_space<vmem>>)
      %dma_wait3A_235 = arith.constant 0 : i32
      %dma_wait3A_236 = tpu.memref_slice %arg4[%dma_wait3A_235] : memref<320000xi32, #tpu.memory_space<hbm>> -> memref<8000xi32, #tpu.memory_space<hbm>>
      %dma_wait3A_237 = arith.constant 0 : i32
      %dma_wait3A_238 = tpu.memref_slice %arg4[%dma_wait3A_237] : memref<320000xi32, #tpu.memory_space<hbm>> -> memref<8000xi32, #tpu.memory_space<hbm>>
      tpu.wait_dma2 semaphore(%arg22 : memref<!tpu.dma_semaphore, #tpu.memory_space<semaphore_mem>>) src(%dma_wait3A_238 : memref<8000xi32, #tpu.memory_space<hbm>>) dst(%arg10 : memref<8000xi32, #tpu.memory_space<vmem>>)
      %scan3A_239 = arith.constant 0 : i32
      %scan3A_240 = arith.constant 500 : i32
      %scan3A_241 = arith.addi %scan3A_239, %scan3A_240 : i32
      %scan3A_242 = arith.constant 1 : i32
      %scan3A_243 = scf.for %scan3A_287 = %scan3A_239 to %scan3A_241 step %scan3A_242 iter_args(%scan3A_288 = %scan3A_226) -> (i32)  : i32 {
        %mul3A_289 = arith.constant 16 : i32
        %mul3A_290 = arith.muli %scan3A_287, %mul3A_289 : i32
        %get3A = arith.index_cast %mul3A_290 : i32 to index
        %get3A_291 = tpu.vector_load %arg10[%get3A] {strides = array<i32>} : memref<8000xi32, #tpu.memory_space<vmem>>, vector<16xi32>,
        %mul3A_292 = arith.constant 16 : i32
        %mul3A_293 = arith.muli %scan3A_287, %mul3A_292 : i32
        %get3A_294 = arith.index_cast %mul3A_293 : i32 to index
        %get3A_295 = tpu.vector_load %arg8[%get3A_294] {strides = array<i32>} : memref<8000xi32, #tpu.memory_space<vmem>>, vector<16xi32>,
        %sub3A_296 = vector.broadcast %mul3A_2 : i32 to vector<16xi32>
        %sub3A_297 = arith.subi %get3A_291, %sub3A_296 : vector<16xi32>
        %ge3A = arith.constant 0 : i32
        %ge3A_298 = vector.broadcast %ge3A : i32 to vector<16xi32>
        %ge3A_299 = arith.cmpi sge, %sub3A_297, %ge3A_298 : vector<16xi32>
        %lt3A_300 = vector.broadcast %select_n3A : i32 to vector<16xi32>
        %lt3A_301 = arith.cmpi slt, %sub3A_297, %lt3A_300 : vector<16xi32>
        %and3A_302 = arith.andi %ge3A_299, %lt3A_301 : vector<16xi1>
        %swap3A_303 = arith.index_cast %scan3A_288 : i32 to index
        %swap3A_304 = tpu.vector_load %arg12[%swap3A_303] masked %and3A_302 {strides = array<i32>} : memref<13336xi32, #tpu.memory_space<vmem>>, vector<16xi32>, vector<16xi1>
        tpu.vector_store %arg12[%swap3A_303], %get3A_295 masked %and3A_302 {strides = array<i32>} : memref<13336xi32, #tpu.memory_space<vmem>>, vector<16xi32>, vector<16xi1>
        %swap3A_305 = arith.index_cast %scan3A_288 : i32 to index
        %swap3A_306 = tpu.vector_load %arg13[%swap3A_305] masked %and3A_302 {strides = array<i32>} : memref<13336xi32, #tpu.memory_space<vmem>>, vector<16xi32>, vector<16xi1>
        tpu.vector_store %arg13[%swap3A_305], %sub3A_297 masked %and3A_302 {strides = array<i32>} : memref<13336xi32, #tpu.memory_space<vmem>>, vector<16xi32>, vector<16xi1>
        %all_reduce_population_count3A = tpu.all_reduce %and3A_302 {dim = 0 : i64, kind = #tpu.reduction_kind<sum>} : vector<16xi1> -> vector<16xi32>
        %reduce_max3A = arith.constant true
        %reduce_max3A_307 = vector.broadcast %reduce_max3A : i1 to vector<16xi1>
        %reduce_max3A_308 = arith.constant -2147483648 : i32
        %reduce_max3A_309 = vector.broadcast %reduce_max3A_308 : i32 to vector<16xi32>
        %reduce_max3A_310 = arith.xori %all_reduce_population_count3A, %reduce_max3A_309 : vector<16xi32>
        %reduce_max3A_311 = tpu.scan <max>, %reduce_max3A_310 masked %reduce_max3A_307 : vector<16xi32>, vector<16xi1> -> vector<16xi32>
        %reduce_max3A_312 = arith.xori %reduce_max3A_311, %reduce_max3A_309 : vector<16xi32>
        %reduce_max3A_313 = vector.extract %reduce_max3A_312[15] : i32 from vector<16xi32>
        %add3A_314 = arith.addi %scan3A_288, %reduce_max3A_313 : i32
        scf.yield %add3A_314 : i32
      }
      %scan3A_244 = arith.constant 500 : i32
      %add3A_245 = arith.constant 2 : i32
      %add3A_246 = arith.addi %add3A_230, %add3A_245 : i32
      %min3A_247 = arith.constant 39 : i32
      %min3A_248 = arith.minsi %add3A_246, %min3A_247 : i32
      %mul3A_249 = arith.constant 8000 : i32
      %mul3A_250 = arith.muli %min3A_248, %mul3A_249 : i32
      %dma_start3A_251 = tpu.memref_slice %arg3[%mul3A_250] : memref<320000xi32, #tpu.memory_space<hbm>> -> memref<8000xi32, #tpu.memory_space<hbm>>
      %dma_start3A_252 = tpu.memref_slice %arg3[%mul3A_250] : memref<320000xi32, #tpu.memory_space<hbm>> -> memref<8000xi32, #tpu.memory_space<hbm>>
      tpu.enqueue_dma source(%dma_start3A_252 : memref<8000xi32, #tpu.memory_space<hbm>>) target(%arg8 : memref<8000xi32, #tpu.memory_space<vmem>>) target_semaphore(%arg20 : memref<!tpu.dma_semaphore, #tpu.memory_space<semaphore_mem>>)
      %mul3A_253 = arith.constant 8000 : i32
      %mul3A_254 = arith.muli %min3A_248, %mul3A_253 : i32
      %dma_start3A_255 = tpu.memref_slice %arg4[%mul3A_254] : memref<320000xi32, #tpu.memory_space<hbm>> -> memref<8000xi32, #tpu.memory_space<hbm>>
      %dma_start3A_256 = tpu.memref_slice %arg4[%mul3A_254] : memref<320000xi32, #tpu.memory_space<hbm>> -> memref<8000xi32, #tpu.memory_space<hbm>>
      tpu.enqueue_dma source(%dma_start3A_256 : memref<8000xi32, #tpu.memory_space<hbm>>) target(%arg10 : memref<8000xi32, #tpu.memory_space<vmem>>) target_semaphore(%arg22 : memref<!tpu.dma_semaphore, #tpu.memory_space<semaphore_mem>>)
      %mul3A_257 = arith.constant 2 : i32
      %mul3A_258 = arith.muli %scan3A_225, %mul3A_257 : i32
      %add3A_259 = arith.constant 1 : i32
      %add3A_260 = arith.addi %mul3A_258, %add3A_259 : i32
      %dma_wait3A_261 = arith.constant 0 : i32
      %dma_wait3A_262 = tpu.memref_slice %arg3[%dma_wait3A_261] : memref<320000xi32, #tpu.memory_space<hbm>> -> memref<8000xi32, #tpu.memory_space<hbm>>
      %dma_wait3A_263 = arith.constant 0 : i32
      %dma_wait3A_264 = tpu.memref_slice %arg3[%dma_wait3A_263] : memref<320000xi32, #tpu.memory_space<hbm>> -> memref<8000xi32, #tpu.memory_space<hbm>>
      tpu.wait_dma2 semaphore(%arg21 : memref<!tpu.dma_semaphore, #tpu.memory_space<semaphore_mem>>) src(%dma_wait3A_264 : memref<8000xi32, #tpu.memory_space<hbm>>) dst(%arg9 : memref<8000xi32, #tpu.memory_space<vmem>>)
      %dma_wait3A_265 = arith.constant 0 : i32
      %dma_wait3A_266 = tpu.memref_slice %arg4[%dma_wait3A_265] : memref<320000xi32, #tpu.memory_space<hbm>> -> memref<8000xi32, #tpu.memory_space<hbm>>
      %dma_wait3A_267 = arith.constant 0 : i32
      %dma_wait3A_268 = tpu.memref_slice %arg4[%dma_wait3A_267] : memref<320000xi32, #tpu.memory_space<hbm>> -> memref<8000xi32, #tpu.memory_space<hbm>>
      tpu.wait_dma2 semaphore(%arg23 : memref<!tpu.dma_semaphore, #tpu.memory_space<semaphore_mem>>) src(%dma_wait3A_268 : memref<8000xi32, #tpu.memory_space<hbm>>) dst(%arg11 : memref<8000xi32, #tpu.memory_space<vmem>>)
      %scan3A_269 = arith.constant 0 : i32
      %scan3A_270 = arith.constant 500 : i32
      %scan3A_271 = arith.addi %scan3A_269, %scan3A_270 : i32
      %scan3A_272 = arith.constant 1 : i32
      %scan3A_273 = scf.for %scan3A_287 = %scan3A_269 to %scan3A_271 step %scan3A_272 iter_args(%scan3A_288 = %scan3A_243) -> (i32)  : i32 {
        %mul3A_289 = arith.constant 16 : i32
        %mul3A_290 = arith.muli %scan3A_287, %mul3A_289 : i32
        %get3A = arith.index_cast %mul3A_290 : i32 to index
        %get3A_291 = tpu.vector_load %arg11[%get3A] {strides = array<i32>} : memref<8000xi32, #tpu.memory_space<vmem>>, vector<16xi32>,
        %mul3A_292 = arith.constant 16 : i32
        %mul3A_293 = arith.muli %scan3A_287, %mul3A_292 : i32
        %get3A_294 = arith.index_cast %mul3A_293 : i32 to index
        %get3A_295 = tpu.vector_load %arg9[%get3A_294] {strides = array<i32>} : memref<8000xi32, #tpu.memory_space<vmem>>, vector<16xi32>,
        %sub3A_296 = vector.broadcast %mul3A_2 : i32 to vector<16xi32>
        %sub3A_297 = arith.subi %get3A_291, %sub3A_296 : vector<16xi32>
        %ge3A = arith.constant 0 : i32
        %ge3A_298 = vector.broadcast %ge3A : i32 to vector<16xi32>
        %ge3A_299 = arith.cmpi sge, %sub3A_297, %ge3A_298 : vector<16xi32>
        %lt3A_300 = vector.broadcast %select_n3A : i32 to vector<16xi32>
        %lt3A_301 = arith.cmpi slt, %sub3A_297, %lt3A_300 : vector<16xi32>
        %and3A_302 = arith.andi %ge3A_299, %lt3A_301 : vector<16xi1>
        %swap3A_303 = arith.index_cast %scan3A_288 : i32 to index
        %swap3A_304 = tpu.vector_load %arg12[%swap3A_303] masked %and3A_302 {strides = array<i32>} : memref<13336xi32, #tpu.memory_space<vmem>>, vector<16xi32>, vector<16xi1>
        tpu.vector_store %arg12[%swap3A_303], %get3A_295 masked %and3A_302 {strides = array<i32>} : memref<13336xi32, #tpu.memory_space<vmem>>, vector<16xi32>, vector<16xi1>
        %swap3A_305 = arith.index_cast %scan3A_288 : i32 to index
        %swap3A_306 = tpu.vector_load %arg13[%swap3A_305] masked %and3A_302 {strides = array<i32>} : memref<13336xi32, #tpu.memory_space<vmem>>, vector<16xi32>, vector<16xi1>
        tpu.vector_store %arg13[%swap3A_305], %sub3A_297 masked %and3A_302 {strides = array<i32>} : memref<13336xi32, #tpu.memory_space<vmem>>, vector<16xi32>, vector<16xi1>
        %all_reduce_population_count3A = tpu.all_reduce %and3A_302 {dim = 0 : i64, kind = #tpu.reduction_kind<sum>} : vector<16xi1> -> vector<16xi32>
        %reduce_max3A = arith.constant true
        %reduce_max3A_307 = vector.broadcast %reduce_max3A : i1 to vector<16xi1>
        %reduce_max3A_308 = arith.constant -2147483648 : i32
        %reduce_max3A_309 = vector.broadcast %reduce_max3A_308 : i32 to vector<16xi32>
        %reduce_max3A_310 = arith.xori %all_reduce_population_count3A, %reduce_max3A_309 : vector<16xi32>
        %reduce_max3A_311 = tpu.scan <max>, %reduce_max3A_310 masked %reduce_max3A_307 : vector<16xi32>, vector<16xi1> -> vector<16xi32>
        %reduce_max3A_312 = arith.xori %reduce_max3A_311, %reduce_max3A_309 : vector<16xi32>
        %reduce_max3A_313 = vector.extract %reduce_max3A_312[15] : i32 from vector<16xi32>
        %add3A_314 = arith.addi %scan3A_288, %reduce_max3A_313 : i32
        scf.yield %add3A_314 : i32
      }
      %scan3A_274 = arith.constant 500 : i32
      %add3A_275 = arith.constant 2 : i32
      %add3A_276 = arith.addi %add3A_260, %add3A_275 : i32
      %min3A_277 = arith.constant 39 : i32
      %min3A_278 = arith.minsi %add3A_276, %min3A_277 : i32
      %mul3A_279 = arith.constant 8000 : i32
      %mul3A_280 = arith.muli %min3A_278, %mul3A_279 : i32
      %dma_start3A_281 = tpu.memref_slice %arg3[%mul3A_280] : memref<320000xi32, #tpu.memory_space<hbm>> -> memref<8000xi32, #tpu.memory_space<hbm>>
      %dma_start3A_282 = tpu.memref_slice %arg3[%mul3A_280] : memref<320000xi32, #tpu.memory_space<hbm>> -> memref<8000xi32, #tpu.memory_space<hbm>>
      tpu.enqueue_dma source(%dma_start3A_282 : memref<8000xi32, #tpu.memory_space<hbm>>) target(%arg9 : memref<8000xi32, #tpu.memory_space<vmem>>) target_semaphore(%arg21 : memref<!tpu.dma_semaphore, #tpu.memory_space<semaphore_mem>>)
      %mul3A_283 = arith.constant 8000 : i32
      %mul3A_284 = arith.muli %min3A_278, %mul3A_283 : i32
      %dma_start3A_285 = tpu.memref_slice %arg4[%mul3A_284] : memref<320000xi32, #tpu.memory_space<hbm>> -> memref<8000xi32, #tpu.memory_space<hbm>>
      %dma_start3A_286 = tpu.memref_slice %arg4[%mul3A_284] : memref<320000xi32, #tpu.memory_space<hbm>> -> memref<8000xi32, #tpu.memory_space<hbm>>
      tpu.enqueue_dma source(%dma_start3A_286 : memref<8000xi32, #tpu.memory_space<hbm>>) target(%arg11 : memref<8000xi32, #tpu.memory_space<vmem>>) target_semaphore(%arg23 : memref<!tpu.dma_semaphore, #tpu.memory_space<semaphore_mem>>)
      scf.yield %scan3A_273 : i32
    }
    %scan3A_31 = arith.constant 20 : i32
    %dma_wait3A = arith.constant 0 : i32
    %dma_wait3A_32 = tpu.memref_slice %arg3[%dma_wait3A] : memref<320000xi32, #tpu.memory_space<hbm>> -> memref<8000xi32, #tpu.memory_space<hbm>>
    %dma_wait3A_33 = arith.constant 0 : i32
    %dma_wait3A_34 = tpu.memref_slice %arg3[%dma_wait3A_33] : memref<320000xi32, #tpu.memory_space<hbm>> -> memref<8000xi32, #tpu.memory_space<hbm>>
    tpu.wait_dma2 semaphore(%arg20 : memref<!tpu.dma_semaphore, #tpu.memory_space<semaphore_mem>>) src(%dma_wait3A_34 : memref<8000xi32, #tpu.memory_space<hbm>>) dst(%arg8 : memref<8000xi32, #tpu.memory_space<vmem>>)
    %dma_wait3A_35 = arith.constant 0 : i32
    %dma_wait3A_36 = tpu.memref_slice %arg4[%dma_wait3A_35] : memref<320000xi32, #tpu.memory_space<hbm>> -> memref<8000xi32, #tpu.memory_space<hbm>>
    %dma_wait3A_37 = arith.constant 0 : i32
    %dma_wait3A_38 = tpu.memref_slice %arg4[%dma_wait3A_37] : memref<320000xi32, #tpu.memory_space<hbm>> -> memref<8000xi32, #tpu.memory_space<hbm>>
    tpu.wait_dma2 semaphore(%arg22 : memref<!tpu.dma_semaphore, #tpu.memory_space<semaphore_mem>>) src(%dma_wait3A_38 : memref<8000xi32, #tpu.memory_space<hbm>>) dst(%arg10 : memref<8000xi32, #tpu.memory_space<vmem>>)
    %dma_wait3A_39 = arith.constant 0 : i32
    %dma_wait3A_40 = tpu.memref_slice %arg3[%dma_wait3A_39] : memref<320000xi32, #tpu.memory_space<hbm>> -> memref<8000xi32, #tpu.memory_space<hbm>>
    %dma_wait3A_41 = arith.constant 0 : i32
    %dma_wait3A_42 = tpu.memref_slice %arg3[%dma_wait3A_41] : memref<320000xi32, #tpu.memory_space<hbm>> -> memref<8000xi32, #tpu.memory_space<hbm>>
    tpu.wait_dma2 semaphore(%arg21 : memref<!tpu.dma_semaphore, #tpu.memory_space<semaphore_mem>>) src(%dma_wait3A_42 : memref<8000xi32, #tpu.memory_space<hbm>>) dst(%arg9 : memref<8000xi32, #tpu.memory_space<vmem>>)
    %dma_wait3A_43 = arith.constant 0 : i32
    %dma_wait3A_44 = tpu.memref_slice %arg4[%dma_wait3A_43] : memref<320000xi32, #tpu.memory_space<hbm>> -> memref<8000xi32, #tpu.memory_space<hbm>>
    %dma_wait3A_45 = arith.constant 0 : i32
    %dma_wait3A_46 = tpu.memref_slice %arg4[%dma_wait3A_45] : memref<320000xi32, #tpu.memory_space<hbm>> -> memref<8000xi32, #tpu.memory_space<hbm>>
    tpu.wait_dma2 semaphore(%arg23 : memref<!tpu.dma_semaphore, #tpu.memory_space<semaphore_mem>>) src(%dma_wait3A_46 : memref<8000xi32, #tpu.memory_space<hbm>>) dst(%arg11 : memref<8000xi32, #tpu.memory_space<vmem>>)
    %broadcast_in_dim3A = arith.constant 0 : i32
    %broadcast_in_dim3A_47 = vector.broadcast %broadcast_in_dim3A : i32 to vector<16xi32>
    %broadcast_in_dim3A_48 = arith.constant 328 : i32
    %broadcast_in_dim3A_49 = vector.broadcast %broadcast_in_dim3A_48 : i32 to vector<16xi32>
    %add3A_50 = arith.constant 0 : i32
    %add3A_51 = arith.addi %scan3A_30, %add3A_50 : i32
    %swap3A = arith.index_cast %add3A_51 : i32 to index
    %swap3A_52 = tpu.vector_load %arg12[%swap3A] {strides = array<i32>} : memref<13336xi32, #tpu.memory_space<vmem>>, vector<16xi32>,
    tpu.vector_store %arg12[%swap3A], %broadcast_in_dim3A_47 {strides = array<i32>} : memref<13336xi32, #tpu.memory_space<vmem>>, vector<16xi32>,
    %add3A_53 = arith.constant 0 : i32
    %add3A_54 = arith.addi %scan3A_30, %add3A_53 : i32
    %swap3A_55 = arith.index_cast %add3A_54 : i32 to index
    %swap3A_56 = tpu.vector_load %arg13[%swap3A_55] {strides = array<i32>} : memref<13336xi32, #tpu.memory_space<vmem>>, vector<16xi32>,
    tpu.vector_store %arg13[%swap3A_55], %broadcast_in_dim3A_49 {strides = array<i32>} : memref<13336xi32, #tpu.memory_space<vmem>>, vector<16xi32>,
    %add3A_57 = arith.constant 16 : i32
    %add3A_58 = arith.addi %scan3A_30, %add3A_57 : i32
    %swap3A_59 = arith.index_cast %add3A_58 : i32 to index
    %swap3A_60 = tpu.vector_load %arg12[%swap3A_59] {strides = array<i32>} : memref<13336xi32, #tpu.memory_space<vmem>>, vector<16xi32>,
    tpu.vector_store %arg12[%swap3A_59], %broadcast_in_dim3A_47 {strides = array<i32>} : memref<13336xi32, #tpu.memory_space<vmem>>, vector<16xi32>,
    %add3A_61 = arith.constant 16 : i32
    %add3A_62 = arith.addi %scan3A_30, %add3A_61 : i32
    %swap3A_63 = arith.index_cast %add3A_62 : i32 to index
    %swap3A_64 = tpu.vector_load %arg13[%swap3A_63] {strides = array<i32>} : memref<13336xi32, #tpu.memory_space<vmem>>, vector<16xi32>,
    tpu.vector_store %arg13[%swap3A_63], %broadcast_in_dim3A_49 {strides = array<i32>} : memref<13336xi32, #tpu.memory_space<vmem>>, vector<16xi32>,
    %add3A_65 = arith.constant 32 : i32
    %add3A_66 = arith.addi %scan3A_30, %add3A_65 : i32
    %swap3A_67 = arith.index_cast %add3A_66 : i32 to index
    %swap3A_68 = tpu.vector_load %arg12[%swap3A_67] {strides = array<i32>} : memref<13336xi32, #tpu.memory_space<vmem>>, vector<16xi32>,
    tpu.vector_store %arg12[%swap3A_67], %broadcast_in_dim3A_47 {strides = array<i32>} : memref<13336xi32, #tpu.memory_space<vmem>>, vector<16xi32>,
    %add3A_69 = arith.constant 32 : i32
    %add3A_70 = arith.addi %scan3A_30, %add3A_69 : i32
    %swap3A_71 = arith.index_cast %add3A_70 : i32 to index
    %swap3A_72 = tpu.vector_load %arg13[%swap3A_71] {strides = array<i32>} : memref<13336xi32, #tpu.memory_space<vmem>>, vector<16xi32>,
    tpu.vector_store %arg13[%swap3A_71], %broadcast_in_dim3A_49 {strides = array<i32>} : memref<13336xi32, #tpu.memory_space<vmem>>, vector<16xi32>,
    %add3A_73 = arith.constant 48 : i32
    %add3A_74 = arith.addi %scan3A_30, %add3A_73 : i32
    %swap3A_75 = arith.index_cast %add3A_74 : i32 to index
    %swap3A_76 = tpu.vector_load %arg12[%swap3A_75] {strides = array<i32>} : memref<13336xi32, #tpu.memory_space<vmem>>, vector<16xi32>,
    tpu.vector_store %arg12[%swap3A_75], %broadcast_in_dim3A_47 {strides = array<i32>} : memref<13336xi32, #tpu.memory_space<vmem>>, vector<16xi32>,
    %add3A_77 = arith.constant 48 : i32
    %add3A_78 = arith.addi %scan3A_30, %add3A_77 : i32
    %swap3A_79 = arith.index_cast %add3A_78 : i32 to index
    %swap3A_80 = tpu.vector_load %arg13[%swap3A_79] {strides = array<i32>} : memref<13336xi32, #tpu.memory_space<vmem>>, vector<16xi32>,
    tpu.vector_store %arg13[%swap3A_79], %broadcast_in_dim3A_49 {strides = array<i32>} : memref<13336xi32, #tpu.memory_space<vmem>>, vector<16xi32>,
    %add3A_81 = arith.constant 64 : i32
    %add3A_82 = arith.addi %scan3A_30, %add3A_81 : i32
    %swap3A_83 = arith.index_cast %add3A_82 : i32 to index
    %swap3A_84 = tpu.vector_load %arg12[%swap3A_83] {strides = array<i32>} : memref<13336xi32, #tpu.memory_space<vmem>>, vector<16xi32>,
    tpu.vector_store %arg12[%swap3A_83], %broadcast_in_dim3A_47 {strides = array<i32>} : memref<13336xi32, #tpu.memory_space<vmem>>, vector<16xi32>,
    %add3A_85 = arith.constant 64 : i32
    %add3A_86 = arith.addi %scan3A_30, %add3A_85 : i32
    %swap3A_87 = arith.index_cast %add3A_86 : i32 to index
    %swap3A_88 = tpu.vector_load %arg13[%swap3A_87] {strides = array<i32>} : memref<13336xi32, #tpu.memory_space<vmem>>, vector<16xi32>,
    tpu.vector_store %arg13[%swap3A_87], %broadcast_in_dim3A_49 {strides = array<i32>} : memref<13336xi32, #tpu.memory_space<vmem>>, vector<16xi32>,
    %add3A_89 = arith.constant 80 : i32
    %add3A_90 = arith.addi %scan3A_30, %add3A_89 : i32
    %swap3A_91 = arith.index_cast %add3A_90 : i32 to index
    %swap3A_92 = tpu.vector_load %arg12[%swap3A_91] {strides = array<i32>} : memref<13336xi32, #tpu.memory_space<vmem>>, vector<16xi32>,
    tpu.vector_store %arg12[%swap3A_91], %broadcast_in_dim3A_47 {strides = array<i32>} : memref<13336xi32, #tpu.memory_space<vmem>>, vector<16xi32>,
    %add3A_93 = arith.constant 80 : i32
    %add3A_94 = arith.addi %scan3A_30, %add3A_93 : i32
    %swap3A_95 = arith.index_cast %add3A_94 : i32 to index
    %swap3A_96 = tpu.vector_load %arg13[%swap3A_95] {strides = array<i32>} : memref<13336xi32, #tpu.memory_space<vmem>>, vector<16xi32>,
    tpu.vector_store %arg13[%swap3A_95], %broadcast_in_dim3A_49 {strides = array<i32>} : memref<13336xi32, #tpu.memory_space<vmem>>, vector<16xi32>,
    %add3A_97 = arith.constant 96 : i32
    %add3A_98 = arith.addi %scan3A_30, %add3A_97 : i32
    %swap3A_99 = arith.index_cast %add3A_98 : i32 to index
    %swap3A_100 = tpu.vector_load %arg12[%swap3A_99] {strides = array<i32>} : memref<13336xi32, #tpu.memory_space<vmem>>, vector<16xi32>,
    tpu.vector_store %arg12[%swap3A_99], %broadcast_in_dim3A_47 {strides = array<i32>} : memref<13336xi32, #tpu.memory_space<vmem>>, vector<16xi32>,
    %add3A_101 = arith.constant 96 : i32
    %add3A_102 = arith.addi %scan3A_30, %add3A_101 : i32
    %swap3A_103 = arith.index_cast %add3A_102 : i32 to index
    %swap3A_104 = tpu.vector_load %arg13[%swap3A_103] {strides = array<i32>} : memref<13336xi32, #tpu.memory_space<vmem>>, vector<16xi32>,
    tpu.vector_store %arg13[%swap3A_103], %broadcast_in_dim3A_49 {strides = array<i32>} : memref<13336xi32, #tpu.memory_space<vmem>>, vector<16xi32>,
    %add3A_105 = arith.constant 104 : i32
    %add3A_106 = arith.addi %scan3A_30, %add3A_105 : i32
    %swap3A_107 = arith.index_cast %add3A_106 : i32 to index
    %swap3A_108 = tpu.vector_load %arg12[%swap3A_107] {strides = array<i32>} : memref<13336xi32, #tpu.memory_space<vmem>>, vector<16xi32>,
    tpu.vector_store %arg12[%swap3A_107], %broadcast_in_dim3A_47 {strides = array<i32>} : memref<13336xi32, #tpu.memory_space<vmem>>, vector<16xi32>,
    %add3A_109 = arith.constant 104 : i32
    %add3A_110 = arith.addi %scan3A_30, %add3A_109 : i32
    %swap3A_111 = arith.index_cast %add3A_110 : i32 to index
    %swap3A_112 = tpu.vector_load %arg13[%swap3A_111] {strides = array<i32>} : memref<13336xi32, #tpu.memory_space<vmem>>, vector<16xi32>,
    tpu.vector_store %arg13[%swap3A_111], %broadcast_in_dim3A_49 {strides = array<i32>} : memref<13336xi32, #tpu.memory_space<vmem>>, vector<16xi32>,
    %add3A_113 = arith.constant 119 : i32
    %add3A_114 = arith.addi %scan3A_30, %add3A_113 : i32
    %jit3A_115 = arith.constant 120 : i32
    %div3A = arith.divsi %add3A_114, %jit3A_115 : i32
    %sign3A = arith.constant 0 : i32
    %sign3A_116 = arith.cmpi sgt, %add3A_114, %sign3A : i32
    %sign3A_117 = arith.extui %sign3A_116 : i1 to i32
    %sign3A_118 = arith.constant 0 : i32
    %sign3A_119 = arith.cmpi slt, %add3A_114, %sign3A_118 : i32
    %sign3A_120 = arith.extui %sign3A_119 : i1 to i32
    %sign3A_121 = arith.subi %sign3A_117, %sign3A_120 : i32
    %sign3A_122 = arith.constant 0 : i32
    %sign3A_123 = arith.cmpi sgt, %jit3A_115, %sign3A_122 : i32
    %sign3A_124 = arith.extui %sign3A_123 : i1 to i32
    %sign3A_125 = arith.constant 0 : i32
    %sign3A_126 = arith.cmpi slt, %jit3A_115, %sign3A_125 : i32
    %sign3A_127 = arith.extui %sign3A_126 : i1 to i32
    %sign3A_128 = arith.subi %sign3A_124, %sign3A_127 : i32
    %ne3A = arith.cmpi ne, %sign3A_121, %sign3A_128 : i32
    %rem3A = arith.remsi %add3A_114, %jit3A_115 : i32
    %ne3A_129 = arith.constant 0 : i32
    %ne3A_130 = arith.cmpi ne, %rem3A, %ne3A_129 : i32
    %and3A = arith.andi %ne3A, %ne3A_130 : i1
    %sub3A = arith.constant 1 : i32
    %sub3A_131 = arith.subi %div3A, %sub3A : i32
    %select_n3A_132 = arith.select %and3A, %sub3A_131, %div3A : i32
    %mul3A_133 = arith.constant 3 : i32
    %mul3A_134 = arith.muli %select_n3A_132, %mul3A_133 : i32
    %dma_wait3A_135 = arith.constant 0 : i32
    %dma_wait3A_136 = arith.constant 0 : i32
    %dma_wait3A_137 = tpu.memref_slice %arg6[%dma_wait3A_135, %dma_wait3A_136] : memref<624x128xf32, #tpu.memory_space<hbm>> -> memref<336x128xf32, #tpu.memory_space<hbm>>
    %dma_wait3A_138 = arith.constant 0 : i32
    %dma_wait3A_139 = arith.constant 0 : i32
    %dma_wait3A_140 = tpu.memref_slice %arg6[%dma_wait3A_138, %dma_wait3A_139] : memref<624x128xf32, #tpu.memory_space<hbm>> -> memref<336x128xf32, #tpu.memory_space<hbm>>
    tpu.wait_dma2 semaphore(%arg19 : memref<!tpu.dma_semaphore, #tpu.memory_space<semaphore_mem>>) src(%dma_wait3A_140 : memref<336x128xf32, #tpu.memory_space<hbm>>) dst(%arg18 : memref<336x128xf32, #tpu.memory_space<vmem>>)
    %sub3A_141 = arith.constant 1 : i32
    %sub3A_142 = arith.subi %mul3A_134, %sub3A_141 : i32
    %min3A = arith.constant 0 : i32
    %min3A_143 = arith.minsi %min3A, %sub3A_142 : i32
    %mul3A_144 = arith.constant 40 : i32
    %mul3A_145 = arith.muli %min3A_143, %mul3A_144 : i32
    %dma_start3A_146 = tpu.memref_slice %arg12[%mul3A_145] : memref<13336xi32, #tpu.memory_space<vmem>> -> memref<40xi32, #tpu.memory_space<vmem>>
    %dma_start3A_147 = arith.constant 0 : i32
    %dma_start3A_148 = arith.constant 0 : i32
    %dma_start3A_149 = tpu.memref_slice %arg2[%dma_start3A_147, %dma_start3A_148] : memref<10000x128xf32, #tpu.memory_space<hbm>> -> memref<10000x128xf32, #tpu.memory_space<hbm>>
    tpu.enqueue_indirect_dma source(%dma_start3A_149 : memref<10000x128xf32, #tpu.memory_space<hbm>>) target(%arg15 : memref<40x128xf32, #tpu.memory_space<vmem>>) offsets(%dma_start3A_146 : memref<40xi32, #tpu.memory_space<vmem>>) semaphore(%arg24 : memref<!tpu.dma_semaphore, #tpu.memory_space<semaphore_mem>>)
    %sub3A_150 = arith.constant 1 : i32
    %sub3A_151 = arith.subi %mul3A_134, %sub3A_150 : i32
    %min3A_152 = arith.constant 1 : i32
    %min3A_153 = arith.minsi %min3A_152, %sub3A_151 : i32
    %mul3A_154 = arith.constant 40 : i32
    %mul3A_155 = arith.muli %min3A_153, %mul3A_154 : i32
    %dma_start3A_156 = tpu.memref_slice %arg12[%mul3A_155] : memref<13336xi32, #tpu.memory_space<vmem>> -> memref<40xi32, #tpu.memory_space<vmem>>
    %dma_start3A_157 = arith.constant 0 : i32
    %dma_start3A_158 = arith.constant 0 : i32
    %dma_start3A_159 = tpu.memref_slice %arg2[%dma_start3A_157, %dma_start3A_158] : memref<10000x128xf32, #tpu.memory_space<hbm>> -> memref<10000x128xf32, #tpu.memory_space<hbm>>
    tpu.enqueue_indirect_dma source(%dma_start3A_159 : memref<10000x128xf32, #tpu.memory_space<hbm>>) target(%arg16 : memref<40x128xf32, #tpu.memory_space<vmem>>) offsets(%dma_start3A_156 : memref<40xi32, #tpu.memory_space<vmem>>) semaphore(%arg25 : memref<!tpu.dma_semaphore, #tpu.memory_space<semaphore_mem>>)
    %sub3A_160 = arith.constant 1 : i32
    %sub3A_161 = arith.subi %mul3A_134, %sub3A_160 : i32
    %min3A_162 = arith.constant 2 : i32
    %min3A_163 = arith.minsi %min3A_162, %sub3A_161 : i32
    %mul3A_164 = arith.constant 40 : i32
    %mul3A_165 = arith.muli %min3A_163, %mul3A_164 : i32
    %dma_start3A_166 = tpu.memref_slice %arg12[%mul3A_165] : memref<13336xi32, #tpu.memory_space<vmem>> -> memref<40xi32, #tpu.memory_space<vmem>>
    %dma_start3A_167 = arith.constant 0 : i32
    %dma_start3A_168 = arith.constant 0 : i32
    %dma_start3A_169 = tpu.memref_slice %arg2[%dma_start3A_167, %dma_start3A_168] : memref<10000x128xf32, #tpu.memory_space<hbm>> -> memref<10000x128xf32, #tpu.memory_space<hbm>>
    tpu.enqueue_indirect_dma source(%dma_start3A_169 : memref<10000x128xf32, #tpu.memory_space<hbm>>) target(%arg17 : memref<40x128xf32, #tpu.memory_space<vmem>>) offsets(%dma_start3A_166 : memref<40xi32, #tpu.memory_space<vmem>>) semaphore(%arg26 : memref<!tpu.dma_semaphore, #tpu.memory_space<semaphore_mem>>)
    %jit3A_170 = arith.constant 3 : i32
    %div3A_171 = arith.divsi %mul3A_134, %jit3A_170 : i32
    %sign3A_172 = arith.constant 0 : i32
    %sign3A_173 = arith.cmpi sgt, %mul3A_134, %sign3A_172 : i32
    %sign3A_174 = arith.extui %sign3A_173 : i1 to i32
    %sign3A_175 = arith.constant 0 : i32
    %sign3A_176 = arith.cmpi slt, %mul3A_134, %sign3A_175 : i32
    %sign3A_177 = arith.extui %sign3A_176 : i1 to i32
    %sign3A_178 = arith.subi %sign3A_174, %sign3A_177 : i32
    %sign3A_179 = arith.constant 0 : i32
    %sign3A_180 = arith.cmpi sgt, %jit3A_170, %sign3A_179 : i32
    %sign3A_181 = arith.extui %sign3A_180 : i1 to i32
    %sign3A_182 = arith.constant 0 : i32
    %sign3A_183 = arith.cmpi slt, %jit3A_170, %sign3A_182 : i32
    %sign3A_184 = arith.extui %sign3A_183 : i1 to i32
    %sign3A_185 = arith.subi %sign3A_181, %sign3A_184 : i32
    %ne3A_186 = arith.cmpi ne, %sign3A_178, %sign3A_185 : i32
    %rem3A_187 = arith.remsi %mul3A_134, %jit3A_170 : i32
    %ne3A_188 = arith.constant 0 : i32
    %ne3A_189 = arith.cmpi ne, %rem3A_187, %ne3A_188 : i32
    %and3A_190 = arith.andi %ne3A_186, %ne3A_189 : i1
    %sub3A_191 = arith.constant 1 : i32
    %sub3A_192 = arith.subi %div3A_171, %sub3A_191 : i32
    %select_n3A_193 = arith.select %and3A_190, %sub3A_192, %div3A_171 : i32
    %while3A = arith.constant 0 : i32
    %while3A_194 = arith.constant 0 : i32
    %while3A_195 = arith.subi %select_n3A_193, %while3A_194 : i32
    %while3A_196 = arith.addi %while3A_194, %while3A_195 : i32
    %while3A_197 = arith.constant 1 : i32
    %while3A_198 = arith.divsi %while3A_195, %while3A_197 : i32
    %while3A_199 = arith.muli %while3A_198, %while3A_197 : i32
    %while3A_200 = arith.addi %while3A_194, %while3A_199 : i32
    %while3A_201 = arith.constant 1 : i32
    scf.for %while3A_225 = %while3A_194 to %while3A_200 step %while3A_201  : i32 {
      %mul3A_226 = arith.constant 3 : i32
      %mul3A_227 = arith.muli %while3A_225, %mul3A_226 : i32
      %add3A_228 = arith.constant 0 : i32
      %add3A_229 = arith.addi %mul3A_227, %add3A_228 : i32
      %dma_wait3A_230 = arith.constant 0 : i32
      %dma_wait3A_231 = tpu.memref_slice %arg12[%dma_wait3A_230] : memref<13336xi32, #tpu.memory_space<vmem>> -> memref<40xi32, #tpu.memory_space<vmem>>
      %dma_wait3A_232 = arith.constant 0 : i32
      %dma_wait3A_233 = arith.constant 0 : i32
      %dma_wait3A_234 = tpu.memref_slice %arg2[%dma_wait3A_232, %dma_wait3A_233] : memref<10000x128xf32, #tpu.memory_space<hbm>> -> memref<10000x128xf32, #tpu.memory_space<hbm>>
      tpu.wait_indirect_dma semaphore(%arg24 : memref<!tpu.dma_semaphore, #tpu.memory_space<semaphore_mem>>) src(%dma_wait3A_234 : memref<10000x128xf32, #tpu.memory_space<hbm>>) dst(%arg15 : memref<40x128xf32, #tpu.memory_space<vmem>>)
      %scan3A_235 = arith.constant 0 : i32
      %scan3A_236 = arith.constant 0 : i32
      %scan3A_237 = arith.constant 40 : i32
      %scan3A_238 = arith.addi %scan3A_236, %scan3A_237 : i32
      %scan3A_239 = arith.constant 1 : i32
      scf.for %scan3A_304 = %scan3A_236 to %scan3A_238 step %scan3A_239  : i32 {
        %mul3A_305 = arith.constant 40 : i32
        %mul3A_306 = arith.muli %add3A_229, %mul3A_305 : i32
        %add3A_307 = arith.addi %mul3A_306, %scan3A_304 : i32
        %get3A = arith.index_cast %add3A_307 : i32 to index
        %get3A_308 = tpu.vector_load %arg12[%get3A] {strides = array<i32>} : memref<13336xi32, #tpu.memory_space<vmem>>, vector<16xi32>,
        %slice3A = vector.extract_strided_slice %get3A_308 {offsets = [0], sizes = [1], strides = [1]} : vector<16xi32> to vector<1xi32>
        %squeeze3A = vector.extract %slice3A[0] : i32 from vector<1xi32>
        %get3A_309 = arith.index_cast %add3A_307 : i32 to index
        %get3A_310 = tpu.vector_load %arg13[%get3A_309] {strides = array<i32>} : memref<13336xi32, #tpu.memory_space<vmem>>, vector<16xi32>,
        %slice3A_311 = vector.extract_strided_slice %get3A_310 {offsets = [0], sizes = [1], strides = [1]} : vector<16xi32> to vector<1xi32>
        %squeeze3A_312 = vector.extract %slice3A_311[0] : i32 from vector<1xi32>
        %get3A_313 = arith.index_cast %squeeze3A : i32 to index
        %get3A_314 = tpu.vector_load %arg14[%get3A_313] {strides = array<i32>} : memref<10016xf32, #tpu.memory_space<vmem>>, vector<16xf32>,
        %slice3A_315 = vector.extract_strided_slice %get3A_314 {offsets = [0], sizes = [1], strides = [1]} : vector<16xf32> to vector<1xf32>
        %squeeze3A_316 = vector.extract %slice3A_315[0] : f32 from vector<1xf32>
        %add3A_317 = arith.addi %mul3A_2, %squeeze3A_312 : i32
        %get3A_318 = arith.index_cast %add3A_317 : i32 to index
        %get3A_319 = tpu.vector_load %arg14[%get3A_318] {strides = array<i32>} : memref<10016xf32, #tpu.memory_space<vmem>>, vector<16xf32>,
        %slice3A_320 = vector.extract_strided_slice %get3A_319 {offsets = [0], sizes = [1], strides = [1]} : vector<16xf32> to vector<1xf32>
        %squeeze3A_321 = vector.extract %slice3A_320[0] : f32 from vector<1xf32>
        %mul3A_322 = arith.mulf %squeeze3A_316, %squeeze3A_321 : f32
        %get3A_323 = arith.index_cast %squeeze3A_312 : i32 to index
        %get3A_324 = arith.constant 0 : index
        %get3A_325 = tpu.vector_load %arg18[%get3A_323, %get3A_324] {strides = array<i32>} : memref<336x128xf32, #tpu.memory_space<vmem>>, vector<16xf32>,
        %get3A_326 = arith.index_cast %scan3A_304 : i32 to index
        %get3A_327 = arith.constant 0 : index
        %get3A_328 = tpu.vector_load %arg15[%get3A_326, %get3A_327] {strides = array<i32>} : memref<40x128xf32, #tpu.memory_space<vmem>>, vector<16xf32>,
        %mul3A_329 = vector.broadcast %mul3A_322 : f32 to vector<16xf32>
        %mul3A_330 = arith.mulf %get3A_328, %mul3A_329 : vector<16xf32>
        %add3A_331 = arith.addf %get3A_325, %mul3A_330 : vector<16xf32>
        %swap3A_332 = arith.index_cast %squeeze3A_312 : i32 to index
        %swap3A_333 = arith.constant 0 : index
        %swap3A_334 = tpu.vector_load %arg18[%swap3A_332, %swap3A_333] {strides = array<i32>} : memref<336x128xf32, #tpu.memory_space<vmem>>, vector<16xf32>,
        tpu.vector_store %arg18[%swap3A_332, %swap3A_333], %add3A_331 {strides = array<i32>} : memref<336x128xf32, #tpu.memory_space<vmem>>, vector<16xf32>,
        %get3A_335 = arith.index_cast %squeeze3A_312 : i32 to index
        %get3A_336 = arith.constant 16 : index
        %get3A_337 = tpu.vector_load %arg18[%get3A_335, %get3A_336] {strides = array<i32>} : memref<336x128xf32, #tpu.memory_space<vmem>>, vector<16xf32>,
        %get3A_338 = arith.index_cast %scan3A_304 : i32 to index
        %get3A_339 = arith.constant 16 : index
        %get3A_340 = tpu.vector_load %arg15[%get3A_338, %get3A_339] {strides = array<i32>} : memref<40x128xf32, #tpu.memory_space<vmem>>, vector<16xf32>,
        %mul3A_341 = vector.broadcast %mul3A_322 : f32 to vector<16xf32>
        %mul3A_342 = arith.mulf %get3A_340, %mul3A_341 : vector<16xf32>
        %add3A_343 = arith.addf %get3A_337, %mul3A_342 : vector<16xf32>
        %swap3A_344 = arith.index_cast %squeeze3A_312 : i32 to index
        %swap3A_345 = arith.constant 16 : index
        %swap3A_346 = tpu.vector_load %arg18[%swap3A_344, %swap3A_345] {strides = array<i32>} : memref<336x128xf32, #tpu.memory_space<vmem>>, vector<16xf32>,
        tpu.vector_store %arg18[%swap3A_344, %swap3A_345], %add3A_343 {strides = array<i32>} : memref<336x128xf32, #tpu.memory_space<vmem>>, vector<16xf32>,
        %get3A_347 = arith.index_cast %squeeze3A_312 : i32 to index
        %get3A_348 = arith.constant 32 : index
        %get3A_349 = tpu.vector_load %arg18[%get3A_347, %get3A_348] {strides = array<i32>} : memref<336x128xf32, #tpu.memory_space<vmem>>, vector<16xf32>,
        %get3A_350 = arith.index_cast %scan3A_304 : i32 to index
        %get3A_351 = arith.constant 32 : index
        %get3A_352 = tpu.vector_load %arg15[%get3A_350, %get3A_351] {strides = array<i32>} : memref<40x128xf32, #tpu.memory_space<vmem>>, vector<16xf32>,
        %mul3A_353 = vector.broadcast %mul3A_322 : f32 to vector<16xf32>
        %mul3A_354 = arith.mulf %get3A_352, %mul3A_353 : vector<16xf32>
        %add3A_355 = arith.addf %get3A_349, %mul3A_354 : vector<16xf32>
        %swap3A_356 = arith.index_cast %squeeze3A_312 : i32 to index
        %swap3A_357 = arith.constant 32 : index
        %swap3A_358 = tpu.vector_load %arg18[%swap3A_356, %swap3A_357] {strides = array<i32>} : memref<336x128xf32, #tpu.memory_space<vmem>>, vector<16xf32>,
        tpu.vector_store %arg18[%swap3A_356, %swap3A_357], %add3A_355 {strides = array<i32>} : memref<336x128xf32, #tpu.memory_space<vmem>>, vector<16xf32>,
        %get3A_359 = arith.index_cast %squeeze3A_312 : i32 to index
        %get3A_360 = arith.constant 48 : index
        %get3A_361 = tpu.vector_load %arg18[%get3A_359, %get3A_360] {strides = array<i32>} : memref<336x128xf32, #tpu.memory_space<vmem>>, vector<16xf32>,
        %get3A_362 = arith.index_cast %scan3A_304 : i32 to index
        %get3A_363 = arith.constant 48 : index
        %get3A_364 = tpu.vector_load %arg15[%get3A_362, %get3A_363] {strides = array<i32>} : memref<40x128xf32, #tpu.memory_space<vmem>>, vector<16xf32>,
        %mul3A_365 = vector.broadcast %mul3A_322 : f32 to vector<16xf32>
        %mul3A_366 = arith.mulf %get3A_364, %mul3A_365 : vector<16xf32>
        %add3A_367 = arith.addf %get3A_361, %mul3A_366 : vector<16xf32>
        %swap3A_368 = arith.index_cast %squeeze3A_312 : i32 to index
        %swap3A_369 = arith.constant 48 : index
        %swap3A_370 = tpu.vector_load %arg18[%swap3A_368, %swap3A_369] {strides = array<i32>} : memref<336x128xf32, #tpu.memory_space<vmem>>, vector<16xf32>,
        tpu.vector_store %arg18[%swap3A_368, %swap3A_369], %add3A_367 {strides = array<i32>} : memref<336x128xf32, #tpu.memory_space<vmem>>, vector<16xf32>,
        %get3A_371 = arith.index_cast %squeeze3A_312 : i32 to index
        %get3A_372 = arith.constant 64 : index
        %get3A_373 = tpu.vector_load %arg18[%get3A_371, %get3A_372] {strides = array<i32>} : memref<336x128xf32, #tpu.memory_space<vmem>>, vector<16xf32>,
        %get3A_374 = arith.index_cast %scan3A_304 : i32 to index
        %get3A_375 = arith.constant 64 : index
        %get3A_376 = tpu.vector_load %arg15[%get3A_374, %get3A_375] {strides = array<i32>} : memref<40x128xf32, #tpu.memory_space<vmem>>, vector<16xf32>,
        %mul3A_377 = vector.broadcast %mul3A_322 : f32 to vector<16xf32>
        %mul3A_378 = arith.mulf %get3A_376, %mul3A_377 : vector<16xf32>
        %add3A_379 = arith.addf %get3A_373, %mul3A_378 : vector<16xf32>
        %swap3A_380 = arith.index_cast %squeeze3A_312 : i32 to index
        %swap3A_381 = arith.constant 64 : index
        %swap3A_382 = tpu.vector_load %arg18[%swap3A_380, %swap3A_381] {strides = array<i32>} : memref<336x128xf32, #tpu.memory_space<vmem>>, vector<16xf32>,
        tpu.vector_store %arg18[%swap3A_380, %swap3A_381], %add3A_379 {strides = array<i32>} : memref<336x128xf32, #tpu.memory_space<vmem>>, vector<16xf32>,
        %get3A_383 = arith.index_cast %squeeze3A_312 : i32 to index
        %get3A_384 = arith.constant 80 : index
        %get3A_385 = tpu.vector_load %arg18[%get3A_383, %get3A_384] {strides = array<i32>} : memref<336x128xf32, #tpu.memory_space<vmem>>, vector<16xf32>,
        %get3A_386 = arith.index_cast %scan3A_304 : i32 to index
        %get3A_387 = arith.constant 80 : index
        %get3A_388 = tpu.vector_load %arg15[%get3A_386, %get3A_387] {strides = array<i32>} : memref<40x128xf32, #tpu.memory_space<vmem>>, vector<16xf32>,
        %mul3A_389 = vector.broadcast %mul3A_322 : f32 to vector<16xf32>
        %mul3A_390 = arith.mulf %get3A_388, %mul3A_389 : vector<16xf32>
        %add3A_391 = arith.addf %get3A_385, %mul3A_390 : vector<16xf32>
        %swap3A_392 = arith.index_cast %squeeze3A_312 : i32 to index
        %swap3A_393 = arith.constant 80 : index
        %swap3A_394 = tpu.vector_load %arg18[%swap3A_392, %swap3A_393] {strides = array<i32>} : memref<336x128xf32, #tpu.memory_space<vmem>>, vector<16xf32>,
        tpu.vector_store %arg18[%swap3A_392, %swap3A_393], %add3A_391 {strides = array<i32>} : memref<336x128xf32, #tpu.memory_space<vmem>>, vector<16xf32>,
        %get3A_395 = arith.index_cast %squeeze3A_312 : i32 to index
        %get3A_396 = arith.constant 96 : index
        %get3A_397 = tpu.vector_load %arg18[%get3A_395, %get3A_396] {strides = array<i32>} : memref<336x128xf32, #tpu.memory_space<vmem>>, vector<16xf32>,
        %get3A_398 = arith.index_cast %scan3A_304 : i32 to index
        %get3A_399 = arith.constant 96 : index
        %get3A_400 = tpu.vector_load %arg15[%get3A_398, %get3A_399] {strides = array<i32>} : memref<40x128xf32, #tpu.memory_space<vmem>>, vector<16xf32>,
        %mul3A_401 = vector.broadcast %mul3A_322 : f32 to vector<16xf32>
        %mul3A_402 = arith.mulf %get3A_400, %mul3A_401 : vector<16xf32>
        %add3A_403 = arith.addf %get3A_397, %mul3A_402 : vector<16xf32>
        %swap3A_404 = arith.index_cast %squeeze3A_312 : i32 to index
        %swap3A_405 = arith.constant 96 : index
        %swap3A_406 = tpu.vector_load %arg18[%swap3A_404, %swap3A_405] {strides = array<i32>} : memref<336x128xf32, #tpu.memory_space<vmem>>, vector<16xf32>,
        tpu.vector_store %arg18[%swap3A_404, %swap3A_405], %add3A_403 {strides = array<i32>} : memref<336x128xf32, #tpu.memory_space<vmem>>, vector<16xf32>,
        %get3A_407 = arith.index_cast %squeeze3A_312 : i32 to index
        %get3A_408 = arith.constant 112 : index
        %get3A_409 = tpu.vector_load %arg18[%get3A_407, %get3A_408] {strides = array<i32>} : memref<336x128xf32, #tpu.memory_space<vmem>>, vector<16xf32>,
        %get3A_410 = arith.index_cast %scan3A_304 : i32 to index
        %get3A_411 = arith.constant 112 : index
        %get3A_412 = tpu.vector_load %arg15[%get3A_410, %get3A_411] {strides = array<i32>} : memref<40x128xf32, #tpu.memory_space<vmem>>, vector<16xf32>,
        %mul3A_413 = vector.broadcast %mul3A_322 : f32 to vector<16xf32>
        %mul3A_414 = arith.mulf %get3A_412, %mul3A_413 : vector<16xf32>
        %add3A_415 = arith.addf %get3A_409, %mul3A_414 : vector<16xf32>
        %swap3A_416 = arith.index_cast %squeeze3A_312 : i32 to index
        %swap3A_417 = arith.constant 112 : index
        %swap3A_418 = tpu.vector_load %arg18[%swap3A_416, %swap3A_417] {strides = array<i32>} : memref<336x128xf32, #tpu.memory_space<vmem>>, vector<16xf32>,
        tpu.vector_store %arg18[%swap3A_416, %swap3A_417], %add3A_415 {strides = array<i32>} : memref<336x128xf32, #tpu.memory_space<vmem>>, vector<16xf32>,
      }
      %scan3A_240 = arith.constant 40 : i32
      %add3A_241 = arith.constant 3 : i32
      %add3A_242 = arith.addi %add3A_229, %add3A_241 : i32
      %sub3A_243 = arith.constant 1 : i32
      %sub3A_244 = arith.subi %mul3A_134, %sub3A_243 : i32
      %min3A_245 = arith.minsi %add3A_242, %sub3A_244 : i32
      %mul3A_246 = arith.constant 40 : i32
      %mul3A_247 = arith.muli %min3A_245, %mul3A_246 : i32
      %dma_start3A_248 = tpu.memref_slice %arg12[%mul3A_247] : memref<13336xi32, #tpu.memory_space<vmem>> -> memref<40xi32, #tpu.memory_space<vmem>>
      %dma_start3A_249 = arith.constant 0 : i32
      %dma_start3A_250 = arith.constant 0 : i32
      %dma_start3A_251 = tpu.memref_slice %arg2[%dma_start3A_249, %dma_start3A_250] : memref<10000x128xf32, #tpu.memory_space<hbm>> -> memref<10000x128xf32, #tpu.memory_space<hbm>>
      tpu.enqueue_indirect_dma source(%dma_start3A_251 : memref<10000x128xf32, #tpu.memory_space<hbm>>) target(%arg15 : memref<40x128xf32, #tpu.memory_space<vmem>>) offsets(%dma_start3A_248 : memref<40xi32, #tpu.memory_space<vmem>>) semaphore(%arg24 : memref<!tpu.dma_semaphore, #tpu.memory_space<semaphore_mem>>)
      %mul3A_252 = arith.constant 3 : i32
      %mul3A_253 = arith.muli %while3A_225, %mul3A_252 : i32
      %add3A_254 = arith.constant 1 : i32
      %add3A_255 = arith.addi %mul3A_253, %add3A_254 : i32
      %dma_wait3A_256 = arith.constant 0 : i32
      %dma_wait3A_257 = tpu.memref_slice %arg12[%dma_wait3A_256] : memref<13336xi32, #tpu.memory_space<vmem>> -> memref<40xi32, #tpu.memory_space<vmem>>
      %dma_wait3A_258 = arith.constant 0 : i32
      %dma_wait3A_259 = arith.constant 0 : i32
      %dma_wait3A_260 = tpu.memref_slice %arg2[%dma_wait3A_258, %dma_wait3A_259] : memref<10000x128xf32, #tpu.memory_space<hbm>> -> memref<10000x128xf32, #tpu.memory_space<hbm>>
      tpu.wait_indirect_dma semaphore(%arg25 : memref<!tpu.dma_semaphore, #tpu.memory_space<semaphore_mem>>) src(%dma_wait3A_260 : memref<10000x128xf32, #tpu.memory_space<hbm>>) dst(%arg16 : memref<40x128xf32, #tpu.memory_space<vmem>>)
      %scan3A_261 = arith.constant 0 : i32
      %scan3A_262 = arith.constant 0 : i32
      %scan3A_263 = arith.constant 40 : i32
      %scan3A_264 = arith.addi %scan3A_262, %scan3A_263 : i32
      %scan3A_265 = arith.constant 1 : i32
      scf.for %scan3A_304 = %scan3A_262 to %scan3A_264 step %scan3A_265  : i32 {
        %mul3A_305 = arith.constant 40 : i32
        %mul3A_306 = arith.muli %add3A_255, %mul3A_305 : i32
        %add3A_307 = arith.addi %mul3A_306, %scan3A_304 : i32
        %get3A = arith.index_cast %add3A_307 : i32 to index
        %get3A_308 = tpu.vector_load %arg12[%get3A] {strides = array<i32>} : memref<13336xi32, #tpu.memory_space<vmem>>, vector<16xi32>,
        %slice3A = vector.extract_strided_slice %get3A_308 {offsets = [0], sizes = [1], strides = [1]} : vector<16xi32> to vector<1xi32>
        %squeeze3A = vector.extract %slice3A[0] : i32 from vector<1xi32>
        %get3A_309 = arith.index_cast %add3A_307 : i32 to index
        %get3A_310 = tpu.vector_load %arg13[%get3A_309] {strides = array<i32>} : memref<13336xi32, #tpu.memory_space<vmem>>, vector<16xi32>,
        %slice3A_311 = vector.extract_strided_slice %get3A_310 {offsets = [0], sizes = [1], strides = [1]} : vector<16xi32> to vector<1xi32>
        %squeeze3A_312 = vector.extract %slice3A_311[0] : i32 from vector<1xi32>
        %get3A_313 = arith.index_cast %squeeze3A : i32 to index
        %get3A_314 = tpu.vector_load %arg14[%get3A_313] {strides = array<i32>} : memref<10016xf32, #tpu.memory_space<vmem>>, vector<16xf32>,
        %slice3A_315 = vector.extract_strided_slice %get3A_314 {offsets = [0], sizes = [1], strides = [1]} : vector<16xf32> to vector<1xf32>
        %squeeze3A_316 = vector.extract %slice3A_315[0] : f32 from vector<1xf32>
        %add3A_317 = arith.addi %mul3A_2, %squeeze3A_312 : i32
        %get3A_318 = arith.index_cast %add3A_317 : i32 to index
        %get3A_319 = tpu.vector_load %arg14[%get3A_318] {strides = array<i32>} : memref<10016xf32, #tpu.memory_space<vmem>>, vector<16xf32>,
        %slice3A_320 = vector.extract_strided_slice %get3A_319 {offsets = [0], sizes = [1], strides = [1]} : vector<16xf32> to vector<1xf32>
        %squeeze3A_321 = vector.extract %slice3A_320[0] : f32 from vector<1xf32>
        %mul3A_322 = arith.mulf %squeeze3A_316, %squeeze3A_321 : f32
        %get3A_323 = arith.index_cast %squeeze3A_312 : i32 to index
        %get3A_324 = arith.constant 0 : index
        %get3A_325 = tpu.vector_load %arg18[%get3A_323, %get3A_324] {strides = array<i32>} : memref<336x128xf32, #tpu.memory_space<vmem>>, vector<16xf32>,
        %get3A_326 = arith.index_cast %scan3A_304 : i32 to index
        %get3A_327 = arith.constant 0 : index
        %get3A_328 = tpu.vector_load %arg16[%get3A_326, %get3A_327] {strides = array<i32>} : memref<40x128xf32, #tpu.memory_space<vmem>>, vector<16xf32>,
        %mul3A_329 = vector.broadcast %mul3A_322 : f32 to vector<16xf32>
        %mul3A_330 = arith.mulf %get3A_328, %mul3A_329 : vector<16xf32>
        %add3A_331 = arith.addf %get3A_325, %mul3A_330 : vector<16xf32>
        %swap3A_332 = arith.index_cast %squeeze3A_312 : i32 to index
        %swap3A_333 = arith.constant 0 : index
        %swap3A_334 = tpu.vector_load %arg18[%swap3A_332, %swap3A_333] {strides = array<i32>} : memref<336x128xf32, #tpu.memory_space<vmem>>, vector<16xf32>,
        tpu.vector_store %arg18[%swap3A_332, %swap3A_333], %add3A_331 {strides = array<i32>} : memref<336x128xf32, #tpu.memory_space<vmem>>, vector<16xf32>,
        %get3A_335 = arith.index_cast %squeeze3A_312 : i32 to index
        %get3A_336 = arith.constant 16 : index
        %get3A_337 = tpu.vector_load %arg18[%get3A_335, %get3A_336] {strides = array<i32>} : memref<336x128xf32, #tpu.memory_space<vmem>>, vector<16xf32>,
        %get3A_338 = arith.index_cast %scan3A_304 : i32 to index
        %get3A_339 = arith.constant 16 : index
        %get3A_340 = tpu.vector_load %arg16[%get3A_338, %get3A_339] {strides = array<i32>} : memref<40x128xf32, #tpu.memory_space<vmem>>, vector<16xf32>,
        %mul3A_341 = vector.broadcast %mul3A_322 : f32 to vector<16xf32>
        %mul3A_342 = arith.mulf %get3A_340, %mul3A_341 : vector<16xf32>
        %add3A_343 = arith.addf %get3A_337, %mul3A_342 : vector<16xf32>
        %swap3A_344 = arith.index_cast %squeeze3A_312 : i32 to index
        %swap3A_345 = arith.constant 16 : index
        %swap3A_346 = tpu.vector_load %arg18[%swap3A_344, %swap3A_345] {strides = array<i32>} : memref<336x128xf32, #tpu.memory_space<vmem>>, vector<16xf32>,
        tpu.vector_store %arg18[%swap3A_344, %swap3A_345], %add3A_343 {strides = array<i32>} : memref<336x128xf32, #tpu.memory_space<vmem>>, vector<16xf32>,
        %get3A_347 = arith.index_cast %squeeze3A_312 : i32 to index
        %get3A_348 = arith.constant 32 : index
        %get3A_349 = tpu.vector_load %arg18[%get3A_347, %get3A_348] {strides = array<i32>} : memref<336x128xf32, #tpu.memory_space<vmem>>, vector<16xf32>,
        %get3A_350 = arith.index_cast %scan3A_304 : i32 to index
        %get3A_351 = arith.constant 32 : index
        %get3A_352 = tpu.vector_load %arg16[%get3A_350, %get3A_351] {strides = array<i32>} : memref<40x128xf32, #tpu.memory_space<vmem>>, vector<16xf32>,
        %mul3A_353 = vector.broadcast %mul3A_322 : f32 to vector<16xf32>
        %mul3A_354 = arith.mulf %get3A_352, %mul3A_353 : vector<16xf32>
        %add3A_355 = arith.addf %get3A_349, %mul3A_354 : vector<16xf32>
        %swap3A_356 = arith.index_cast %squeeze3A_312 : i32 to index
        %swap3A_357 = arith.constant 32 : index
        %swap3A_358 = tpu.vector_load %arg18[%swap3A_356, %swap3A_357] {strides = array<i32>} : memref<336x128xf32, #tpu.memory_space<vmem>>, vector<16xf32>,
        tpu.vector_store %arg18[%swap3A_356, %swap3A_357], %add3A_355 {strides = array<i32>} : memref<336x128xf32, #tpu.memory_space<vmem>>, vector<16xf32>,
        %get3A_359 = arith.index_cast %squeeze3A_312 : i32 to index
        %get3A_360 = arith.constant 48 : index
        %get3A_361 = tpu.vector_load %arg18[%get3A_359, %get3A_360] {strides = array<i32>} : memref<336x128xf32, #tpu.memory_space<vmem>>, vector<16xf32>,
        %get3A_362 = arith.index_cast %scan3A_304 : i32 to index
        %get3A_363 = arith.constant 48 : index
        %get3A_364 = tpu.vector_load %arg16[%get3A_362, %get3A_363] {strides = array<i32>} : memref<40x128xf32, #tpu.memory_space<vmem>>, vector<16xf32>,
        %mul3A_365 = vector.broadcast %mul3A_322 : f32 to vector<16xf32>
        %mul3A_366 = arith.mulf %get3A_364, %mul3A_365 : vector<16xf32>
        %add3A_367 = arith.addf %get3A_361, %mul3A_366 : vector<16xf32>
        %swap3A_368 = arith.index_cast %squeeze3A_312 : i32 to index
        %swap3A_369 = arith.constant 48 : index
        %swap3A_370 = tpu.vector_load %arg18[%swap3A_368, %swap3A_369] {strides = array<i32>} : memref<336x128xf32, #tpu.memory_space<vmem>>, vector<16xf32>,
        tpu.vector_store %arg18[%swap3A_368, %swap3A_369], %add3A_367 {strides = array<i32>} : memref<336x128xf32, #tpu.memory_space<vmem>>, vector<16xf32>,
        %get3A_371 = arith.index_cast %squeeze3A_312 : i32 to index
        %get3A_372 = arith.constant 64 : index
        %get3A_373 = tpu.vector_load %arg18[%get3A_371, %get3A_372] {strides = array<i32>} : memref<336x128xf32, #tpu.memory_space<vmem>>, vector<16xf32>,
        %get3A_374 = arith.index_cast %scan3A_304 : i32 to index
        %get3A_375 = arith.constant 64 : index
        %get3A_376 = tpu.vector_load %arg16[%get3A_374, %get3A_375] {strides = array<i32>} : memref<40x128xf32, #tpu.memory_space<vmem>>, vector<16xf32>,
        %mul3A_377 = vector.broadcast %mul3A_322 : f32 to vector<16xf32>
        %mul3A_378 = arith.mulf %get3A_376, %mul3A_377 : vector<16xf32>
        %add3A_379 = arith.addf %get3A_373, %mul3A_378 : vector<16xf32>
        %swap3A_380 = arith.index_cast %squeeze3A_312 : i32 to index
        %swap3A_381 = arith.constant 64 : index
        %swap3A_382 = tpu.vector_load %arg18[%swap3A_380, %swap3A_381] {strides = array<i32>} : memref<336x128xf32, #tpu.memory_space<vmem>>, vector<16xf32>,
        tpu.vector_store %arg18[%swap3A_380, %swap3A_381], %add3A_379 {strides = array<i32>} : memref<336x128xf32, #tpu.memory_space<vmem>>, vector<16xf32>,
        %get3A_383 = arith.index_cast %squeeze3A_312 : i32 to index
        %get3A_384 = arith.constant 80 : index
        %get3A_385 = tpu.vector_load %arg18[%get3A_383, %get3A_384] {strides = array<i32>} : memref<336x128xf32, #tpu.memory_space<vmem>>, vector<16xf32>,
        %get3A_386 = arith.index_cast %scan3A_304 : i32 to index
        %get3A_387 = arith.constant 80 : index
        %get3A_388 = tpu.vector_load %arg16[%get3A_386, %get3A_387] {strides = array<i32>} : memref<40x128xf32, #tpu.memory_space<vmem>>, vector<16xf32>,
        %mul3A_389 = vector.broadcast %mul3A_322 : f32 to vector<16xf32>
        %mul3A_390 = arith.mulf %get3A_388, %mul3A_389 : vector<16xf32>
        %add3A_391 = arith.addf %get3A_385, %mul3A_390 : vector<16xf32>
        %swap3A_392 = arith.index_cast %squeeze3A_312 : i32 to index
        %swap3A_393 = arith.constant 80 : index
        %swap3A_394 = tpu.vector_load %arg18[%swap3A_392, %swap3A_393] {strides = array<i32>} : memref<336x128xf32, #tpu.memory_space<vmem>>, vector<16xf32>,
        tpu.vector_store %arg18[%swap3A_392, %swap3A_393], %add3A_391 {strides = array<i32>} : memref<336x128xf32, #tpu.memory_space<vmem>>, vector<16xf32>,
        %get3A_395 = arith.index_cast %squeeze3A_312 : i32 to index
        %get3A_396 = arith.constant 96 : index
        %get3A_397 = tpu.vector_load %arg18[%get3A_395, %get3A_396] {strides = array<i32>} : memref<336x128xf32, #tpu.memory_space<vmem>>, vector<16xf32>,
        %get3A_398 = arith.index_cast %scan3A_304 : i32 to index
        %get3A_399 = arith.constant 96 : index
        %get3A_400 = tpu.vector_load %arg16[%get3A_398, %get3A_399] {strides = array<i32>} : memref<40x128xf32, #tpu.memory_space<vmem>>, vector<16xf32>,
        %mul3A_401 = vector.broadcast %mul3A_322 : f32 to vector<16xf32>
        %mul3A_402 = arith.mulf %get3A_400, %mul3A_401 : vector<16xf32>
        %add3A_403 = arith.addf %get3A_397, %mul3A_402 : vector<16xf32>
        %swap3A_404 = arith.index_cast %squeeze3A_312 : i32 to index
        %swap3A_405 = arith.constant 96 : index
        %swap3A_406 = tpu.vector_load %arg18[%swap3A_404, %swap3A_405] {strides = array<i32>} : memref<336x128xf32, #tpu.memory_space<vmem>>, vector<16xf32>,
        tpu.vector_store %arg18[%swap3A_404, %swap3A_405], %add3A_403 {strides = array<i32>} : memref<336x128xf32, #tpu.memory_space<vmem>>, vector<16xf32>,
        %get3A_407 = arith.index_cast %squeeze3A_312 : i32 to index
        %get3A_408 = arith.constant 112 : index
        %get3A_409 = tpu.vector_load %arg18[%get3A_407, %get3A_408] {strides = array<i32>} : memref<336x128xf32, #tpu.memory_space<vmem>>, vector<16xf32>,
        %get3A_410 = arith.index_cast %scan3A_304 : i32 to index
        %get3A_411 = arith.constant 112 : index
        %get3A_412 = tpu.vector_load %arg16[%get3A_410, %get3A_411] {strides = array<i32>} : memref<40x128xf32, #tpu.memory_space<vmem>>, vector<16xf32>,
        %mul3A_413 = vector.broadcast %mul3A_322 : f32 to vector<16xf32>
        %mul3A_414 = arith.mulf %get3A_412, %mul3A_413 : vector<16xf32>
        %add3A_415 = arith.addf %get3A_409, %mul3A_414 : vector<16xf32>
        %swap3A_416 = arith.index_cast %squeeze3A_312 : i32 to index
        %swap3A_417 = arith.constant 112 : index
        %swap3A_418 = tpu.vector_load %arg18[%swap3A_416, %swap3A_417] {strides = array<i32>} : memref<336x128xf32, #tpu.memory_space<vmem>>, vector<16xf32>,
        tpu.vector_store %arg18[%swap3A_416, %swap3A_417], %add3A_415 {strides = array<i32>} : memref<336x128xf32, #tpu.memory_space<vmem>>, vector<16xf32>,
      }
      %scan3A_266 = arith.constant 40 : i32
      %add3A_267 = arith.constant 3 : i32
      %add3A_268 = arith.addi %add3A_255, %add3A_267 : i32
      %sub3A_269 = arith.constant 1 : i32
      %sub3A_270 = arith.subi %mul3A_134, %sub3A_269 : i32
      %min3A_271 = arith.minsi %add3A_268, %sub3A_270 : i32
      %mul3A_272 = arith.constant 40 : i32
      %mul3A_273 = arith.muli %min3A_271, %mul3A_272 : i32
      %dma_start3A_274 = tpu.memref_slice %arg12[%mul3A_273] : memref<13336xi32, #tpu.memory_space<vmem>> -> memref<40xi32, #tpu.memory_space<vmem>>
      %dma_start3A_275 = arith.constant 0 : i32
      %dma_start3A_276 = arith.constant 0 : i32
      %dma_start3A_277 = tpu.memref_slice %arg2[%dma_start3A_275, %dma_start3A_276] : memref<10000x128xf32, #tpu.memory_space<hbm>> -> memref<10000x128xf32, #tpu.memory_space<hbm>>
      tpu.enqueue_indirect_dma source(%dma_start3A_277 : memref<10000x128xf32, #tpu.memory_space<hbm>>) target(%arg16 : memref<40x128xf32, #tpu.memory_space<vmem>>) offsets(%dma_start3A_274 : memref<40xi32, #tpu.memory_space<vmem>>) semaphore(%arg25 : memref<!tpu.dma_semaphore, #tpu.memory_space<semaphore_mem>>)
      %mul3A_278 = arith.constant 3 : i32
      %mul3A_279 = arith.muli %while3A_225, %mul3A_278 : i32
      %add3A_280 = arith.constant 2 : i32
      %add3A_281 = arith.addi %mul3A_279, %add3A_280 : i32
      %dma_wait3A_282 = arith.constant 0 : i32
      %dma_wait3A_283 = tpu.memref_slice %arg12[%dma_wait3A_282] : memref<13336xi32, #tpu.memory_space<vmem>> -> memref<40xi32, #tpu.memory_space<vmem>>
      %dma_wait3A_284 = arith.constant 0 : i32
      %dma_wait3A_285 = arith.constant 0 : i32
      %dma_wait3A_286 = tpu.memref_slice %arg2[%dma_wait3A_284, %dma_wait3A_285] : memref<10000x128xf32, #tpu.memory_space<hbm>> -> memref<10000x128xf32, #tpu.memory_space<hbm>>
      tpu.wait_indirect_dma semaphore(%arg26 : memref<!tpu.dma_semaphore, #tpu.memory_space<semaphore_mem>>) src(%dma_wait3A_286 : memref<10000x128xf32, #tpu.memory_space<hbm>>) dst(%arg17 : memref<40x128xf32, #tpu.memory_space<vmem>>)
      %scan3A_287 = arith.constant 0 : i32
      %scan3A_288 = arith.constant 0 : i32
      %scan3A_289 = arith.constant 40 : i32
      %scan3A_290 = arith.addi %scan3A_288, %scan3A_289 : i32
      %scan3A_291 = arith.constant 1 : i32
      scf.for %scan3A_304 = %scan3A_288 to %scan3A_290 step %scan3A_291  : i32 {
        %mul3A_305 = arith.constant 40 : i32
        %mul3A_306 = arith.muli %add3A_281, %mul3A_305 : i32
        %add3A_307 = arith.addi %mul3A_306, %scan3A_304 : i32
        %get3A = arith.index_cast %add3A_307 : i32 to index
        %get3A_308 = tpu.vector_load %arg12[%get3A] {strides = array<i32>} : memref<13336xi32, #tpu.memory_space<vmem>>, vector<16xi32>,
        %slice3A = vector.extract_strided_slice %get3A_308 {offsets = [0], sizes = [1], strides = [1]} : vector<16xi32> to vector<1xi32>
        %squeeze3A = vector.extract %slice3A[0] : i32 from vector<1xi32>
        %get3A_309 = arith.index_cast %add3A_307 : i32 to index
        %get3A_310 = tpu.vector_load %arg13[%get3A_309] {strides = array<i32>} : memref<13336xi32, #tpu.memory_space<vmem>>, vector<16xi32>,
        %slice3A_311 = vector.extract_strided_slice %get3A_310 {offsets = [0], sizes = [1], strides = [1]} : vector<16xi32> to vector<1xi32>
        %squeeze3A_312 = vector.extract %slice3A_311[0] : i32 from vector<1xi32>
        %get3A_313 = arith.index_cast %squeeze3A : i32 to index
        %get3A_314 = tpu.vector_load %arg14[%get3A_313] {strides = array<i32>} : memref<10016xf32, #tpu.memory_space<vmem>>, vector<16xf32>,
        %slice3A_315 = vector.extract_strided_slice %get3A_314 {offsets = [0], sizes = [1], strides = [1]} : vector<16xf32> to vector<1xf32>
        %squeeze3A_316 = vector.extract %slice3A_315[0] : f32 from vector<1xf32>
        %add3A_317 = arith.addi %mul3A_2, %squeeze3A_312 : i32
        %get3A_318 = arith.index_cast %add3A_317 : i32 to index
        %get3A_319 = tpu.vector_load %arg14[%get3A_318] {strides = array<i32>} : memref<10016xf32, #tpu.memory_space<vmem>>, vector<16xf32>,
        %slice3A_320 = vector.extract_strided_slice %get3A_319 {offsets = [0], sizes = [1], strides = [1]} : vector<16xf32> to vector<1xf32>
        %squeeze3A_321 = vector.extract %slice3A_320[0] : f32 from vector<1xf32>
        %mul3A_322 = arith.mulf %squeeze3A_316, %squeeze3A_321 : f32
        %get3A_323 = arith.index_cast %squeeze3A_312 : i32 to index
        %get3A_324 = arith.constant 0 : index
        %get3A_325 = tpu.vector_load %arg18[%get3A_323, %get3A_324] {strides = array<i32>} : memref<336x128xf32, #tpu.memory_space<vmem>>, vector<16xf32>,
        %get3A_326 = arith.index_cast %scan3A_304 : i32 to index
        %get3A_327 = arith.constant 0 : index
        %get3A_328 = tpu.vector_load %arg17[%get3A_326, %get3A_327] {strides = array<i32>} : memref<40x128xf32, #tpu.memory_space<vmem>>, vector<16xf32>,
        %mul3A_329 = vector.broadcast %mul3A_322 : f32 to vector<16xf32>
        %mul3A_330 = arith.mulf %get3A_328, %mul3A_329 : vector<16xf32>
        %add3A_331 = arith.addf %get3A_325, %mul3A_330 : vector<16xf32>
        %swap3A_332 = arith.index_cast %squeeze3A_312 : i32 to index
        %swap3A_333 = arith.constant 0 : index
        %swap3A_334 = tpu.vector_load %arg18[%swap3A_332, %swap3A_333] {strides = array<i32>} : memref<336x128xf32, #tpu.memory_space<vmem>>, vector<16xf32>,
        tpu.vector_store %arg18[%swap3A_332, %swap3A_333], %add3A_331 {strides = array<i32>} : memref<336x128xf32, #tpu.memory_space<vmem>>, vector<16xf32>,
        %get3A_335 = arith.index_cast %squeeze3A_312 : i32 to index
        %get3A_336 = arith.constant 16 : index
        %get3A_337 = tpu.vector_load %arg18[%get3A_335, %get3A_336] {strides = array<i32>} : memref<336x128xf32, #tpu.memory_space<vmem>>, vector<16xf32>,
        %get3A_338 = arith.index_cast %scan3A_304 : i32 to index
        %get3A_339 = arith.constant 16 : index
        %get3A_340 = tpu.vector_load %arg17[%get3A_338, %get3A_339] {strides = array<i32>} : memref<40x128xf32, #tpu.memory_space<vmem>>, vector<16xf32>,
        %mul3A_341 = vector.broadcast %mul3A_322 : f32 to vector<16xf32>
        %mul3A_342 = arith.mulf %get3A_340, %mul3A_341 : vector<16xf32>
        %add3A_343 = arith.addf %get3A_337, %mul3A_342 : vector<16xf32>
        %swap3A_344 = arith.index_cast %squeeze3A_312 : i32 to index
        %swap3A_345 = arith.constant 16 : index
        %swap3A_346 = tpu.vector_load %arg18[%swap3A_344, %swap3A_345] {strides = array<i32>} : memref<336x128xf32, #tpu.memory_space<vmem>>, vector<16xf32>,
        tpu.vector_store %arg18[%swap3A_344, %swap3A_345], %add3A_343 {strides = array<i32>} : memref<336x128xf32, #tpu.memory_space<vmem>>, vector<16xf32>,
        %get3A_347 = arith.index_cast %squeeze3A_312 : i32 to index
        %get3A_348 = arith.constant 32 : index
        %get3A_349 = tpu.vector_load %arg18[%get3A_347, %get3A_348] {strides = array<i32>} : memref<336x128xf32, #tpu.memory_space<vmem>>, vector<16xf32>,
        %get3A_350 = arith.index_cast %scan3A_304 : i32 to index
        %get3A_351 = arith.constant 32 : index
        %get3A_352 = tpu.vector_load %arg17[%get3A_350, %get3A_351] {strides = array<i32>} : memref<40x128xf32, #tpu.memory_space<vmem>>, vector<16xf32>,
        %mul3A_353 = vector.broadcast %mul3A_322 : f32 to vector<16xf32>
        %mul3A_354 = arith.mulf %get3A_352, %mul3A_353 : vector<16xf32>
        %add3A_355 = arith.addf %get3A_349, %mul3A_354 : vector<16xf32>
        %swap3A_356 = arith.index_cast %squeeze3A_312 : i32 to index
        %swap3A_357 = arith.constant 32 : index
        %swap3A_358 = tpu.vector_load %arg18[%swap3A_356, %swap3A_357] {strides = array<i32>} : memref<336x128xf32, #tpu.memory_space<vmem>>, vector<16xf32>,
        tpu.vector_store %arg18[%swap3A_356, %swap3A_357], %add3A_355 {strides = array<i32>} : memref<336x128xf32, #tpu.memory_space<vmem>>, vector<16xf32>,
        %get3A_359 = arith.index_cast %squeeze3A_312 : i32 to index
        %get3A_360 = arith.constant 48 : index
        %get3A_361 = tpu.vector_load %arg18[%get3A_359, %get3A_360] {strides = array<i32>} : memref<336x128xf32, #tpu.memory_space<vmem>>, vector<16xf32>,
        %get3A_362 = arith.index_cast %scan3A_304 : i32 to index
        %get3A_363 = arith.constant 48 : index
        %get3A_364 = tpu.vector_load %arg17[%get3A_362, %get3A_363] {strides = array<i32>} : memref<40x128xf32, #tpu.memory_space<vmem>>, vector<16xf32>,
        %mul3A_365 = vector.broadcast %mul3A_322 : f32 to vector<16xf32>
        %mul3A_366 = arith.mulf %get3A_364, %mul3A_365 : vector<16xf32>
        %add3A_367 = arith.addf %get3A_361, %mul3A_366 : vector<16xf32>
        %swap3A_368 = arith.index_cast %squeeze3A_312 : i32 to index
        %swap3A_369 = arith.constant 48 : index
        %swap3A_370 = tpu.vector_load %arg18[%swap3A_368, %swap3A_369] {strides = array<i32>} : memref<336x128xf32, #tpu.memory_space<vmem>>, vector<16xf32>,
        tpu.vector_store %arg18[%swap3A_368, %swap3A_369], %add3A_367 {strides = array<i32>} : memref<336x128xf32, #tpu.memory_space<vmem>>, vector<16xf32>,
        %get3A_371 = arith.index_cast %squeeze3A_312 : i32 to index
        %get3A_372 = arith.constant 64 : index
        %get3A_373 = tpu.vector_load %arg18[%get3A_371, %get3A_372] {strides = array<i32>} : memref<336x128xf32, #tpu.memory_space<vmem>>, vector<16xf32>,
        %get3A_374 = arith.index_cast %scan3A_304 : i32 to index
        %get3A_375 = arith.constant 64 : index
        %get3A_376 = tpu.vector_load %arg17[%get3A_374, %get3A_375] {strides = array<i32>} : memref<40x128xf32, #tpu.memory_space<vmem>>, vector<16xf32>,
        %mul3A_377 = vector.broadcast %mul3A_322 : f32 to vector<16xf32>
        %mul3A_378 = arith.mulf %get3A_376, %mul3A_377 : vector<16xf32>
        %add3A_379 = arith.addf %get3A_373, %mul3A_378 : vector<16xf32>
        %swap3A_380 = arith.index_cast %squeeze3A_312 : i32 to index
        %swap3A_381 = arith.constant 64 : index
        %swap3A_382 = tpu.vector_load %arg18[%swap3A_380, %swap3A_381] {strides = array<i32>} : memref<336x128xf32, #tpu.memory_space<vmem>>, vector<16xf32>,
        tpu.vector_store %arg18[%swap3A_380, %swap3A_381], %add3A_379 {strides = array<i32>} : memref<336x128xf32, #tpu.memory_space<vmem>>, vector<16xf32>,
        %get3A_383 = arith.index_cast %squeeze3A_312 : i32 to index
        %get3A_384 = arith.constant 80 : index
        %get3A_385 = tpu.vector_load %arg18[%get3A_383, %get3A_384] {strides = array<i32>} : memref<336x128xf32, #tpu.memory_space<vmem>>, vector<16xf32>,
        %get3A_386 = arith.index_cast %scan3A_304 : i32 to index
        %get3A_387 = arith.constant 80 : index
        %get3A_388 = tpu.vector_load %arg17[%get3A_386, %get3A_387] {strides = array<i32>} : memref<40x128xf32, #tpu.memory_space<vmem>>, vector<16xf32>,
        %mul3A_389 = vector.broadcast %mul3A_322 : f32 to vector<16xf32>
        %mul3A_390 = arith.mulf %get3A_388, %mul3A_389 : vector<16xf32>
        %add3A_391 = arith.addf %get3A_385, %mul3A_390 : vector<16xf32>
        %swap3A_392 = arith.index_cast %squeeze3A_312 : i32 to index
        %swap3A_393 = arith.constant 80 : index
        %swap3A_394 = tpu.vector_load %arg18[%swap3A_392, %swap3A_393] {strides = array<i32>} : memref<336x128xf32, #tpu.memory_space<vmem>>, vector<16xf32>,
        tpu.vector_store %arg18[%swap3A_392, %swap3A_393], %add3A_391 {strides = array<i32>} : memref<336x128xf32, #tpu.memory_space<vmem>>, vector<16xf32>,
        %get3A_395 = arith.index_cast %squeeze3A_312 : i32 to index
        %get3A_396 = arith.constant 96 : index
        %get3A_397 = tpu.vector_load %arg18[%get3A_395, %get3A_396] {strides = array<i32>} : memref<336x128xf32, #tpu.memory_space<vmem>>, vector<16xf32>,
        %get3A_398 = arith.index_cast %scan3A_304 : i32 to index
        %get3A_399 = arith.constant 96 : index
        %get3A_400 = tpu.vector_load %arg17[%get3A_398, %get3A_399] {strides = array<i32>} : memref<40x128xf32, #tpu.memory_space<vmem>>, vector<16xf32>,
        %mul3A_401 = vector.broadcast %mul3A_322 : f32 to vector<16xf32>
        %mul3A_402 = arith.mulf %get3A_400, %mul3A_401 : vector<16xf32>
        %add3A_403 = arith.addf %get3A_397, %mul3A_402 : vector<16xf32>
        %swap3A_404 = arith.index_cast %squeeze3A_312 : i32 to index
        %swap3A_405 = arith.constant 96 : index
        %swap3A_406 = tpu.vector_load %arg18[%swap3A_404, %swap3A_405] {strides = array<i32>} : memref<336x128xf32, #tpu.memory_space<vmem>>, vector<16xf32>,
        tpu.vector_store %arg18[%swap3A_404, %swap3A_405], %add3A_403 {strides = array<i32>} : memref<336x128xf32, #tpu.memory_space<vmem>>, vector<16xf32>,
        %get3A_407 = arith.index_cast %squeeze3A_312 : i32 to index
        %get3A_408 = arith.constant 112 : index
        %get3A_409 = tpu.vector_load %arg18[%get3A_407, %get3A_408] {strides = array<i32>} : memref<336x128xf32, #tpu.memory_space<vmem>>, vector<16xf32>,
        %get3A_410 = arith.index_cast %scan3A_304 : i32 to index
        %get3A_411 = arith.constant 112 : index
        %get3A_412 = tpu.vector_load %arg17[%get3A_410, %get3A_411] {strides = array<i32>} : memref<40x128xf32, #tpu.memory_space<vmem>>, vector<16xf32>,
        %mul3A_413 = vector.broadcast %mul3A_322 : f32 to vector<16xf32>
        %mul3A_414 = arith.mulf %get3A_412, %mul3A_413 : vector<16xf32>
        %add3A_415 = arith.addf %get3A_409, %mul3A_414 : vector<16xf32>
        %swap3A_416 = arith.index_cast %squeeze3A_312 : i32 to index
        %swap3A_417 = arith.constant 112 : index
        %swap3A_418 = tpu.vector_load %arg18[%swap3A_416, %swap3A_417] {strides = array<i32>} : memref<336x128xf32, #tpu.memory_space<vmem>>, vector<16xf32>,
        tpu.vector_store %arg18[%swap3A_416, %swap3A_417], %add3A_415 {strides = array<i32>} : memref<336x128xf32, #tpu.memory_space<vmem>>, vector<16xf32>,
      }
      %scan3A_292 = arith.constant 40 : i32
      %add3A_293 = arith.constant 3 : i32
      %add3A_294 = arith.addi %add3A_281, %add3A_293 : i32
      %sub3A_295 = arith.constant 1 : i32
      %sub3A_296 = arith.subi %mul3A_134, %sub3A_295 : i32
      %min3A_297 = arith.minsi %add3A_294, %sub3A_296 : i32
      %mul3A_298 = arith.constant 40 : i32
      %mul3A_299 = arith.muli %min3A_297, %mul3A_298 : i32
      %dma_start3A_300 = tpu.memref_slice %arg12[%mul3A_299] : memref<13336xi32, #tpu.memory_space<vmem>> -> memref<40xi32, #tpu.memory_space<vmem>>
      %dma_start3A_301 = arith.constant 0 : i32
      %dma_start3A_302 = arith.constant 0 : i32
      %dma_start3A_303 = tpu.memref_slice %arg2[%dma_start3A_301, %dma_start3A_302] : memref<10000x128xf32, #tpu.memory_space<hbm>> -> memref<10000x128xf32, #tpu.memory_space<hbm>>
      tpu.enqueue_indirect_dma source(%dma_start3A_303 : memref<10000x128xf32, #tpu.memory_space<hbm>>) target(%arg17 : memref<40x128xf32, #tpu.memory_space<vmem>>) offsets(%dma_start3A_300 : memref<40xi32, #tpu.memory_space<vmem>>) semaphore(%arg26 : memref<!tpu.dma_semaphore, #tpu.memory_space<semaphore_mem>>)
    }
    %while3A_202 = arith.constant 1 : i32
    scf.for %while3A_225 = %while3A_200 to %while3A_196 step %while3A_202  : i32 {
      %mul3A_226 = arith.constant 3 : i32
      %mul3A_227 = arith.muli %while3A_225, %mul3A_226 : i32
      %add3A_228 = arith.constant 0 : i32
      %add3A_229 = arith.addi %mul3A_227, %add3A_228 : i32
      %dma_wait3A_230 = arith.constant 0 : i32
      %dma_wait3A_231 = tpu.memref_slice %arg12[%dma_wait3A_230] : memref<13336xi32, #tpu.memory_space<vmem>> -> memref<40xi32, #tpu.memory_space<vmem>>
      %dma_wait3A_232 = arith.constant 0 : i32
      %dma_wait3A_233 = arith.constant 0 : i32
      %dma_wait3A_234 = tpu.memref_slice %arg2[%dma_wait3A_232, %dma_wait3A_233] : memref<10000x128xf32, #tpu.memory_space<hbm>> -> memref<10000x128xf32, #tpu.memory_space<hbm>>
      tpu.wait_indirect_dma semaphore(%arg24 : memref<!tpu.dma_semaphore, #tpu.memory_space<semaphore_mem>>) src(%dma_wait3A_234 : memref<10000x128xf32, #tpu.memory_space<hbm>>) dst(%arg15 : memref<40x128xf32, #tpu.memory_space<vmem>>)
      %scan3A_235 = arith.constant 0 : i32
      %scan3A_236 = arith.constant 0 : i32
      %scan3A_237 = arith.constant 40 : i32
      %scan3A_238 = arith.addi %scan3A_236, %scan3A_237 : i32
      %scan3A_239 = arith.constant 1 : i32
      scf.for %scan3A_304 = %scan3A_236 to %scan3A_238 step %scan3A_239  : i32 {
        %mul3A_305 = arith.constant 40 : i32
        %mul3A_306 = arith.muli %add3A_229, %mul3A_305 : i32
        %add3A_307 = arith.addi %mul3A_306, %scan3A_304 : i32
        %get3A = arith.index_cast %add3A_307 : i32 to index
        %get3A_308 = tpu.vector_load %arg12[%get3A] {strides = array<i32>} : memref<13336xi32, #tpu.memory_space<vmem>>, vector<16xi32>,
        %slice3A = vector.extract_strided_slice %get3A_308 {offsets = [0], sizes = [1], strides = [1]} : vector<16xi32> to vector<1xi32>
        %squeeze3A = vector.extract %slice3A[0] : i32 from vector<1xi32>
        %get3A_309 = arith.index_cast %add3A_307 : i32 to index
        %get3A_310 = tpu.vector_load %arg13[%get3A_309] {strides = array<i32>} : memref<13336xi32, #tpu.memory_space<vmem>>, vector<16xi32>,
        %slice3A_311 = vector.extract_strided_slice %get3A_310 {offsets = [0], sizes = [1], strides = [1]} : vector<16xi32> to vector<1xi32>
        %squeeze3A_312 = vector.extract %slice3A_311[0] : i32 from vector<1xi32>
        %get3A_313 = arith.index_cast %squeeze3A : i32 to index
        %get3A_314 = tpu.vector_load %arg14[%get3A_313] {strides = array<i32>} : memref<10016xf32, #tpu.memory_space<vmem>>, vector<16xf32>,
        %slice3A_315 = vector.extract_strided_slice %get3A_314 {offsets = [0], sizes = [1], strides = [1]} : vector<16xf32> to vector<1xf32>
        %squeeze3A_316 = vector.extract %slice3A_315[0] : f32 from vector<1xf32>
        %add3A_317 = arith.addi %mul3A_2, %squeeze3A_312 : i32
        %get3A_318 = arith.index_cast %add3A_317 : i32 to index
        %get3A_319 = tpu.vector_load %arg14[%get3A_318] {strides = array<i32>} : memref<10016xf32, #tpu.memory_space<vmem>>, vector<16xf32>,
        %slice3A_320 = vector.extract_strided_slice %get3A_319 {offsets = [0], sizes = [1], strides = [1]} : vector<16xf32> to vector<1xf32>
        %squeeze3A_321 = vector.extract %slice3A_320[0] : f32 from vector<1xf32>
        %mul3A_322 = arith.mulf %squeeze3A_316, %squeeze3A_321 : f32
        %get3A_323 = arith.index_cast %squeeze3A_312 : i32 to index
        %get3A_324 = arith.constant 0 : index
        %get3A_325 = tpu.vector_load %arg18[%get3A_323, %get3A_324] {strides = array<i32>} : memref<336x128xf32, #tpu.memory_space<vmem>>, vector<16xf32>,
        %get3A_326 = arith.index_cast %scan3A_304 : i32 to index
        %get3A_327 = arith.constant 0 : index
        %get3A_328 = tpu.vector_load %arg15[%get3A_326, %get3A_327] {strides = array<i32>} : memref<40x128xf32, #tpu.memory_space<vmem>>, vector<16xf32>,
        %mul3A_329 = vector.broadcast %mul3A_322 : f32 to vector<16xf32>
        %mul3A_330 = arith.mulf %get3A_328, %mul3A_329 : vector<16xf32>
        %add3A_331 = arith.addf %get3A_325, %mul3A_330 : vector<16xf32>
        %swap3A_332 = arith.index_cast %squeeze3A_312 : i32 to index
        %swap3A_333 = arith.constant 0 : index
        %swap3A_334 = tpu.vector_load %arg18[%swap3A_332, %swap3A_333] {strides = array<i32>} : memref<336x128xf32, #tpu.memory_space<vmem>>, vector<16xf32>,
        tpu.vector_store %arg18[%swap3A_332, %swap3A_333], %add3A_331 {strides = array<i32>} : memref<336x128xf32, #tpu.memory_space<vmem>>, vector<16xf32>,
        %get3A_335 = arith.index_cast %squeeze3A_312 : i32 to index
        %get3A_336 = arith.constant 16 : index
        %get3A_337 = tpu.vector_load %arg18[%get3A_335, %get3A_336] {strides = array<i32>} : memref<336x128xf32, #tpu.memory_space<vmem>>, vector<16xf32>,
        %get3A_338 = arith.index_cast %scan3A_304 : i32 to index
        %get3A_339 = arith.constant 16 : index
        %get3A_340 = tpu.vector_load %arg15[%get3A_338, %get3A_339] {strides = array<i32>} : memref<40x128xf32, #tpu.memory_space<vmem>>, vector<16xf32>,
        %mul3A_341 = vector.broadcast %mul3A_322 : f32 to vector<16xf32>
        %mul3A_342 = arith.mulf %get3A_340, %mul3A_341 : vector<16xf32>
        %add3A_343 = arith.addf %get3A_337, %mul3A_342 : vector<16xf32>
        %swap3A_344 = arith.index_cast %squeeze3A_312 : i32 to index
        %swap3A_345 = arith.constant 16 : index
        %swap3A_346 = tpu.vector_load %arg18[%swap3A_344, %swap3A_345] {strides = array<i32>} : memref<336x128xf32, #tpu.memory_space<vmem>>, vector<16xf32>,
        tpu.vector_store %arg18[%swap3A_344, %swap3A_345], %add3A_343 {strides = array<i32>} : memref<336x128xf32, #tpu.memory_space<vmem>>, vector<16xf32>,
        %get3A_347 = arith.index_cast %squeeze3A_312 : i32 to index
        %get3A_348 = arith.constant 32 : index
        %get3A_349 = tpu.vector_load %arg18[%get3A_347, %get3A_348] {strides = array<i32>} : memref<336x128xf32, #tpu.memory_space<vmem>>, vector<16xf32>,
        %get3A_350 = arith.index_cast %scan3A_304 : i32 to index
        %get3A_351 = arith.constant 32 : index
        %get3A_352 = tpu.vector_load %arg15[%get3A_350, %get3A_351] {strides = array<i32>} : memref<40x128xf32, #tpu.memory_space<vmem>>, vector<16xf32>,
        %mul3A_353 = vector.broadcast %mul3A_322 : f32 to vector<16xf32>
        %mul3A_354 = arith.mulf %get3A_352, %mul3A_353 : vector<16xf32>
        %add3A_355 = arith.addf %get3A_349, %mul3A_354 : vector<16xf32>
        %swap3A_356 = arith.index_cast %squeeze3A_312 : i32 to index
        %swap3A_357 = arith.constant 32 : index
        %swap3A_358 = tpu.vector_load %arg18[%swap3A_356, %swap3A_357] {strides = array<i32>} : memref<336x128xf32, #tpu.memory_space<vmem>>, vector<16xf32>,
        tpu.vector_store %arg18[%swap3A_356, %swap3A_357], %add3A_355 {strides = array<i32>} : memref<336x128xf32, #tpu.memory_space<vmem>>, vector<16xf32>,
        %get3A_359 = arith.index_cast %squeeze3A_312 : i32 to index
        %get3A_360 = arith.constant 48 : index
        %get3A_361 = tpu.vector_load %arg18[%get3A_359, %get3A_360] {strides = array<i32>} : memref<336x128xf32, #tpu.memory_space<vmem>>, vector<16xf32>,
        %get3A_362 = arith.index_cast %scan3A_304 : i32 to index
        %get3A_363 = arith.constant 48 : index
        %get3A_364 = tpu.vector_load %arg15[%get3A_362, %get3A_363] {strides = array<i32>} : memref<40x128xf32, #tpu.memory_space<vmem>>, vector<16xf32>,
        %mul3A_365 = vector.broadcast %mul3A_322 : f32 to vector<16xf32>
        %mul3A_366 = arith.mulf %get3A_364, %mul3A_365 : vector<16xf32>
        %add3A_367 = arith.addf %get3A_361, %mul3A_366 : vector<16xf32>
        %swap3A_368 = arith.index_cast %squeeze3A_312 : i32 to index
        %swap3A_369 = arith.constant 48 : index
        %swap3A_370 = tpu.vector_load %arg18[%swap3A_368, %swap3A_369] {strides = array<i32>} : memref<336x128xf32, #tpu.memory_space<vmem>>, vector<16xf32>,
        tpu.vector_store %arg18[%swap3A_368, %swap3A_369], %add3A_367 {strides = array<i32>} : memref<336x128xf32, #tpu.memory_space<vmem>>, vector<16xf32>,
        %get3A_371 = arith.index_cast %squeeze3A_312 : i32 to index
        %get3A_372 = arith.constant 64 : index
        %get3A_373 = tpu.vector_load %arg18[%get3A_371, %get3A_372] {strides = array<i32>} : memref<336x128xf32, #tpu.memory_space<vmem>>, vector<16xf32>,
        %get3A_374 = arith.index_cast %scan3A_304 : i32 to index
        %get3A_375 = arith.constant 64 : index
        %get3A_376 = tpu.vector_load %arg15[%get3A_374, %get3A_375] {strides = array<i32>} : memref<40x128xf32, #tpu.memory_space<vmem>>, vector<16xf32>,
        %mul3A_377 = vector.broadcast %mul3A_322 : f32 to vector<16xf32>
        %mul3A_378 = arith.mulf %get3A_376, %mul3A_377 : vector<16xf32>
        %add3A_379 = arith.addf %get3A_373, %mul3A_378 : vector<16xf32>
        %swap3A_380 = arith.index_cast %squeeze3A_312 : i32 to index
        %swap3A_381 = arith.constant 64 : index
        %swap3A_382 = tpu.vector_load %arg18[%swap3A_380, %swap3A_381] {strides = array<i32>} : memref<336x128xf32, #tpu.memory_space<vmem>>, vector<16xf32>,
        tpu.vector_store %arg18[%swap3A_380, %swap3A_381], %add3A_379 {strides = array<i32>} : memref<336x128xf32, #tpu.memory_space<vmem>>, vector<16xf32>,
        %get3A_383 = arith.index_cast %squeeze3A_312 : i32 to index
        %get3A_384 = arith.constant 80 : index
        %get3A_385 = tpu.vector_load %arg18[%get3A_383, %get3A_384] {strides = array<i32>} : memref<336x128xf32, #tpu.memory_space<vmem>>, vector<16xf32>,
        %get3A_386 = arith.index_cast %scan3A_304 : i32 to index
        %get3A_387 = arith.constant 80 : index
        %get3A_388 = tpu.vector_load %arg15[%get3A_386, %get3A_387] {strides = array<i32>} : memref<40x128xf32, #tpu.memory_space<vmem>>, vector<16xf32>,
        %mul3A_389 = vector.broadcast %mul3A_322 : f32 to vector<16xf32>
        %mul3A_390 = arith.mulf %get3A_388, %mul3A_389 : vector<16xf32>
        %add3A_391 = arith.addf %get3A_385, %mul3A_390 : vector<16xf32>
        %swap3A_392 = arith.index_cast %squeeze3A_312 : i32 to index
        %swap3A_393 = arith.constant 80 : index
        %swap3A_394 = tpu.vector_load %arg18[%swap3A_392, %swap3A_393] {strides = array<i32>} : memref<336x128xf32, #tpu.memory_space<vmem>>, vector<16xf32>,
        tpu.vector_store %arg18[%swap3A_392, %swap3A_393], %add3A_391 {strides = array<i32>} : memref<336x128xf32, #tpu.memory_space<vmem>>, vector<16xf32>,
        %get3A_395 = arith.index_cast %squeeze3A_312 : i32 to index
        %get3A_396 = arith.constant 96 : index
        %get3A_397 = tpu.vector_load %arg18[%get3A_395, %get3A_396] {strides = array<i32>} : memref<336x128xf32, #tpu.memory_space<vmem>>, vector<16xf32>,
        %get3A_398 = arith.index_cast %scan3A_304 : i32 to index
        %get3A_399 = arith.constant 96 : index
        %get3A_400 = tpu.vector_load %arg15[%get3A_398, %get3A_399] {strides = array<i32>} : memref<40x128xf32, #tpu.memory_space<vmem>>, vector<16xf32>,
        %mul3A_401 = vector.broadcast %mul3A_322 : f32 to vector<16xf32>
        %mul3A_402 = arith.mulf %get3A_400, %mul3A_401 : vector<16xf32>
        %add3A_403 = arith.addf %get3A_397, %mul3A_402 : vector<16xf32>
        %swap3A_404 = arith.index_cast %squeeze3A_312 : i32 to index
        %swap3A_405 = arith.constant 96 : index
        %swap3A_406 = tpu.vector_load %arg18[%swap3A_404, %swap3A_405] {strides = array<i32>} : memref<336x128xf32, #tpu.memory_space<vmem>>, vector<16xf32>,
        tpu.vector_store %arg18[%swap3A_404, %swap3A_405], %add3A_403 {strides = array<i32>} : memref<336x128xf32, #tpu.memory_space<vmem>>, vector<16xf32>,
        %get3A_407 = arith.index_cast %squeeze3A_312 : i32 to index
        %get3A_408 = arith.constant 112 : index
        %get3A_409 = tpu.vector_load %arg18[%get3A_407, %get3A_408] {strides = array<i32>} : memref<336x128xf32, #tpu.memory_space<vmem>>, vector<16xf32>,
        %get3A_410 = arith.index_cast %scan3A_304 : i32 to index
        %get3A_411 = arith.constant 112 : index
        %get3A_412 = tpu.vector_load %arg15[%get3A_410, %get3A_411] {strides = array<i32>} : memref<40x128xf32, #tpu.memory_space<vmem>>, vector<16xf32>,
        %mul3A_413 = vector.broadcast %mul3A_322 : f32 to vector<16xf32>
        %mul3A_414 = arith.mulf %get3A_412, %mul3A_413 : vector<16xf32>
        %add3A_415 = arith.addf %get3A_409, %mul3A_414 : vector<16xf32>
        %swap3A_416 = arith.index_cast %squeeze3A_312 : i32 to index
        %swap3A_417 = arith.constant 112 : index
        %swap3A_418 = tpu.vector_load %arg18[%swap3A_416, %swap3A_417] {strides = array<i32>} : memref<336x128xf32, #tpu.memory_space<vmem>>, vector<16xf32>,
        tpu.vector_store %arg18[%swap3A_416, %swap3A_417], %add3A_415 {strides = array<i32>} : memref<336x128xf32, #tpu.memory_space<vmem>>, vector<16xf32>,
      }
      %scan3A_240 = arith.constant 40 : i32
      %add3A_241 = arith.constant 3 : i32
      %add3A_242 = arith.addi %add3A_229, %add3A_241 : i32
      %sub3A_243 = arith.constant 1 : i32
      %sub3A_244 = arith.subi %mul3A_134, %sub3A_243 : i32
      %min3A_245 = arith.minsi %add3A_242, %sub3A_244 : i32
      %mul3A_246 = arith.constant 40 : i32
      %mul3A_247 = arith.muli %min3A_245, %mul3A_246 : i32
      %dma_start3A_248 = tpu.memref_slice %arg12[%mul3A_247] : memref<13336xi32, #tpu.memory_space<vmem>> -> memref<40xi32, #tpu.memory_space<vmem>>
      %dma_start3A_249 = arith.constant 0 : i32
      %dma_start3A_250 = arith.constant 0 : i32
      %dma_start3A_251 = tpu.memref_slice %arg2[%dma_start3A_249, %dma_start3A_250] : memref<10000x128xf32, #tpu.memory_space<hbm>> -> memref<10000x128xf32, #tpu.memory_space<hbm>>
      tpu.enqueue_indirect_dma source(%dma_start3A_251 : memref<10000x128xf32, #tpu.memory_space<hbm>>) target(%arg15 : memref<40x128xf32, #tpu.memory_space<vmem>>) offsets(%dma_start3A_248 : memref<40xi32, #tpu.memory_space<vmem>>) semaphore(%arg24 : memref<!tpu.dma_semaphore, #tpu.memory_space<semaphore_mem>>)
      %mul3A_252 = arith.constant 3 : i32
      %mul3A_253 = arith.muli %while3A_225, %mul3A_252 : i32
      %add3A_254 = arith.constant 1 : i32
      %add3A_255 = arith.addi %mul3A_253, %add3A_254 : i32
      %dma_wait3A_256 = arith.constant 0 : i32
      %dma_wait3A_257 = tpu.memref_slice %arg12[%dma_wait3A_256] : memref<13336xi32, #tpu.memory_space<vmem>> -> memref<40xi32, #tpu.memory_space<vmem>>
      %dma_wait3A_258 = arith.constant 0 : i32
      %dma_wait3A_259 = arith.constant 0 : i32
      %dma_wait3A_260 = tpu.memref_slice %arg2[%dma_wait3A_258, %dma_wait3A_259] : memref<10000x128xf32, #tpu.memory_space<hbm>> -> memref<10000x128xf32, #tpu.memory_space<hbm>>
      tpu.wait_indirect_dma semaphore(%arg25 : memref<!tpu.dma_semaphore, #tpu.memory_space<semaphore_mem>>) src(%dma_wait3A_260 : memref<10000x128xf32, #tpu.memory_space<hbm>>) dst(%arg16 : memref<40x128xf32, #tpu.memory_space<vmem>>)
      %scan3A_261 = arith.constant 0 : i32
      %scan3A_262 = arith.constant 0 : i32
      %scan3A_263 = arith.constant 40 : i32
      %scan3A_264 = arith.addi %scan3A_262, %scan3A_263 : i32
      %scan3A_265 = arith.constant 1 : i32
      scf.for %scan3A_304 = %scan3A_262 to %scan3A_264 step %scan3A_265  : i32 {
        %mul3A_305 = arith.constant 40 : i32
        %mul3A_306 = arith.muli %add3A_255, %mul3A_305 : i32
        %add3A_307 = arith.addi %mul3A_306, %scan3A_304 : i32
        %get3A = arith.index_cast %add3A_307 : i32 to index
        %get3A_308 = tpu.vector_load %arg12[%get3A] {strides = array<i32>} : memref<13336xi32, #tpu.memory_space<vmem>>, vector<16xi32>,
        %slice3A = vector.extract_strided_slice %get3A_308 {offsets = [0], sizes = [1], strides = [1]} : vector<16xi32> to vector<1xi32>
        %squeeze3A = vector.extract %slice3A[0] : i32 from vector<1xi32>
        %get3A_309 = arith.index_cast %add3A_307 : i32 to index
        %get3A_310 = tpu.vector_load %arg13[%get3A_309] {strides = array<i32>} : memref<13336xi32, #tpu.memory_space<vmem>>, vector<16xi32>,
        %slice3A_311 = vector.extract_strided_slice %get3A_310 {offsets = [0], sizes = [1], strides = [1]} : vector<16xi32> to vector<1xi32>
        %squeeze3A_312 = vector.extract %slice3A_311[0] : i32 from vector<1xi32>
        %get3A_313 = arith.index_cast %squeeze3A : i32 to index
        %get3A_314 = tpu.vector_load %arg14[%get3A_313] {strides = array<i32>} : memref<10016xf32, #tpu.memory_space<vmem>>, vector<16xf32>,
        %slice3A_315 = vector.extract_strided_slice %get3A_314 {offsets = [0], sizes = [1], strides = [1]} : vector<16xf32> to vector<1xf32>
        %squeeze3A_316 = vector.extract %slice3A_315[0] : f32 from vector<1xf32>
        %add3A_317 = arith.addi %mul3A_2, %squeeze3A_312 : i32
        %get3A_318 = arith.index_cast %add3A_317 : i32 to index
        %get3A_319 = tpu.vector_load %arg14[%get3A_318] {strides = array<i32>} : memref<10016xf32, #tpu.memory_space<vmem>>, vector<16xf32>,
        %slice3A_320 = vector.extract_strided_slice %get3A_319 {offsets = [0], sizes = [1], strides = [1]} : vector<16xf32> to vector<1xf32>
        %squeeze3A_321 = vector.extract %slice3A_320[0] : f32 from vector<1xf32>
        %mul3A_322 = arith.mulf %squeeze3A_316, %squeeze3A_321 : f32
        %get3A_323 = arith.index_cast %squeeze3A_312 : i32 to index
        %get3A_324 = arith.constant 0 : index
        %get3A_325 = tpu.vector_load %arg18[%get3A_323, %get3A_324] {strides = array<i32>} : memref<336x128xf32, #tpu.memory_space<vmem>>, vector<16xf32>,
        %get3A_326 = arith.index_cast %scan3A_304 : i32 to index
        %get3A_327 = arith.constant 0 : index
        %get3A_328 = tpu.vector_load %arg16[%get3A_326, %get3A_327] {strides = array<i32>} : memref<40x128xf32, #tpu.memory_space<vmem>>, vector<16xf32>,
        %mul3A_329 = vector.broadcast %mul3A_322 : f32 to vector<16xf32>
        %mul3A_330 = arith.mulf %get3A_328, %mul3A_329 : vector<16xf32>
        %add3A_331 = arith.addf %get3A_325, %mul3A_330 : vector<16xf32>
        %swap3A_332 = arith.index_cast %squeeze3A_312 : i32 to index
        %swap3A_333 = arith.constant 0 : index
        %swap3A_334 = tpu.vector_load %arg18[%swap3A_332, %swap3A_333] {strides = array<i32>} : memref<336x128xf32, #tpu.memory_space<vmem>>, vector<16xf32>,
        tpu.vector_store %arg18[%swap3A_332, %swap3A_333], %add3A_331 {strides = array<i32>} : memref<336x128xf32, #tpu.memory_space<vmem>>, vector<16xf32>,
        %get3A_335 = arith.index_cast %squeeze3A_312 : i32 to index
        %get3A_336 = arith.constant 16 : index
        %get3A_337 = tpu.vector_load %arg18[%get3A_335, %get3A_336] {strides = array<i32>} : memref<336x128xf32, #tpu.memory_space<vmem>>, vector<16xf32>,
        %get3A_338 = arith.index_cast %scan3A_304 : i32 to index
        %get3A_339 = arith.constant 16 : index
        %get3A_340 = tpu.vector_load %arg16[%get3A_338, %get3A_339] {strides = array<i32>} : memref<40x128xf32, #tpu.memory_space<vmem>>, vector<16xf32>,
        %mul3A_341 = vector.broadcast %mul3A_322 : f32 to vector<16xf32>
        %mul3A_342 = arith.mulf %get3A_340, %mul3A_341 : vector<16xf32>
        %add3A_343 = arith.addf %get3A_337, %mul3A_342 : vector<16xf32>
        %swap3A_344 = arith.index_cast %squeeze3A_312 : i32 to index
        %swap3A_345 = arith.constant 16 : index
        %swap3A_346 = tpu.vector_load %arg18[%swap3A_344, %swap3A_345] {strides = array<i32>} : memref<336x128xf32, #tpu.memory_space<vmem>>, vector<16xf32>,
        tpu.vector_store %arg18[%swap3A_344, %swap3A_345], %add3A_343 {strides = array<i32>} : memref<336x128xf32, #tpu.memory_space<vmem>>, vector<16xf32>,
        %get3A_347 = arith.index_cast %squeeze3A_312 : i32 to index
        %get3A_348 = arith.constant 32 : index
        %get3A_349 = tpu.vector_load %arg18[%get3A_347, %get3A_348] {strides = array<i32>} : memref<336x128xf32, #tpu.memory_space<vmem>>, vector<16xf32>,
        %get3A_350 = arith.index_cast %scan3A_304 : i32 to index
        %get3A_351 = arith.constant 32 : index
        %get3A_352 = tpu.vector_load %arg16[%get3A_350, %get3A_351] {strides = array<i32>} : memref<40x128xf32, #tpu.memory_space<vmem>>, vector<16xf32>,
        %mul3A_353 = vector.broadcast %mul3A_322 : f32 to vector<16xf32>
        %mul3A_354 = arith.mulf %get3A_352, %mul3A_353 : vector<16xf32>
        %add3A_355 = arith.addf %get3A_349, %mul3A_354 : vector<16xf32>
        %swap3A_356 = arith.index_cast %squeeze3A_312 : i32 to index
        %swap3A_357 = arith.constant 32 : index
        %swap3A_358 = tpu.vector_load %arg18[%swap3A_356, %swap3A_357] {strides = array<i32>} : memref<336x128xf32, #tpu.memory_space<vmem>>, vector<16xf32>,
        tpu.vector_store %arg18[%swap3A_356, %swap3A_357], %add3A_355 {strides = array<i32>} : memref<336x128xf32, #tpu.memory_space<vmem>>, vector<16xf32>,
        %get3A_359 = arith.index_cast %squeeze3A_312 : i32 to index
        %get3A_360 = arith.constant 48 : index
        %get3A_361 = tpu.vector_load %arg18[%get3A_359, %get3A_360] {strides = array<i32>} : memref<336x128xf32, #tpu.memory_space<vmem>>, vector<16xf32>,
        %get3A_362 = arith.index_cast %scan3A_304 : i32 to index
        %get3A_363 = arith.constant 48 : index
        %get3A_364 = tpu.vector_load %arg16[%get3A_362, %get3A_363] {strides = array<i32>} : memref<40x128xf32, #tpu.memory_space<vmem>>, vector<16xf32>,
        %mul3A_365 = vector.broadcast %mul3A_322 : f32 to vector<16xf32>
        %mul3A_366 = arith.mulf %get3A_364, %mul3A_365 : vector<16xf32>
        %add3A_367 = arith.addf %get3A_361, %mul3A_366 : vector<16xf32>
        %swap3A_368 = arith.index_cast %squeeze3A_312 : i32 to index
        %swap3A_369 = arith.constant 48 : index
        %swap3A_370 = tpu.vector_load %arg18[%swap3A_368, %swap3A_369] {strides = array<i32>} : memref<336x128xf32, #tpu.memory_space<vmem>>, vector<16xf32>,
        tpu.vector_store %arg18[%swap3A_368, %swap3A_369], %add3A_367 {strides = array<i32>} : memref<336x128xf32, #tpu.memory_space<vmem>>, vector<16xf32>,
        %get3A_371 = arith.index_cast %squeeze3A_312 : i32 to index
        %get3A_372 = arith.constant 64 : index
        %get3A_373 = tpu.vector_load %arg18[%get3A_371, %get3A_372] {strides = array<i32>} : memref<336x128xf32, #tpu.memory_space<vmem>>, vector<16xf32>,
        %get3A_374 = arith.index_cast %scan3A_304 : i32 to index
        %get3A_375 = arith.constant 64 : index
        %get3A_376 = tpu.vector_load %arg16[%get3A_374, %get3A_375] {strides = array<i32>} : memref<40x128xf32, #tpu.memory_space<vmem>>, vector<16xf32>,
        %mul3A_377 = vector.broadcast %mul3A_322 : f32 to vector<16xf32>
        %mul3A_378 = arith.mulf %get3A_376, %mul3A_377 : vector<16xf32>
        %add3A_379 = arith.addf %get3A_373, %mul3A_378 : vector<16xf32>
        %swap3A_380 = arith.index_cast %squeeze3A_312 : i32 to index
        %swap3A_381 = arith.constant 64 : index
        %swap3A_382 = tpu.vector_load %arg18[%swap3A_380, %swap3A_381] {strides = array<i32>} : memref<336x128xf32, #tpu.memory_space<vmem>>, vector<16xf32>,
        tpu.vector_store %arg18[%swap3A_380, %swap3A_381], %add3A_379 {strides = array<i32>} : memref<336x128xf32, #tpu.memory_space<vmem>>, vector<16xf32>,
        %get3A_383 = arith.index_cast %squeeze3A_312 : i32 to index
        %get3A_384 = arith.constant 80 : index
        %get3A_385 = tpu.vector_load %arg18[%get3A_383, %get3A_384] {strides = array<i32>} : memref<336x128xf32, #tpu.memory_space<vmem>>, vector<16xf32>,
        %get3A_386 = arith.index_cast %scan3A_304 : i32 to index
        %get3A_387 = arith.constant 80 : index
        %get3A_388 = tpu.vector_load %arg16[%get3A_386, %get3A_387] {strides = array<i32>} : memref<40x128xf32, #tpu.memory_space<vmem>>, vector<16xf32>,
        %mul3A_389 = vector.broadcast %mul3A_322 : f32 to vector<16xf32>
        %mul3A_390 = arith.mulf %get3A_388, %mul3A_389 : vector<16xf32>
        %add3A_391 = arith.addf %get3A_385, %mul3A_390 : vector<16xf32>
        %swap3A_392 = arith.index_cast %squeeze3A_312 : i32 to index
        %swap3A_393 = arith.constant 80 : index
        %swap3A_394 = tpu.vector_load %arg18[%swap3A_392, %swap3A_393] {strides = array<i32>} : memref<336x128xf32, #tpu.memory_space<vmem>>, vector<16xf32>,
        tpu.vector_store %arg18[%swap3A_392, %swap3A_393], %add3A_391 {strides = array<i32>} : memref<336x128xf32, #tpu.memory_space<vmem>>, vector<16xf32>,
        %get3A_395 = arith.index_cast %squeeze3A_312 : i32 to index
        %get3A_396 = arith.constant 96 : index
        %get3A_397 = tpu.vector_load %arg18[%get3A_395, %get3A_396] {strides = array<i32>} : memref<336x128xf32, #tpu.memory_space<vmem>>, vector<16xf32>,
        %get3A_398 = arith.index_cast %scan3A_304 : i32 to index
        %get3A_399 = arith.constant 96 : index
        %get3A_400 = tpu.vector_load %arg16[%get3A_398, %get3A_399] {strides = array<i32>} : memref<40x128xf32, #tpu.memory_space<vmem>>, vector<16xf32>,
        %mul3A_401 = vector.broadcast %mul3A_322 : f32 to vector<16xf32>
        %mul3A_402 = arith.mulf %get3A_400, %mul3A_401 : vector<16xf32>
        %add3A_403 = arith.addf %get3A_397, %mul3A_402 : vector<16xf32>
        %swap3A_404 = arith.index_cast %squeeze3A_312 : i32 to index
        %swap3A_405 = arith.constant 96 : index
        %swap3A_406 = tpu.vector_load %arg18[%swap3A_404, %swap3A_405] {strides = array<i32>} : memref<336x128xf32, #tpu.memory_space<vmem>>, vector<16xf32>,
        tpu.vector_store %arg18[%swap3A_404, %swap3A_405], %add3A_403 {strides = array<i32>} : memref<336x128xf32, #tpu.memory_space<vmem>>, vector<16xf32>,
        %get3A_407 = arith.index_cast %squeeze3A_312 : i32 to index
        %get3A_408 = arith.constant 112 : index
        %get3A_409 = tpu.vector_load %arg18[%get3A_407, %get3A_408] {strides = array<i32>} : memref<336x128xf32, #tpu.memory_space<vmem>>, vector<16xf32>,
        %get3A_410 = arith.index_cast %scan3A_304 : i32 to index
        %get3A_411 = arith.constant 112 : index
        %get3A_412 = tpu.vector_load %arg16[%get3A_410, %get3A_411] {strides = array<i32>} : memref<40x128xf32, #tpu.memory_space<vmem>>, vector<16xf32>,
        %mul3A_413 = vector.broadcast %mul3A_322 : f32 to vector<16xf32>
        %mul3A_414 = arith.mulf %get3A_412, %mul3A_413 : vector<16xf32>
        %add3A_415 = arith.addf %get3A_409, %mul3A_414 : vector<16xf32>
        %swap3A_416 = arith.index_cast %squeeze3A_312 : i32 to index
        %swap3A_417 = arith.constant 112 : index
        %swap3A_418 = tpu.vector_load %arg18[%swap3A_416, %swap3A_417] {strides = array<i32>} : memref<336x128xf32, #tpu.memory_space<vmem>>, vector<16xf32>,
        tpu.vector_store %arg18[%swap3A_416, %swap3A_417], %add3A_415 {strides = array<i32>} : memref<336x128xf32, #tpu.memory_space<vmem>>, vector<16xf32>,
      }
      %scan3A_266 = arith.constant 40 : i32
      %add3A_267 = arith.constant 3 : i32
      %add3A_268 = arith.addi %add3A_255, %add3A_267 : i32
      %sub3A_269 = arith.constant 1 : i32
      %sub3A_270 = arith.subi %mul3A_134, %sub3A_269 : i32
      %min3A_271 = arith.minsi %add3A_268, %sub3A_270 : i32
      %mul3A_272 = arith.constant 40 : i32
      %mul3A_273 = arith.muli %min3A_271, %mul3A_272 : i32
      %dma_start3A_274 = tpu.memref_slice %arg12[%mul3A_273] : memref<13336xi32, #tpu.memory_space<vmem>> -> memref<40xi32, #tpu.memory_space<vmem>>
      %dma_start3A_275 = arith.constant 0 : i32
      %dma_start3A_276 = arith.constant 0 : i32
      %dma_start3A_277 = tpu.memref_slice %arg2[%dma_start3A_275, %dma_start3A_276] : memref<10000x128xf32, #tpu.memory_space<hbm>> -> memref<10000x128xf32, #tpu.memory_space<hbm>>
      tpu.enqueue_indirect_dma source(%dma_start3A_277 : memref<10000x128xf32, #tpu.memory_space<hbm>>) target(%arg16 : memref<40x128xf32, #tpu.memory_space<vmem>>) offsets(%dma_start3A_274 : memref<40xi32, #tpu.memory_space<vmem>>) semaphore(%arg25 : memref<!tpu.dma_semaphore, #tpu.memory_space<semaphore_mem>>)
      %mul3A_278 = arith.constant 3 : i32
      %mul3A_279 = arith.muli %while3A_225, %mul3A_278 : i32
      %add3A_280 = arith.constant 2 : i32
      %add3A_281 = arith.addi %mul3A_279, %add3A_280 : i32
      %dma_wait3A_282 = arith.constant 0 : i32
      %dma_wait3A_283 = tpu.memref_slice %arg12[%dma_wait3A_282] : memref<13336xi32, #tpu.memory_space<vmem>> -> memref<40xi32, #tpu.memory_space<vmem>>
      %dma_wait3A_284 = arith.constant 0 : i32
      %dma_wait3A_285 = arith.constant 0 : i32
      %dma_wait3A_286 = tpu.memref_slice %arg2[%dma_wait3A_284, %dma_wait3A_285] : memref<10000x128xf32, #tpu.memory_space<hbm>> -> memref<10000x128xf32, #tpu.memory_space<hbm>>
      tpu.wait_indirect_dma semaphore(%arg26 : memref<!tpu.dma_semaphore, #tpu.memory_space<semaphore_mem>>) src(%dma_wait3A_286 : memref<10000x128xf32, #tpu.memory_space<hbm>>) dst(%arg17 : memref<40x128xf32, #tpu.memory_space<vmem>>)
      %scan3A_287 = arith.constant 0 : i32
      %scan3A_288 = arith.constant 0 : i32
      %scan3A_289 = arith.constant 40 : i32
      %scan3A_290 = arith.addi %scan3A_288, %scan3A_289 : i32
      %scan3A_291 = arith.constant 1 : i32
      scf.for %scan3A_304 = %scan3A_288 to %scan3A_290 step %scan3A_291  : i32 {
        %mul3A_305 = arith.constant 40 : i32
        %mul3A_306 = arith.muli %add3A_281, %mul3A_305 : i32
        %add3A_307 = arith.addi %mul3A_306, %scan3A_304 : i32
        %get3A = arith.index_cast %add3A_307 : i32 to index
        %get3A_308 = tpu.vector_load %arg12[%get3A] {strides = array<i32>} : memref<13336xi32, #tpu.memory_space<vmem>>, vector<16xi32>,
        %slice3A = vector.extract_strided_slice %get3A_308 {offsets = [0], sizes = [1], strides = [1]} : vector<16xi32> to vector<1xi32>
        %squeeze3A = vector.extract %slice3A[0] : i32 from vector<1xi32>
        %get3A_309 = arith.index_cast %add3A_307 : i32 to index
        %get3A_310 = tpu.vector_load %arg13[%get3A_309] {strides = array<i32>} : memref<13336xi32, #tpu.memory_space<vmem>>, vector<16xi32>,
        %slice3A_311 = vector.extract_strided_slice %get3A_310 {offsets = [0], sizes = [1], strides = [1]} : vector<16xi32> to vector<1xi32>
        %squeeze3A_312 = vector.extract %slice3A_311[0] : i32 from vector<1xi32>
        %get3A_313 = arith.index_cast %squeeze3A : i32 to index
        %get3A_314 = tpu.vector_load %arg14[%get3A_313] {strides = array<i32>} : memref<10016xf32, #tpu.memory_space<vmem>>, vector<16xf32>,
        %slice3A_315 = vector.extract_strided_slice %get3A_314 {offsets = [0], sizes = [1], strides = [1]} : vector<16xf32> to vector<1xf32>
        %squeeze3A_316 = vector.extract %slice3A_315[0] : f32 from vector<1xf32>
        %add3A_317 = arith.addi %mul3A_2, %squeeze3A_312 : i32
        %get3A_318 = arith.index_cast %add3A_317 : i32 to index
        %get3A_319 = tpu.vector_load %arg14[%get3A_318] {strides = array<i32>} : memref<10016xf32, #tpu.memory_space<vmem>>, vector<16xf32>,
        %slice3A_320 = vector.extract_strided_slice %get3A_319 {offsets = [0], sizes = [1], strides = [1]} : vector<16xf32> to vector<1xf32>
        %squeeze3A_321 = vector.extract %slice3A_320[0] : f32 from vector<1xf32>
        %mul3A_322 = arith.mulf %squeeze3A_316, %squeeze3A_321 : f32
        %get3A_323 = arith.index_cast %squeeze3A_312 : i32 to index
        %get3A_324 = arith.constant 0 : index
        %get3A_325 = tpu.vector_load %arg18[%get3A_323, %get3A_324] {strides = array<i32>} : memref<336x128xf32, #tpu.memory_space<vmem>>, vector<16xf32>,
        %get3A_326 = arith.index_cast %scan3A_304 : i32 to index
        %get3A_327 = arith.constant 0 : index
        %get3A_328 = tpu.vector_load %arg17[%get3A_326, %get3A_327] {strides = array<i32>} : memref<40x128xf32, #tpu.memory_space<vmem>>, vector<16xf32>,
        %mul3A_329 = vector.broadcast %mul3A_322 : f32 to vector<16xf32>
        %mul3A_330 = arith.mulf %get3A_328, %mul3A_329 : vector<16xf32>
        %add3A_331 = arith.addf %get3A_325, %mul3A_330 : vector<16xf32>
        %swap3A_332 = arith.index_cast %squeeze3A_312 : i32 to index
        %swap3A_333 = arith.constant 0 : index
        %swap3A_334 = tpu.vector_load %arg18[%swap3A_332, %swap3A_333] {strides = array<i32>} : memref<336x128xf32, #tpu.memory_space<vmem>>, vector<16xf32>,
        tpu.vector_store %arg18[%swap3A_332, %swap3A_333], %add3A_331 {strides = array<i32>} : memref<336x128xf32, #tpu.memory_space<vmem>>, vector<16xf32>,
        %get3A_335 = arith.index_cast %squeeze3A_312 : i32 to index
        %get3A_336 = arith.constant 16 : index
        %get3A_337 = tpu.vector_load %arg18[%get3A_335, %get3A_336] {strides = array<i32>} : memref<336x128xf32, #tpu.memory_space<vmem>>, vector<16xf32>,
        %get3A_338 = arith.index_cast %scan3A_304 : i32 to index
        %get3A_339 = arith.constant 16 : index
        %get3A_340 = tpu.vector_load %arg17[%get3A_338, %get3A_339] {strides = array<i32>} : memref<40x128xf32, #tpu.memory_space<vmem>>, vector<16xf32>,
        %mul3A_341 = vector.broadcast %mul3A_322 : f32 to vector<16xf32>
        %mul3A_342 = arith.mulf %get3A_340, %mul3A_341 : vector<16xf32>
        %add3A_343 = arith.addf %get3A_337, %mul3A_342 : vector<16xf32>
        %swap3A_344 = arith.index_cast %squeeze3A_312 : i32 to index
        %swap3A_345 = arith.constant 16 : index
        %swap3A_346 = tpu.vector_load %arg18[%swap3A_344, %swap3A_345] {strides = array<i32>} : memref<336x128xf32, #tpu.memory_space<vmem>>, vector<16xf32>,
        tpu.vector_store %arg18[%swap3A_344, %swap3A_345], %add3A_343 {strides = array<i32>} : memref<336x128xf32, #tpu.memory_space<vmem>>, vector<16xf32>,
        %get3A_347 = arith.index_cast %squeeze3A_312 : i32 to index
        %get3A_348 = arith.constant 32 : index
        %get3A_349 = tpu.vector_load %arg18[%get3A_347, %get3A_348] {strides = array<i32>} : memref<336x128xf32, #tpu.memory_space<vmem>>, vector<16xf32>,
        %get3A_350 = arith.index_cast %scan3A_304 : i32 to index
        %get3A_351 = arith.constant 32 : index
        %get3A_352 = tpu.vector_load %arg17[%get3A_350, %get3A_351] {strides = array<i32>} : memref<40x128xf32, #tpu.memory_space<vmem>>, vector<16xf32>,
        %mul3A_353 = vector.broadcast %mul3A_322 : f32 to vector<16xf32>
        %mul3A_354 = arith.mulf %get3A_352, %mul3A_353 : vector<16xf32>
        %add3A_355 = arith.addf %get3A_349, %mul3A_354 : vector<16xf32>
        %swap3A_356 = arith.index_cast %squeeze3A_312 : i32 to index
        %swap3A_357 = arith.constant 32 : index
        %swap3A_358 = tpu.vector_load %arg18[%swap3A_356, %swap3A_357] {strides = array<i32>} : memref<336x128xf32, #tpu.memory_space<vmem>>, vector<16xf32>,
        tpu.vector_store %arg18[%swap3A_356, %swap3A_357], %add3A_355 {strides = array<i32>} : memref<336x128xf32, #tpu.memory_space<vmem>>, vector<16xf32>,
        %get3A_359 = arith.index_cast %squeeze3A_312 : i32 to index
        %get3A_360 = arith.constant 48 : index
        %get3A_361 = tpu.vector_load %arg18[%get3A_359, %get3A_360] {strides = array<i32>} : memref<336x128xf32, #tpu.memory_space<vmem>>, vector<16xf32>,
        %get3A_362 = arith.index_cast %scan3A_304 : i32 to index
        %get3A_363 = arith.constant 48 : index
        %get3A_364 = tpu.vector_load %arg17[%get3A_362, %get3A_363] {strides = array<i32>} : memref<40x128xf32, #tpu.memory_space<vmem>>, vector<16xf32>,
        %mul3A_365 = vector.broadcast %mul3A_322 : f32 to vector<16xf32>
        %mul3A_366 = arith.mulf %get3A_364, %mul3A_365 : vector<16xf32>
        %add3A_367 = arith.addf %get3A_361, %mul3A_366 : vector<16xf32>
        %swap3A_368 = arith.index_cast %squeeze3A_312 : i32 to index
        %swap3A_369 = arith.constant 48 : index
        %swap3A_370 = tpu.vector_load %arg18[%swap3A_368, %swap3A_369] {strides = array<i32>} : memref<336x128xf32, #tpu.memory_space<vmem>>, vector<16xf32>,
        tpu.vector_store %arg18[%swap3A_368, %swap3A_369], %add3A_367 {strides = array<i32>} : memref<336x128xf32, #tpu.memory_space<vmem>>, vector<16xf32>,
        %get3A_371 = arith.index_cast %squeeze3A_312 : i32 to index
        %get3A_372 = arith.constant 64 : index
        %get3A_373 = tpu.vector_load %arg18[%get3A_371, %get3A_372] {strides = array<i32>} : memref<336x128xf32, #tpu.memory_space<vmem>>, vector<16xf32>,
        %get3A_374 = arith.index_cast %scan3A_304 : i32 to index
        %get3A_375 = arith.constant 64 : index
        %get3A_376 = tpu.vector_load %arg17[%get3A_374, %get3A_375] {strides = array<i32>} : memref<40x128xf32, #tpu.memory_space<vmem>>, vector<16xf32>,
        %mul3A_377 = vector.broadcast %mul3A_322 : f32 to vector<16xf32>
        %mul3A_378 = arith.mulf %get3A_376, %mul3A_377 : vector<16xf32>
        %add3A_379 = arith.addf %get3A_373, %mul3A_378 : vector<16xf32>
        %swap3A_380 = arith.index_cast %squeeze3A_312 : i32 to index
        %swap3A_381 = arith.constant 64 : index
        %swap3A_382 = tpu.vector_load %arg18[%swap3A_380, %swap3A_381] {strides = array<i32>} : memref<336x128xf32, #tpu.memory_space<vmem>>, vector<16xf32>,
        tpu.vector_store %arg18[%swap3A_380, %swap3A_381], %add3A_379 {strides = array<i32>} : memref<336x128xf32, #tpu.memory_space<vmem>>, vector<16xf32>,
        %get3A_383 = arith.index_cast %squeeze3A_312 : i32 to index
        %get3A_384 = arith.constant 80 : index
        %get3A_385 = tpu.vector_load %arg18[%get3A_383, %get3A_384] {strides = array<i32>} : memref<336x128xf32, #tpu.memory_space<vmem>>, vector<16xf32>,
        %get3A_386 = arith.index_cast %scan3A_304 : i32 to index
        %get3A_387 = arith.constant 80 : index
        %get3A_388 = tpu.vector_load %arg17[%get3A_386, %get3A_387] {strides = array<i32>} : memref<40x128xf32, #tpu.memory_space<vmem>>, vector<16xf32>,
        %mul3A_389 = vector.broadcast %mul3A_322 : f32 to vector<16xf32>
        %mul3A_390 = arith.mulf %get3A_388, %mul3A_389 : vector<16xf32>
        %add3A_391 = arith.addf %get3A_385, %mul3A_390 : vector<16xf32>
        %swap3A_392 = arith.index_cast %squeeze3A_312 : i32 to index
        %swap3A_393 = arith.constant 80 : index
        %swap3A_394 = tpu.vector_load %arg18[%swap3A_392, %swap3A_393] {strides = array<i32>} : memref<336x128xf32, #tpu.memory_space<vmem>>, vector<16xf32>,
        tpu.vector_store %arg18[%swap3A_392, %swap3A_393], %add3A_391 {strides = array<i32>} : memref<336x128xf32, #tpu.memory_space<vmem>>, vector<16xf32>,
        %get3A_395 = arith.index_cast %squeeze3A_312 : i32 to index
        %get3A_396 = arith.constant 96 : index
        %get3A_397 = tpu.vector_load %arg18[%get3A_395, %get3A_396] {strides = array<i32>} : memref<336x128xf32, #tpu.memory_space<vmem>>, vector<16xf32>,
        %get3A_398 = arith.index_cast %scan3A_304 : i32 to index
        %get3A_399 = arith.constant 96 : index
        %get3A_400 = tpu.vector_load %arg17[%get3A_398, %get3A_399] {strides = array<i32>} : memref<40x128xf32, #tpu.memory_space<vmem>>, vector<16xf32>,
        %mul3A_401 = vector.broadcast %mul3A_322 : f32 to vector<16xf32>
        %mul3A_402 = arith.mulf %get3A_400, %mul3A_401 : vector<16xf32>
        %add3A_403 = arith.addf %get3A_397, %mul3A_402 : vector<16xf32>
        %swap3A_404 = arith.index_cast %squeeze3A_312 : i32 to index
        %swap3A_405 = arith.constant 96 : index
        %swap3A_406 = tpu.vector_load %arg18[%swap3A_404, %swap3A_405] {strides = array<i32>} : memref<336x128xf32, #tpu.memory_space<vmem>>, vector<16xf32>,
        tpu.vector_store %arg18[%swap3A_404, %swap3A_405], %add3A_403 {strides = array<i32>} : memref<336x128xf32, #tpu.memory_space<vmem>>, vector<16xf32>,
        %get3A_407 = arith.index_cast %squeeze3A_312 : i32 to index
        %get3A_408 = arith.constant 112 : index
        %get3A_409 = tpu.vector_load %arg18[%get3A_407, %get3A_408] {strides = array<i32>} : memref<336x128xf32, #tpu.memory_space<vmem>>, vector<16xf32>,
        %get3A_410 = arith.index_cast %scan3A_304 : i32 to index
        %get3A_411 = arith.constant 112 : index
        %get3A_412 = tpu.vector_load %arg17[%get3A_410, %get3A_411] {strides = array<i32>} : memref<40x128xf32, #tpu.memory_space<vmem>>, vector<16xf32>,
        %mul3A_413 = vector.broadcast %mul3A_322 : f32 to vector<16xf32>
        %mul3A_414 = arith.mulf %get3A_412, %mul3A_413 : vector<16xf32>
        %add3A_415 = arith.addf %get3A_409, %mul3A_414 : vector<16xf32>
        %swap3A_416 = arith.index_cast %squeeze3A_312 : i32 to index
        %swap3A_417 = arith.constant 112 : index
        %swap3A_418 = tpu.vector_load %arg18[%swap3A_416, %swap3A_417] {strides = array<i32>} : memref<336x128xf32, #tpu.memory_space<vmem>>, vector<16xf32>,
        tpu.vector_store %arg18[%swap3A_416, %swap3A_417], %add3A_415 {strides = array<i32>} : memref<336x128xf32, #tpu.memory_space<vmem>>, vector<16xf32>,
      }
      %scan3A_292 = arith.constant 40 : i32
      %add3A_293 = arith.constant 3 : i32
      %add3A_294 = arith.addi %add3A_281, %add3A_293 : i32
      %sub3A_295 = arith.constant 1 : i32
      %sub3A_296 = arith.subi %mul3A_134, %sub3A_295 : i32
      %min3A_297 = arith.minsi %add3A_294, %sub3A_296 : i32
      %mul3A_298 = arith.constant 40 : i32
      %mul3A_299 = arith.muli %min3A_297, %mul3A_298 : i32
      %dma_start3A_300 = tpu.memref_slice %arg12[%mul3A_299] : memref<13336xi32, #tpu.memory_space<vmem>> -> memref<40xi32, #tpu.memory_space<vmem>>
      %dma_start3A_301 = arith.constant 0 : i32
      %dma_start3A_302 = arith.constant 0 : i32
      %dma_start3A_303 = tpu.memref_slice %arg2[%dma_start3A_301, %dma_start3A_302] : memref<10000x128xf32, #tpu.memory_space<hbm>> -> memref<10000x128xf32, #tpu.memory_space<hbm>>
      tpu.enqueue_indirect_dma source(%dma_start3A_303 : memref<10000x128xf32, #tpu.memory_space<hbm>>) target(%arg17 : memref<40x128xf32, #tpu.memory_space<vmem>>) offsets(%dma_start3A_300 : memref<40xi32, #tpu.memory_space<vmem>>) semaphore(%arg26 : memref<!tpu.dma_semaphore, #tpu.memory_space<semaphore_mem>>)
    }
    %dma_wait3A_203 = arith.constant 0 : i32
    %dma_wait3A_204 = tpu.memref_slice %arg12[%dma_wait3A_203] : memref<13336xi32, #tpu.memory_space<vmem>> -> memref<40xi32, #tpu.memory_space<vmem>>
    %dma_wait3A_205 = arith.constant 0 : i32
    %dma_wait3A_206 = arith.constant 0 : i32
    %dma_wait3A_207 = tpu.memref_slice %arg2[%dma_wait3A_205, %dma_wait3A_206] : memref<10000x128xf32, #tpu.memory_space<hbm>> -> memref<10000x128xf32, #tpu.memory_space<hbm>>
    tpu.wait_indirect_dma semaphore(%arg24 : memref<!tpu.dma_semaphore, #tpu.memory_space<semaphore_mem>>) src(%dma_wait3A_207 : memref<10000x128xf32, #tpu.memory_space<hbm>>) dst(%arg15 : memref<40x128xf32, #tpu.memory_space<vmem>>)
    %dma_wait3A_208 = arith.constant 0 : i32
    %dma_wait3A_209 = tpu.memref_slice %arg12[%dma_wait3A_208] : memref<13336xi32, #tpu.memory_space<vmem>> -> memref<40xi32, #tpu.memory_space<vmem>>
    %dma_wait3A_210 = arith.constant 0 : i32
    %dma_wait3A_211 = arith.constant 0 : i32
    %dma_wait3A_212 = tpu.memref_slice %arg2[%dma_wait3A_210, %dma_wait3A_211] : memref<10000x128xf32, #tpu.memory_space<hbm>> -> memref<10000x128xf32, #tpu.memory_space<hbm>>
    tpu.wait_indirect_dma semaphore(%arg25 : memref<!tpu.dma_semaphore, #tpu.memory_space<semaphore_mem>>) src(%dma_wait3A_212 : memref<10000x128xf32, #tpu.memory_space<hbm>>) dst(%arg16 : memref<40x128xf32, #tpu.memory_space<vmem>>)
    %dma_wait3A_213 = arith.constant 0 : i32
    %dma_wait3A_214 = tpu.memref_slice %arg12[%dma_wait3A_213] : memref<13336xi32, #tpu.memory_space<vmem>> -> memref<40xi32, #tpu.memory_space<vmem>>
    %dma_wait3A_215 = arith.constant 0 : i32
    %dma_wait3A_216 = arith.constant 0 : i32
    %dma_wait3A_217 = tpu.memref_slice %arg2[%dma_wait3A_215, %dma_wait3A_216] : memref<10000x128xf32, #tpu.memory_space<hbm>> -> memref<10000x128xf32, #tpu.memory_space<hbm>>
    tpu.wait_indirect_dma semaphore(%arg26 : memref<!tpu.dma_semaphore, #tpu.memory_space<semaphore_mem>>) src(%dma_wait3A_217 : memref<10000x128xf32, #tpu.memory_space<hbm>>) dst(%arg17 : memref<40x128xf32, #tpu.memory_space<vmem>>)
    %lt3A = arith.constant 31 : i32
    %lt3A_218 = arith.cmpi slt, %add3A, %lt3A : i32
    %convert_element_type3A = arith.extui %lt3A_218 : i1 to i32
    %cond3A = arith.constant 0 : i32
    %cond3A_219 = arith.cmpi ne, %convert_element_type3A, %cond3A : i32
    scf.if %cond3A_219 {
      "tpu.region"() ({
        %run_scoped3A = tpu.sem_alloc : memref<!tpu.dma_semaphore, #tpu.memory_space<semaphore_mem>>
        %dma_start3A_225 = arith.constant 0 : i32
        %dma_start3A_226 = arith.constant 0 : i32
        %dma_start3A_227 = tpu.memref_slice %arg18[%dma_start3A_225, %dma_start3A_226] : memref<336x128xf32, #tpu.memory_space<vmem>> -> memref<312x128xf32, #tpu.memory_space<vmem>>
        %dma_start3A_228 = arith.constant 0 : i32
        %dma_start3A_229 = tpu.memref_slice %arg7[%mul3A_2, %dma_start3A_228] : memref<10000x128xf32, #tpu.memory_space<hbm>> -> memref<312x128xf32, #tpu.memory_space<hbm>>
        %dma_start3A_230 = arith.constant 0 : i32
        %dma_start3A_231 = tpu.memref_slice %arg7[%mul3A_2, %dma_start3A_230] : memref<10000x128xf32, #tpu.memory_space<hbm>> -> memref<312x128xf32, #tpu.memory_space<hbm>>
        %dma_start3A_232 = arith.constant 0 : i32
        %dma_start3A_233 = arith.constant 0 : i32
        %dma_start3A_234 = tpu.memref_slice %arg18[%dma_start3A_232, %dma_start3A_233] : memref<336x128xf32, #tpu.memory_space<vmem>> -> memref<312x128xf32, #tpu.memory_space<vmem>>
        tpu.enqueue_dma source(%dma_start3A_234 : memref<312x128xf32, #tpu.memory_space<vmem>>) target(%dma_start3A_231 : memref<312x128xf32, #tpu.memory_space<hbm>>) target_semaphore(%run_scoped3A : memref<!tpu.dma_semaphore, #tpu.memory_space<semaphore_mem>>)
        %dma_wait3A_235 = arith.constant 0 : i32
        %dma_wait3A_236 = arith.constant 0 : i32
        %dma_wait3A_237 = tpu.memref_slice %arg18[%dma_wait3A_235, %dma_wait3A_236] : memref<336x128xf32, #tpu.memory_space<vmem>> -> memref<312x128xf32, #tpu.memory_space<vmem>>
        %dma_wait3A_238 = arith.constant 0 : i32
        %dma_wait3A_239 = tpu.memref_slice %arg7[%mul3A_2, %dma_wait3A_238] : memref<10000x128xf32, #tpu.memory_space<hbm>> -> memref<312x128xf32, #tpu.memory_space<hbm>>
        %dma_wait3A_240 = arith.constant 0 : i32
        %dma_wait3A_241 = tpu.memref_slice %arg7[%mul3A_2, %dma_wait3A_240] : memref<10000x128xf32, #tpu.memory_space<hbm>> -> memref<312x128xf32, #tpu.memory_space<hbm>>
        %dma_wait3A_242 = arith.constant 0 : i32
        %dma_wait3A_243 = arith.constant 0 : i32
        %dma_wait3A_244 = tpu.memref_slice %arg18[%dma_wait3A_242, %dma_wait3A_243] : memref<336x128xf32, #tpu.memory_space<vmem>> -> memref<312x128xf32, #tpu.memory_space<vmem>>
        tpu.wait_dma2 semaphore(%run_scoped3A : memref<!tpu.dma_semaphore, #tpu.memory_space<semaphore_mem>>) src(%dma_wait3A_244 : memref<312x128xf32, #tpu.memory_space<vmem>>) dst(%dma_wait3A_241 : memref<312x128xf32, #tpu.memory_space<hbm>>)
        tpu.yield
      }) : () -> ()
    } else {
    }
    %eq3A_220 = arith.constant 31 : i32
    %eq3A_221 = arith.cmpi eq, %add3A, %eq3A_220 : i32
    %convert_element_type3A_222 = arith.extui %eq3A_221 : i1 to i32
    %cond3A_223 = arith.constant 0 : i32
    %cond3A_224 = arith.cmpi ne, %convert_element_type3A_222, %cond3A_223 : i32
    scf.if %cond3A_224 {
      "tpu.region"() ({
        %run_scoped3A = tpu.sem_alloc : memref<!tpu.dma_semaphore, #tpu.memory_space<semaphore_mem>>
        %dma_start3A_225 = arith.constant 0 : i32
        %dma_start3A_226 = arith.constant 0 : i32
        %dma_start3A_227 = tpu.memref_slice %arg18[%dma_start3A_225, %dma_start3A_226] : memref<336x128xf32, #tpu.memory_space<vmem>> -> memref<328x128xf32, #tpu.memory_space<vmem>>
        %dma_start3A_228 = arith.constant 9672 : i32
        %dma_start3A_229 = arith.constant 0 : i32
        %dma_start3A_230 = tpu.memref_slice %arg7[%dma_start3A_228, %dma_start3A_229] : memref<10000x128xf32, #tpu.memory_space<hbm>> -> memref<328x128xf32, #tpu.memory_space<hbm>>
        %dma_start3A_231 = arith.constant 9672 : i32
        %dma_start3A_232 = arith.constant 0 : i32
        %dma_start3A_233 = tpu.memref_slice %arg7[%dma_start3A_231, %dma_start3A_232] : memref<10000x128xf32, #tpu.memory_space<hbm>> -> memref<328x128xf32, #tpu.memory_space<hbm>>
        %dma_start3A_234 = arith.constant 0 : i32
        %dma_start3A_235 = arith.constant 0 : i32
        %dma_start3A_236 = tpu.memref_slice %arg18[%dma_start3A_234, %dma_start3A_235] : memref<336x128xf32, #tpu.memory_space<vmem>> -> memref<328x128xf32, #tpu.memory_space<vmem>>
        tpu.enqueue_dma source(%dma_start3A_236 : memref<328x128xf32, #tpu.memory_space<vmem>>) target(%dma_start3A_233 : memref<328x128xf32, #tpu.memory_space<hbm>>) target_semaphore(%run_scoped3A : memref<!tpu.dma_semaphore, #tpu.memory_space<semaphore_mem>>)
        %dma_wait3A_237 = arith.constant 0 : i32
        %dma_wait3A_238 = arith.constant 0 : i32
        %dma_wait3A_239 = tpu.memref_slice %arg18[%dma_wait3A_237, %dma_wait3A_238] : memref<336x128xf32, #tpu.memory_space<vmem>> -> memref<328x128xf32, #tpu.memory_space<vmem>>
        %dma_wait3A_240 = arith.constant 9672 : i32
        %dma_wait3A_241 = arith.constant 0 : i32
        %dma_wait3A_242 = tpu.memref_slice %arg7[%dma_wait3A_240, %dma_wait3A_241] : memref<10000x128xf32, #tpu.memory_space<hbm>> -> memref<328x128xf32, #tpu.memory_space<hbm>>
        %dma_wait3A_243 = arith.constant 9672 : i32
        %dma_wait3A_244 = arith.constant 0 : i32
        %dma_wait3A_245 = tpu.memref_slice %arg7[%dma_wait3A_243, %dma_wait3A_244] : memref<10000x128xf32, #tpu.memory_space<hbm>> -> memref<328x128xf32, #tpu.memory_space<hbm>>
        %dma_wait3A_246 = arith.constant 0 : i32
        %dma_wait3A_247 = arith.constant 0 : i32
        %dma_wait3A_248 = tpu.memref_slice %arg18[%dma_wait3A_246, %dma_wait3A_247] : memref<336x128xf32, #tpu.memory_space<vmem>> -> memref<328x128xf32, #tpu.memory_space<vmem>>
        tpu.wait_dma2 semaphore(%run_scoped3A : memref<!tpu.dma_semaphore, #tpu.memory_space<semaphore_mem>>) src(%dma_wait3A_248 : memref<328x128xf32, #tpu.memory_space<vmem>>) dst(%dma_wait3A_245 : memref<328x128xf32, #tpu.memory_space<hbm>>)
        tpu.yield
      }) : () -> ()
    } else {
    }
    return
  }
}

#map = affine_map<(d0, d1) -> (0)>
module attributes {stable_mosaic.version = 14 : i64} {
  func.func @_deg_kernel(%arg0: i32, %arg1: i32, %arg2: memref<320000xi32, #tpu.memory_space<hbm>>, %arg3: memref<10000xf32, #tpu.memory_space<hbm>>, %arg4: memref<320000xf32, #tpu.memory_space<hbm>>, %arg5: memref<10000xi32, #tpu.memory_space<vmem>>, %arg6: memref<10000xf32, #tpu.memory_space<vmem>>) attributes {dimension_semantics = [#tpu.dimension_semantics<core_parallel>, #tpu.dimension_semantics<subcore_parallel>], iteration_bounds = array<i64: 2, 16>, scalar_prefetch = 0 : i64, scratch_operands = 2 : i64, tpu.core_type = #tpu.core_type<sc_vector_subcore>, window_params = [{transform_indices = #map}, {transform_indices = #map}, {transform_indices = #map}]} {
    %mul3A = arith.constant 16 : i32
    %mul3A_0 = arith.muli %arg0, %mul3A : i32
    %add3A = arith.addi %mul3A_0, %arg1 : i32
    "tpu.region"() ({
      %run_scoped3A = tpu.sem_alloc : memref<!tpu.dma_semaphore, #tpu.memory_space<semaphore_mem>>
      tpu.enqueue_dma source(%arg3 : memref<10000xf32, #tpu.memory_space<hbm>>) target(%arg6 : memref<10000xf32, #tpu.memory_space<vmem>>) target_semaphore(%run_scoped3A : memref<!tpu.dma_semaphore, #tpu.memory_space<semaphore_mem>>)
      tpu.wait_dma2 semaphore(%run_scoped3A : memref<!tpu.dma_semaphore, #tpu.memory_space<semaphore_mem>>) src(%arg3 : memref<10000xf32, #tpu.memory_space<hbm>>) dst(%arg6 : memref<10000xf32, #tpu.memory_space<vmem>>)
      tpu.yield
    }) : () -> ()
    %mul3A_1 = arith.constant 10000 : i32
    %mul3A_2 = arith.muli %add3A, %mul3A_1 : i32
    "tpu.region"() ({
      %run_scoped3A = tpu.sem_alloc : memref<!tpu.dma_semaphore, #tpu.memory_space<semaphore_mem>>
      %dma_start3A = tpu.memref_slice %arg2[%mul3A_2] : memref<320000xi32, #tpu.memory_space<hbm>> -> memref<10000xi32, #tpu.memory_space<hbm>>
      %dma_start3A_11 = tpu.memref_slice %arg2[%mul3A_2] : memref<320000xi32, #tpu.memory_space<hbm>> -> memref<10000xi32, #tpu.memory_space<hbm>>
      tpu.enqueue_dma source(%dma_start3A_11 : memref<10000xi32, #tpu.memory_space<hbm>>) target(%arg5 : memref<10000xi32, #tpu.memory_space<vmem>>) target_semaphore(%run_scoped3A : memref<!tpu.dma_semaphore, #tpu.memory_space<semaphore_mem>>)
      %dma_wait3A = tpu.memref_slice %arg2[%mul3A_2] : memref<320000xi32, #tpu.memory_space<hbm>> -> memref<10000xi32, #tpu.memory_space<hbm>>
      %dma_wait3A_12 = tpu.memref_slice %arg2[%mul3A_2] : memref<320000xi32, #tpu.memory_space<hbm>> -> memref<10000xi32, #tpu.memory_space<hbm>>
      tpu.wait_dma2 semaphore(%run_scoped3A : memref<!tpu.dma_semaphore, #tpu.memory_space<semaphore_mem>>) src(%dma_wait3A_12 : memref<10000xi32, #tpu.memory_space<hbm>>) dst(%arg5 : memref<10000xi32, #tpu.memory_space<vmem>>)
      tpu.yield
    }) : () -> ()
    %broadcast_in_dim3A = arith.constant 1.000000e+00 : f32
    %broadcast_in_dim3A_3 = vector.broadcast %broadcast_in_dim3A : f32 to vector<16xf32>
    %scan3A = arith.constant 0 : i32
    %scan3A_4 = arith.constant 0 : i32
    %scan3A_5 = arith.constant 625 : i32
    %scan3A_6 = arith.addi %scan3A_4, %scan3A_5 : i32
    %scan3A_7 = arith.constant 1 : i32
    scf.for %scan3A_11 = %scan3A_4 to %scan3A_6 step %scan3A_7  : i32 {
      %mul3A_12 = arith.constant 16 : i32
      %mul3A_13 = arith.muli %scan3A_11, %mul3A_12 : i32
      %get3A = arith.index_cast %mul3A_13 : i32 to index
      %get3A_14 = tpu.vector_load %arg5[%get3A] {strides = array<i32>} : memref<10000xi32, #tpu.memory_space<vmem>>, vector<16xi32>,
      tpu.vector_store_idx %arg6[%get3A_14], %broadcast_in_dim3A_3 {add = true} : memref<10000xf32, #tpu.memory_space<vmem>>[vector<16xi32>], vector<16xf32>,
    }
    %scan3A_8 = arith.constant 625 : i32
    %mul3A_9 = arith.constant 10000 : i32
    %mul3A_10 = arith.muli %add3A, %mul3A_9 : i32
    "tpu.region"() ({
      %run_scoped3A = tpu.sem_alloc : memref<!tpu.dma_semaphore, #tpu.memory_space<semaphore_mem>>
      %dma_start3A = tpu.memref_slice %arg4[%mul3A_10] : memref<320000xf32, #tpu.memory_space<hbm>> -> memref<10000xf32, #tpu.memory_space<hbm>>
      %dma_start3A_11 = tpu.memref_slice %arg4[%mul3A_10] : memref<320000xf32, #tpu.memory_space<hbm>> -> memref<10000xf32, #tpu.memory_space<hbm>>
      tpu.enqueue_dma source(%arg6 : memref<10000xf32, #tpu.memory_space<vmem>>) target(%dma_start3A_11 : memref<10000xf32, #tpu.memory_space<hbm>>) target_semaphore(%run_scoped3A : memref<!tpu.dma_semaphore, #tpu.memory_space<semaphore_mem>>)
      %dma_wait3A = tpu.memref_slice %arg4[%mul3A_10] : memref<320000xf32, #tpu.memory_space<hbm>> -> memref<10000xf32, #tpu.memory_space<hbm>>
      %dma_wait3A_12 = tpu.memref_slice %arg4[%mul3A_10] : memref<320000xf32, #tpu.memory_space<hbm>> -> memref<10000xf32, #tpu.memory_space<hbm>>
      tpu.wait_dma2 semaphore(%run_scoped3A : memref<!tpu.dma_semaphore, #tpu.memory_space<semaphore_mem>>) src(%arg6 : memref<10000xf32, #tpu.memory_space<vmem>>) dst(%dma_wait3A_12 : memref<10000xf32, #tpu.memory_space<hbm>>)
      tpu.yield
    }) : () -> ()
    return
  }
}

#map = affine_map<(d0, d1) -> (0, 0)>
#map1 = affine_map<(d0, d1) -> (0)>
#map2 = affine_map<(d0, d1) -> (0, 0, 0)>
module attributes {stable_mosaic.version = 14 : i64} {
  func.func @_agg_kernel(%arg0: i32, %arg1: i32, %arg2: memref<10000x128xf32, #tpu.memory_space<hbm>>, %arg3: memref<320000xi32, #tpu.memory_space<hbm>>, %arg4: memref<320000xi32, #tpu.memory_space<hbm>>, %arg5: memref<624x128xf32, #tpu.memory_space<hbm>>, %arg6: memref<2x10000x128xf32, #tpu.memory_space<hbm>>, %arg7: memref<10000xi32, #tpu.memory_space<vmem>>, %arg8: memref<40xi32, #tpu.memory_space<vmem>>, %arg9: memref<40xi32, #tpu.memory_space<vmem>>, %arg10: memref<40xi32, #tpu.memory_space<vmem>>, %arg11: memref<40xi32, #tpu.memory_space<vmem>>, %arg12: memref<40xi32, #tpu.memory_space<vmem>>, %arg13: memref<40x128xf32, #tpu.memory_space<vmem>>, %arg14: memref<40x128xf32, #tpu.memory_space<vmem>>, %arg15: memref<40x128xf32, #tpu.memory_space<vmem>>, %arg16: memref<40x128xf32, #tpu.memory_space<vmem>>, %arg17: memref<40x128xf32, #tpu.memory_space<vmem>>, %arg18: memref<10000x128xf32, #tpu.memory_space<vmem_shared>>, %arg19: memref<!tpu.dma_semaphore, #tpu.memory_space<semaphore_mem>>, %arg20: memref<!tpu.dma_semaphore, #tpu.memory_space<semaphore_mem>>, %arg21: memref<!tpu.dma_semaphore, #tpu.memory_space<semaphore_mem>>, %arg22: memref<!tpu.dma_semaphore, #tpu.memory_space<semaphore_mem>>, %arg23: memref<!tpu.dma_semaphore, #tpu.memory_space<semaphore_mem>>, %arg24: memref<!tpu.dma_semaphore, #tpu.memory_space<semaphore_mem>>, %arg25: memref<!tpu.dma_semaphore, #tpu.memory_space<semaphore_mem>>, %arg26: memref<!tpu.dma_semaphore, #tpu.memory_space<semaphore_mem>>, %arg27: memref<!tpu.dma_semaphore, #tpu.memory_space<semaphore_mem>>, %arg28: memref<!tpu.dma_semaphore, #tpu.memory_space<semaphore_mem>>, %arg29: memref<!tpu.dma_semaphore, #tpu.memory_space<semaphore_mem>>) attributes {dimension_semantics = [#tpu.dimension_semantics<core_parallel>, #tpu.dimension_semantics<subcore_parallel>], iteration_bounds = array<i64: 2, 16>, scalar_prefetch = 0 : i64, scratch_operands = 23 : i64, tpu.core_type = #tpu.core_type<sc_vector_subcore>, window_params = [{transform_indices = #map}, {transform_indices = #map1}, {transform_indices = #map1}, {transform_indices = #map}, {transform_indices = #map2}]} {
    %mul3A = arith.constant 624 : i32
    %mul3A_0 = arith.muli %arg1, %mul3A : i32
    %eq3A = arith.constant 15 : i32
    %eq3A_1 = arith.cmpi eq, %arg1, %eq3A : i32
    %mul3A_2 = arith.constant 16 : i32
    %mul3A_3 = arith.muli %arg0, %mul3A_2 : i32
    %add3A = arith.addi %mul3A_3, %arg1 : i32
    %mul3A_4 = arith.constant 10000 : i32
    %mul3A_5 = arith.muli %add3A, %mul3A_4 : i32
    %dma_start3A = arith.constant 0 : i32
    %dma_start3A_6 = tpu.memref_slice %arg18[%mul3A_0, %dma_start3A] : memref<10000x128xf32, #tpu.memory_space<vmem_shared>> -> memref<624x128xf32, #tpu.memory_space<vmem_shared>>
    %dma_start3A_7 = arith.constant 0 : i32
    %dma_start3A_8 = arith.constant 0 : i32
    %dma_start3A_9 = tpu.memref_slice %arg5[%dma_start3A_7, %dma_start3A_8] : memref<624x128xf32, #tpu.memory_space<hbm>> -> memref<624x128xf32, #tpu.memory_space<hbm>>
    tpu.enqueue_dma source(%dma_start3A_9 : memref<624x128xf32, #tpu.memory_space<hbm>>) target(%dma_start3A_6 : memref<624x128xf32, #tpu.memory_space<vmem_shared>>) target_semaphore(%arg19 : memref<!tpu.dma_semaphore, #tpu.memory_space<semaphore_mem>>)
    "tpu.region"() ({
      %run_scoped3A = tpu.sem_alloc : memref<!tpu.dma_semaphore, #tpu.memory_space<semaphore_mem>>
      %dma_start3A_114 = tpu.memref_slice %arg3[%mul3A_5] : memref<320000xi32, #tpu.memory_space<hbm>> -> memref<10000xi32, #tpu.memory_space<hbm>>
      %dma_start3A_115 = tpu.memref_slice %arg3[%mul3A_5] : memref<320000xi32, #tpu.memory_space<hbm>> -> memref<10000xi32, #tpu.memory_space<hbm>>
      tpu.enqueue_dma source(%dma_start3A_115 : memref<10000xi32, #tpu.memory_space<hbm>>) target(%arg7 : memref<10000xi32, #tpu.memory_space<vmem>>) target_semaphore(%run_scoped3A : memref<!tpu.dma_semaphore, #tpu.memory_space<semaphore_mem>>)
      %dma_wait3A_116 = tpu.memref_slice %arg3[%mul3A_5] : memref<320000xi32, #tpu.memory_space<hbm>> -> memref<10000xi32, #tpu.memory_space<hbm>>
      %dma_wait3A_117 = tpu.memref_slice %arg3[%mul3A_5] : memref<320000xi32, #tpu.memory_space<hbm>> -> memref<10000xi32, #tpu.memory_space<hbm>>
      tpu.wait_dma2 semaphore(%run_scoped3A : memref<!tpu.dma_semaphore, #tpu.memory_space<semaphore_mem>>) src(%dma_wait3A_117 : memref<10000xi32, #tpu.memory_space<hbm>>) dst(%arg7 : memref<10000xi32, #tpu.memory_space<vmem>>)
      tpu.yield
    }) : () -> ()
    %add3A_10 = arith.constant 0 : i32
    %add3A_11 = arith.addi %mul3A_5, %add3A_10 : i32
    %dma_start3A_12 = tpu.memref_slice %arg4[%add3A_11] : memref<320000xi32, #tpu.memory_space<hbm>> -> memref<40xi32, #tpu.memory_space<hbm>>
    %dma_start3A_13 = tpu.memref_slice %arg4[%add3A_11] : memref<320000xi32, #tpu.memory_space<hbm>> -> memref<40xi32, #tpu.memory_space<hbm>>
    tpu.enqueue_dma source(%dma_start3A_13 : memref<40xi32, #tpu.memory_space<hbm>>) target(%arg8 : memref<40xi32, #tpu.memory_space<vmem>>) target_semaphore(%arg20 : memref<!tpu.dma_semaphore, #tpu.memory_space<semaphore_mem>>)
    %dma_start3A_14 = arith.constant 0 : i32
    %dma_start3A_15 = tpu.memref_slice %arg7[%dma_start3A_14] : memref<10000xi32, #tpu.memory_space<vmem>> -> memref<40xi32, #tpu.memory_space<vmem>>
    %dma_start3A_16 = arith.constant 0 : i32
    %dma_start3A_17 = arith.constant 0 : i32
    %dma_start3A_18 = tpu.memref_slice %arg2[%dma_start3A_16, %dma_start3A_17] : memref<10000x128xf32, #tpu.memory_space<hbm>> -> memref<10000x128xf32, #tpu.memory_space<hbm>>
    tpu.enqueue_indirect_dma source(%dma_start3A_18 : memref<10000x128xf32, #tpu.memory_space<hbm>>) target(%arg13 : memref<40x128xf32, #tpu.memory_space<vmem>>) offsets(%dma_start3A_15 : memref<40xi32, #tpu.memory_space<vmem>>) semaphore(%arg25 : memref<!tpu.dma_semaphore, #tpu.memory_space<semaphore_mem>>)
    %add3A_19 = arith.constant 40 : i32
    %add3A_20 = arith.addi %mul3A_5, %add3A_19 : i32
    %dma_start3A_21 = tpu.memref_slice %arg4[%add3A_20] : memref<320000xi32, #tpu.memory_space<hbm>> -> memref<40xi32, #tpu.memory_space<hbm>>
    %dma_start3A_22 = tpu.memref_slice %arg4[%add3A_20] : memref<320000xi32, #tpu.memory_space<hbm>> -> memref<40xi32, #tpu.memory_space<hbm>>
    tpu.enqueue_dma source(%dma_start3A_22 : memref<40xi32, #tpu.memory_space<hbm>>) target(%arg9 : memref<40xi32, #tpu.memory_space<vmem>>) target_semaphore(%arg21 : memref<!tpu.dma_semaphore, #tpu.memory_space<semaphore_mem>>)
    %dma_start3A_23 = arith.constant 40 : i32
    %dma_start3A_24 = tpu.memref_slice %arg7[%dma_start3A_23] : memref<10000xi32, #tpu.memory_space<vmem>> -> memref<40xi32, #tpu.memory_space<vmem>>
    %dma_start3A_25 = arith.constant 0 : i32
    %dma_start3A_26 = arith.constant 0 : i32
    %dma_start3A_27 = tpu.memref_slice %arg2[%dma_start3A_25, %dma_start3A_26] : memref<10000x128xf32, #tpu.memory_space<hbm>> -> memref<10000x128xf32, #tpu.memory_space<hbm>>
    tpu.enqueue_indirect_dma source(%dma_start3A_27 : memref<10000x128xf32, #tpu.memory_space<hbm>>) target(%arg14 : memref<40x128xf32, #tpu.memory_space<vmem>>) offsets(%dma_start3A_24 : memref<40xi32, #tpu.memory_space<vmem>>) semaphore(%arg26 : memref<!tpu.dma_semaphore, #tpu.memory_space<semaphore_mem>>)
    %add3A_28 = arith.constant 80 : i32
    %add3A_29 = arith.addi %mul3A_5, %add3A_28 : i32
    %dma_start3A_30 = tpu.memref_slice %arg4[%add3A_29] : memref<320000xi32, #tpu.memory_space<hbm>> -> memref<40xi32, #tpu.memory_space<hbm>>
    %dma_start3A_31 = tpu.memref_slice %arg4[%add3A_29] : memref<320000xi32, #tpu.memory_space<hbm>> -> memref<40xi32, #tpu.memory_space<hbm>>
    tpu.enqueue_dma source(%dma_start3A_31 : memref<40xi32, #tpu.memory_space<hbm>>) target(%arg10 : memref<40xi32, #tpu.memory_space<vmem>>) target_semaphore(%arg22 : memref<!tpu.dma_semaphore, #tpu.memory_space<semaphore_mem>>)
    %dma_start3A_32 = arith.constant 80 : i32
    %dma_start3A_33 = tpu.memref_slice %arg7[%dma_start3A_32] : memref<10000xi32, #tpu.memory_space<vmem>> -> memref<40xi32, #tpu.memory_space<vmem>>
    %dma_start3A_34 = arith.constant 0 : i32
    %dma_start3A_35 = arith.constant 0 : i32
    %dma_start3A_36 = tpu.memref_slice %arg2[%dma_start3A_34, %dma_start3A_35] : memref<10000x128xf32, #tpu.memory_space<hbm>> -> memref<10000x128xf32, #tpu.memory_space<hbm>>
    tpu.enqueue_indirect_dma source(%dma_start3A_36 : memref<10000x128xf32, #tpu.memory_space<hbm>>) target(%arg15 : memref<40x128xf32, #tpu.memory_space<vmem>>) offsets(%dma_start3A_33 : memref<40xi32, #tpu.memory_space<vmem>>) semaphore(%arg27 : memref<!tpu.dma_semaphore, #tpu.memory_space<semaphore_mem>>)
    %add3A_37 = arith.constant 120 : i32
    %add3A_38 = arith.addi %mul3A_5, %add3A_37 : i32
    %dma_start3A_39 = tpu.memref_slice %arg4[%add3A_38] : memref<320000xi32, #tpu.memory_space<hbm>> -> memref<40xi32, #tpu.memory_space<hbm>>
    %dma_start3A_40 = tpu.memref_slice %arg4[%add3A_38] : memref<320000xi32, #tpu.memory_space<hbm>> -> memref<40xi32, #tpu.memory_space<hbm>>
    tpu.enqueue_dma source(%dma_start3A_40 : memref<40xi32, #tpu.memory_space<hbm>>) target(%arg11 : memref<40xi32, #tpu.memory_space<vmem>>) target_semaphore(%arg23 : memref<!tpu.dma_semaphore, #tpu.memory_space<semaphore_mem>>)
    %dma_start3A_41 = arith.constant 120 : i32
    %dma_start3A_42 = tpu.memref_slice %arg7[%dma_start3A_41] : memref<10000xi32, #tpu.memory_space<vmem>> -> memref<40xi32, #tpu.memory_space<vmem>>
    %dma_start3A_43 = arith.constant 0 : i32
    %dma_start3A_44 = arith.constant 0 : i32
    %dma_start3A_45 = tpu.memref_slice %arg2[%dma_start3A_43, %dma_start3A_44] : memref<10000x128xf32, #tpu.memory_space<hbm>> -> memref<10000x128xf32, #tpu.memory_space<hbm>>
    tpu.enqueue_indirect_dma source(%dma_start3A_45 : memref<10000x128xf32, #tpu.memory_space<hbm>>) target(%arg16 : memref<40x128xf32, #tpu.memory_space<vmem>>) offsets(%dma_start3A_42 : memref<40xi32, #tpu.memory_space<vmem>>) semaphore(%arg28 : memref<!tpu.dma_semaphore, #tpu.memory_space<semaphore_mem>>)
    %add3A_46 = arith.constant 160 : i32
    %add3A_47 = arith.addi %mul3A_5, %add3A_46 : i32
    %dma_start3A_48 = tpu.memref_slice %arg4[%add3A_47] : memref<320000xi32, #tpu.memory_space<hbm>> -> memref<40xi32, #tpu.memory_space<hbm>>
    %dma_start3A_49 = tpu.memref_slice %arg4[%add3A_47] : memref<320000xi32, #tpu.memory_space<hbm>> -> memref<40xi32, #tpu.memory_space<hbm>>
    tpu.enqueue_dma source(%dma_start3A_49 : memref<40xi32, #tpu.memory_space<hbm>>) target(%arg12 : memref<40xi32, #tpu.memory_space<vmem>>) target_semaphore(%arg24 : memref<!tpu.dma_semaphore, #tpu.memory_space<semaphore_mem>>)
    %dma_start3A_50 = arith.constant 160 : i32
    %dma_start3A_51 = tpu.memref_slice %arg7[%dma_start3A_50] : memref<10000xi32, #tpu.memory_space<vmem>> -> memref<40xi32, #tpu.memory_space<vmem>>
    %dma_start3A_52 = arith.constant 0 : i32
    %dma_start3A_53 = arith.constant 0 : i32
    %dma_start3A_54 = tpu.memref_slice %arg2[%dma_start3A_52, %dma_start3A_53] : memref<10000x128xf32, #tpu.memory_space<hbm>> -> memref<10000x128xf32, #tpu.memory_space<hbm>>
    tpu.enqueue_indirect_dma source(%dma_start3A_54 : memref<10000x128xf32, #tpu.memory_space<hbm>>) target(%arg17 : memref<40x128xf32, #tpu.memory_space<vmem>>) offsets(%dma_start3A_51 : memref<40xi32, #tpu.memory_space<vmem>>) semaphore(%arg29 : memref<!tpu.dma_semaphore, #tpu.memory_space<semaphore_mem>>)
    %dma_wait3A = arith.constant 0 : i32
    %dma_wait3A_55 = tpu.memref_slice %arg18[%mul3A_0, %dma_wait3A] : memref<10000x128xf32, #tpu.memory_space<vmem_shared>> -> memref<624x128xf32, #tpu.memory_space<vmem_shared>>
    %dma_wait3A_56 = arith.constant 0 : i32
    %dma_wait3A_57 = arith.constant 0 : i32
    %dma_wait3A_58 = tpu.memref_slice %arg5[%dma_wait3A_56, %dma_wait3A_57] : memref<624x128xf32, #tpu.memory_space<hbm>> -> memref<624x128xf32, #tpu.memory_space<hbm>>
    tpu.wait_dma2 semaphore(%arg19 : memref<!tpu.dma_semaphore, #tpu.memory_space<semaphore_mem>>) src(%dma_wait3A_58 : memref<624x128xf32, #tpu.memory_space<hbm>>) dst(%dma_wait3A_55 : memref<624x128xf32, #tpu.memory_space<vmem_shared>>)
    %convert_element_type3A = arith.extui %eq3A_1 : i1 to i32
    %cond3A = arith.constant 0 : i32
    %cond3A_59 = arith.cmpi ne, %convert_element_type3A, %cond3A : i32
    scf.if %cond3A_59 {
      "tpu.region"() ({
        %run_scoped3A = tpu.sem_alloc : memref<!tpu.dma_semaphore, #tpu.memory_space<semaphore_mem>>
        %dma_start3A_114 = arith.constant 9984 : i32
        %dma_start3A_115 = arith.constant 0 : i32
        %dma_start3A_116 = tpu.memref_slice %arg18[%dma_start3A_114, %dma_start3A_115] : memref<10000x128xf32, #tpu.memory_space<vmem_shared>> -> memref<16x128xf32, #tpu.memory_space<vmem_shared>>
        %dma_start3A_117 = arith.constant 0 : i32
        %dma_start3A_118 = arith.constant 0 : i32
        %dma_start3A_119 = tpu.memref_slice %arg5[%dma_start3A_117, %dma_start3A_118] : memref<624x128xf32, #tpu.memory_space<hbm>> -> memref<16x128xf32, #tpu.memory_space<hbm>>
        tpu.enqueue_dma source(%dma_start3A_119 : memref<16x128xf32, #tpu.memory_space<hbm>>) target(%dma_start3A_116 : memref<16x128xf32, #tpu.memory_space<vmem_shared>>) target_semaphore(%run_scoped3A : memref<!tpu.dma_semaphore, #tpu.memory_space<semaphore_mem>>)
        %dma_wait3A_120 = arith.constant 9984 : i32
        %dma_wait3A_121 = arith.constant 0 : i32
        %dma_wait3A_122 = tpu.memref_slice %arg18[%dma_wait3A_120, %dma_wait3A_121] : memref<10000x128xf32, #tpu.memory_space<vmem_shared>> -> memref<16x128xf32, #tpu.memory_space<vmem_shared>>
        %dma_wait3A_123 = arith.constant 0 : i32
        %dma_wait3A_124 = arith.constant 0 : i32
        %dma_wait3A_125 = tpu.memref_slice %arg5[%dma_wait3A_123, %dma_wait3A_124] : memref<624x128xf32, #tpu.memory_space<hbm>> -> memref<16x128xf32, #tpu.memory_space<hbm>>
        tpu.wait_dma2 semaphore(%run_scoped3A : memref<!tpu.dma_semaphore, #tpu.memory_space<semaphore_mem>>) src(%dma_wait3A_125 : memref<16x128xf32, #tpu.memory_space<hbm>>) dst(%dma_wait3A_122 : memref<16x128xf32, #tpu.memory_space<vmem_shared>>)
        tpu.yield
      }) : () -> ()
    } else {
    }
    %barrier3A = arith.constant 0 : index
    tpu.barrier barrier_id(%barrier3A)
    %scan3A = arith.constant 0 : i32
    %scan3A_60 = arith.constant 0 : i32
    %scan3A_61 = arith.constant 50 : i32
    %scan3A_62 = arith.addi %scan3A_60, %scan3A_61 : i32
    %scan3A_63 = arith.constant 1 : i32
    scf.for %scan3A_114 = %scan3A_60 to %scan3A_62 step %scan3A_63  : i32 {
      %mul3A_115 = arith.constant 5 : i32
      %mul3A_116 = arith.muli %scan3A_114, %mul3A_115 : i32
      %add3A_117 = arith.constant 0 : i32
      %add3A_118 = arith.addi %mul3A_116, %add3A_117 : i32
      %dma_wait3A_119 = arith.constant 0 : i32
      %dma_wait3A_120 = tpu.memref_slice %arg4[%dma_wait3A_119] : memref<320000xi32, #tpu.memory_space<hbm>> -> memref<40xi32, #tpu.memory_space<hbm>>
      %dma_wait3A_121 = arith.constant 0 : i32
      %dma_wait3A_122 = tpu.memref_slice %arg4[%dma_wait3A_121] : memref<320000xi32, #tpu.memory_space<hbm>> -> memref<40xi32, #tpu.memory_space<hbm>>
      tpu.wait_dma2 semaphore(%arg20 : memref<!tpu.dma_semaphore, #tpu.memory_space<semaphore_mem>>) src(%dma_wait3A_122 : memref<40xi32, #tpu.memory_space<hbm>>) dst(%arg8 : memref<40xi32, #tpu.memory_space<vmem>>)
      %dma_wait3A_123 = arith.constant 0 : i32
      %dma_wait3A_124 = tpu.memref_slice %arg7[%dma_wait3A_123] : memref<10000xi32, #tpu.memory_space<vmem>> -> memref<40xi32, #tpu.memory_space<vmem>>
      %dma_wait3A_125 = arith.constant 0 : i32
      %dma_wait3A_126 = arith.constant 0 : i32
      %dma_wait3A_127 = tpu.memref_slice %arg2[%dma_wait3A_125, %dma_wait3A_126] : memref<10000x128xf32, #tpu.memory_space<hbm>> -> memref<10000x128xf32, #tpu.memory_space<hbm>>
      tpu.wait_indirect_dma semaphore(%arg25 : memref<!tpu.dma_semaphore, #tpu.memory_space<semaphore_mem>>) src(%dma_wait3A_127 : memref<10000x128xf32, #tpu.memory_space<hbm>>) dst(%arg13 : memref<40x128xf32, #tpu.memory_space<vmem>>)
      "tpu.region"() ({
        %run_scoped3A = tpu.sem_alloc : memref<!tpu.dma_semaphore, #tpu.memory_space<semaphore_mem>>
        %dma_start3A_254 = arith.constant 0 : i32
        %dma_start3A_255 = arith.constant 0 : i32
        %dma_start3A_256 = tpu.memref_slice %arg18[%dma_start3A_254, %dma_start3A_255] : memref<10000x128xf32, #tpu.memory_space<vmem_shared>> -> memref<10000x128xf32, #tpu.memory_space<vmem_shared>>
        tpu.enqueue_indirect_dma source(%arg13 : memref<40x128xf32, #tpu.memory_space<vmem>>) target(%dma_start3A_256 : memref<10000x128xf32, #tpu.memory_space<vmem_shared>>) offsets(%arg8 : memref<40xi32, #tpu.memory_space<vmem>>) semaphore(%run_scoped3A : memref<!tpu.dma_semaphore, #tpu.memory_space<semaphore_mem>>) {add = true}
        %dma_wait3A_257 = arith.constant 0 : i32
        %dma_wait3A_258 = arith.constant 0 : i32
        %dma_wait3A_259 = tpu.memref_slice %arg18[%dma_wait3A_257, %dma_wait3A_258] : memref<10000x128xf32, #tpu.memory_space<vmem_shared>> -> memref<10000x128xf32, #tpu.memory_space<vmem_shared>>
        tpu.wait_indirect_dma semaphore(%run_scoped3A : memref<!tpu.dma_semaphore, #tpu.memory_space<semaphore_mem>>) src(%arg13 : memref<40x128xf32, #tpu.memory_space<vmem>>) dst(%dma_wait3A_259 : memref<10000x128xf32, #tpu.memory_space<vmem_shared>>)
        tpu.yield
      }) : () -> ()
      %add3A_128 = arith.constant 5 : i32
      %add3A_129 = arith.addi %add3A_118, %add3A_128 : i32
      %min3A = arith.constant 249 : i32
      %min3A_130 = arith.minsi %add3A_129, %min3A : i32
      %mul3A_131 = arith.constant 40 : i32
      %mul3A_132 = arith.muli %min3A_130, %mul3A_131 : i32
      %add3A_133 = arith.addi %mul3A_5, %mul3A_132 : i32
      %dma_start3A_134 = tpu.memref_slice %arg4[%add3A_133] : memref<320000xi32, #tpu.memory_space<hbm>> -> memref<40xi32, #tpu.memory_space<hbm>>
      %dma_start3A_135 = tpu.memref_slice %arg4[%add3A_133] : memref<320000xi32, #tpu.memory_space<hbm>> -> memref<40xi32, #tpu.memory_space<hbm>>
      tpu.enqueue_dma source(%dma_start3A_135 : memref<40xi32, #tpu.memory_space<hbm>>) target(%arg8 : memref<40xi32, #tpu.memory_space<vmem>>) target_semaphore(%arg20 : memref<!tpu.dma_semaphore, #tpu.memory_space<semaphore_mem>>)
      %mul3A_136 = arith.constant 40 : i32
      %mul3A_137 = arith.muli %min3A_130, %mul3A_136 : i32
      %dma_start3A_138 = tpu.memref_slice %arg7[%mul3A_137] : memref<10000xi32, #tpu.memory_space<vmem>> -> memref<40xi32, #tpu.memory_space<vmem>>
      %dma_start3A_139 = arith.constant 0 : i32
      %dma_start3A_140 = arith.constant 0 : i32
      %dma_start3A_141 = tpu.memref_slice %arg2[%dma_start3A_139, %dma_start3A_140] : memref<10000x128xf32, #tpu.memory_space<hbm>> -> memref<10000x128xf32, #tpu.memory_space<hbm>>
      tpu.enqueue_indirect_dma source(%dma_start3A_141 : memref<10000x128xf32, #tpu.memory_space<hbm>>) target(%arg13 : memref<40x128xf32, #tpu.memory_space<vmem>>) offsets(%dma_start3A_138 : memref<40xi32, #tpu.memory_space<vmem>>) semaphore(%arg25 : memref<!tpu.dma_semaphore, #tpu.memory_space<semaphore_mem>>)
      %mul3A_142 = arith.constant 5 : i32
      %mul3A_143 = arith.muli %scan3A_114, %mul3A_142 : i32
      %add3A_144 = arith.constant 1 : i32
      %add3A_145 = arith.addi %mul3A_143, %add3A_144 : i32
      %dma_wait3A_146 = arith.constant 0 : i32
      %dma_wait3A_147 = tpu.memref_slice %arg4[%dma_wait3A_146] : memref<320000xi32, #tpu.memory_space<hbm>> -> memref<40xi32, #tpu.memory_space<hbm>>
      %dma_wait3A_148 = arith.constant 0 : i32
      %dma_wait3A_149 = tpu.memref_slice %arg4[%dma_wait3A_148] : memref<320000xi32, #tpu.memory_space<hbm>> -> memref<40xi32, #tpu.memory_space<hbm>>
      tpu.wait_dma2 semaphore(%arg21 : memref<!tpu.dma_semaphore, #tpu.memory_space<semaphore_mem>>) src(%dma_wait3A_149 : memref<40xi32, #tpu.memory_space<hbm>>) dst(%arg9 : memref<40xi32, #tpu.memory_space<vmem>>)
      %dma_wait3A_150 = arith.constant 0 : i32
      %dma_wait3A_151 = tpu.memref_slice %arg7[%dma_wait3A_150] : memref<10000xi32, #tpu.memory_space<vmem>> -> memref<40xi32, #tpu.memory_space<vmem>>
      %dma_wait3A_152 = arith.constant 0 : i32
      %dma_wait3A_153 = arith.constant 0 : i32
      %dma_wait3A_154 = tpu.memref_slice %arg2[%dma_wait3A_152, %dma_wait3A_153] : memref<10000x128xf32, #tpu.memory_space<hbm>> -> memref<10000x128xf32, #tpu.memory_space<hbm>>
      tpu.wait_indirect_dma semaphore(%arg26 : memref<!tpu.dma_semaphore, #tpu.memory_space<semaphore_mem>>) src(%dma_wait3A_154 : memref<10000x128xf32, #tpu.memory_space<hbm>>) dst(%arg14 : memref<40x128xf32, #tpu.memory_space<vmem>>)
      "tpu.region"() ({
        %run_scoped3A = tpu.sem_alloc : memref<!tpu.dma_semaphore, #tpu.memory_space<semaphore_mem>>
        %dma_start3A_254 = arith.constant 0 : i32
        %dma_start3A_255 = arith.constant 0 : i32
        %dma_start3A_256 = tpu.memref_slice %arg18[%dma_start3A_254, %dma_start3A_255] : memref<10000x128xf32, #tpu.memory_space<vmem_shared>> -> memref<10000x128xf32, #tpu.memory_space<vmem_shared>>
        tpu.enqueue_indirect_dma source(%arg14 : memref<40x128xf32, #tpu.memory_space<vmem>>) target(%dma_start3A_256 : memref<10000x128xf32, #tpu.memory_space<vmem_shared>>) offsets(%arg9 : memref<40xi32, #tpu.memory_space<vmem>>) semaphore(%run_scoped3A : memref<!tpu.dma_semaphore, #tpu.memory_space<semaphore_mem>>) {add = true}
        %dma_wait3A_257 = arith.constant 0 : i32
        %dma_wait3A_258 = arith.constant 0 : i32
        %dma_wait3A_259 = tpu.memref_slice %arg18[%dma_wait3A_257, %dma_wait3A_258] : memref<10000x128xf32, #tpu.memory_space<vmem_shared>> -> memref<10000x128xf32, #tpu.memory_space<vmem_shared>>
        tpu.wait_indirect_dma semaphore(%run_scoped3A : memref<!tpu.dma_semaphore, #tpu.memory_space<semaphore_mem>>) src(%arg14 : memref<40x128xf32, #tpu.memory_space<vmem>>) dst(%dma_wait3A_259 : memref<10000x128xf32, #tpu.memory_space<vmem_shared>>)
        tpu.yield
      }) : () -> ()
      %add3A_155 = arith.constant 5 : i32
      %add3A_156 = arith.addi %add3A_145, %add3A_155 : i32
      %min3A_157 = arith.constant 249 : i32
      %min3A_158 = arith.minsi %add3A_156, %min3A_157 : i32
      %mul3A_159 = arith.constant 40 : i32
      %mul3A_160 = arith.muli %min3A_158, %mul3A_159 : i32
      %add3A_161 = arith.addi %mul3A_5, %mul3A_160 : i32
      %dma_start3A_162 = tpu.memref_slice %arg4[%add3A_161] : memref<320000xi32, #tpu.memory_space<hbm>> -> memref<40xi32, #tpu.memory_space<hbm>>
      %dma_start3A_163 = tpu.memref_slice %arg4[%add3A_161] : memref<320000xi32, #tpu.memory_space<hbm>> -> memref<40xi32, #tpu.memory_space<hbm>>
      tpu.enqueue_dma source(%dma_start3A_163 : memref<40xi32, #tpu.memory_space<hbm>>) target(%arg9 : memref<40xi32, #tpu.memory_space<vmem>>) target_semaphore(%arg21 : memref<!tpu.dma_semaphore, #tpu.memory_space<semaphore_mem>>)
      %mul3A_164 = arith.constant 40 : i32
      %mul3A_165 = arith.muli %min3A_158, %mul3A_164 : i32
      %dma_start3A_166 = tpu.memref_slice %arg7[%mul3A_165] : memref<10000xi32, #tpu.memory_space<vmem>> -> memref<40xi32, #tpu.memory_space<vmem>>
      %dma_start3A_167 = arith.constant 0 : i32
      %dma_start3A_168 = arith.constant 0 : i32
      %dma_start3A_169 = tpu.memref_slice %arg2[%dma_start3A_167, %dma_start3A_168] : memref<10000x128xf32, #tpu.memory_space<hbm>> -> memref<10000x128xf32, #tpu.memory_space<hbm>>
      tpu.enqueue_indirect_dma source(%dma_start3A_169 : memref<10000x128xf32, #tpu.memory_space<hbm>>) target(%arg14 : memref<40x128xf32, #tpu.memory_space<vmem>>) offsets(%dma_start3A_166 : memref<40xi32, #tpu.memory_space<vmem>>) semaphore(%arg26 : memref<!tpu.dma_semaphore, #tpu.memory_space<semaphore_mem>>)
      %mul3A_170 = arith.constant 5 : i32
      %mul3A_171 = arith.muli %scan3A_114, %mul3A_170 : i32
      %add3A_172 = arith.constant 2 : i32
      %add3A_173 = arith.addi %mul3A_171, %add3A_172 : i32
      %dma_wait3A_174 = arith.constant 0 : i32
      %dma_wait3A_175 = tpu.memref_slice %arg4[%dma_wait3A_174] : memref<320000xi32, #tpu.memory_space<hbm>> -> memref<40xi32, #tpu.memory_space<hbm>>
      %dma_wait3A_176 = arith.constant 0 : i32
      %dma_wait3A_177 = tpu.memref_slice %arg4[%dma_wait3A_176] : memref<320000xi32, #tpu.memory_space<hbm>> -> memref<40xi32, #tpu.memory_space<hbm>>
      tpu.wait_dma2 semaphore(%arg22 : memref<!tpu.dma_semaphore, #tpu.memory_space<semaphore_mem>>) src(%dma_wait3A_177 : memref<40xi32, #tpu.memory_space<hbm>>) dst(%arg10 : memref<40xi32, #tpu.memory_space<vmem>>)
      %dma_wait3A_178 = arith.constant 0 : i32
      %dma_wait3A_179 = tpu.memref_slice %arg7[%dma_wait3A_178] : memref<10000xi32, #tpu.memory_space<vmem>> -> memref<40xi32, #tpu.memory_space<vmem>>
      %dma_wait3A_180 = arith.constant 0 : i32
      %dma_wait3A_181 = arith.constant 0 : i32
      %dma_wait3A_182 = tpu.memref_slice %arg2[%dma_wait3A_180, %dma_wait3A_181] : memref<10000x128xf32, #tpu.memory_space<hbm>> -> memref<10000x128xf32, #tpu.memory_space<hbm>>
      tpu.wait_indirect_dma semaphore(%arg27 : memref<!tpu.dma_semaphore, #tpu.memory_space<semaphore_mem>>) src(%dma_wait3A_182 : memref<10000x128xf32, #tpu.memory_space<hbm>>) dst(%arg15 : memref<40x128xf32, #tpu.memory_space<vmem>>)
      "tpu.region"() ({
        %run_scoped3A = tpu.sem_alloc : memref<!tpu.dma_semaphore, #tpu.memory_space<semaphore_mem>>
        %dma_start3A_254 = arith.constant 0 : i32
        %dma_start3A_255 = arith.constant 0 : i32
        %dma_start3A_256 = tpu.memref_slice %arg18[%dma_start3A_254, %dma_start3A_255] : memref<10000x128xf32, #tpu.memory_space<vmem_shared>> -> memref<10000x128xf32, #tpu.memory_space<vmem_shared>>
        tpu.enqueue_indirect_dma source(%arg15 : memref<40x128xf32, #tpu.memory_space<vmem>>) target(%dma_start3A_256 : memref<10000x128xf32, #tpu.memory_space<vmem_shared>>) offsets(%arg10 : memref<40xi32, #tpu.memory_space<vmem>>) semaphore(%run_scoped3A : memref<!tpu.dma_semaphore, #tpu.memory_space<semaphore_mem>>) {add = true}
        %dma_wait3A_257 = arith.constant 0 : i32
        %dma_wait3A_258 = arith.constant 0 : i32
        %dma_wait3A_259 = tpu.memref_slice %arg18[%dma_wait3A_257, %dma_wait3A_258] : memref<10000x128xf32, #tpu.memory_space<vmem_shared>> -> memref<10000x128xf32, #tpu.memory_space<vmem_shared>>
        tpu.wait_indirect_dma semaphore(%run_scoped3A : memref<!tpu.dma_semaphore, #tpu.memory_space<semaphore_mem>>) src(%arg15 : memref<40x128xf32, #tpu.memory_space<vmem>>) dst(%dma_wait3A_259 : memref<10000x128xf32, #tpu.memory_space<vmem_shared>>)
        tpu.yield
      }) : () -> ()
      %add3A_183 = arith.constant 5 : i32
      %add3A_184 = arith.addi %add3A_173, %add3A_183 : i32
      %min3A_185 = arith.constant 249 : i32
      %min3A_186 = arith.minsi %add3A_184, %min3A_185 : i32
      %mul3A_187 = arith.constant 40 : i32
      %mul3A_188 = arith.muli %min3A_186, %mul3A_187 : i32
      %add3A_189 = arith.addi %mul3A_5, %mul3A_188 : i32
      %dma_start3A_190 = tpu.memref_slice %arg4[%add3A_189] : memref<320000xi32, #tpu.memory_space<hbm>> -> memref<40xi32, #tpu.memory_space<hbm>>
      %dma_start3A_191 = tpu.memref_slice %arg4[%add3A_189] : memref<320000xi32, #tpu.memory_space<hbm>> -> memref<40xi32, #tpu.memory_space<hbm>>
      tpu.enqueue_dma source(%dma_start3A_191 : memref<40xi32, #tpu.memory_space<hbm>>) target(%arg10 : memref<40xi32, #tpu.memory_space<vmem>>) target_semaphore(%arg22 : memref<!tpu.dma_semaphore, #tpu.memory_space<semaphore_mem>>)
      %mul3A_192 = arith.constant 40 : i32
      %mul3A_193 = arith.muli %min3A_186, %mul3A_192 : i32
      %dma_start3A_194 = tpu.memref_slice %arg7[%mul3A_193] : memref<10000xi32, #tpu.memory_space<vmem>> -> memref<40xi32, #tpu.memory_space<vmem>>
      %dma_start3A_195 = arith.constant 0 : i32
      %dma_start3A_196 = arith.constant 0 : i32
      %dma_start3A_197 = tpu.memref_slice %arg2[%dma_start3A_195, %dma_start3A_196] : memref<10000x128xf32, #tpu.memory_space<hbm>> -> memref<10000x128xf32, #tpu.memory_space<hbm>>
      tpu.enqueue_indirect_dma source(%dma_start3A_197 : memref<10000x128xf32, #tpu.memory_space<hbm>>) target(%arg15 : memref<40x128xf32, #tpu.memory_space<vmem>>) offsets(%dma_start3A_194 : memref<40xi32, #tpu.memory_space<vmem>>) semaphore(%arg27 : memref<!tpu.dma_semaphore, #tpu.memory_space<semaphore_mem>>)
      %mul3A_198 = arith.constant 5 : i32
      %mul3A_199 = arith.muli %scan3A_114, %mul3A_198 : i32
      %add3A_200 = arith.constant 3 : i32
      %add3A_201 = arith.addi %mul3A_199, %add3A_200 : i32
      %dma_wait3A_202 = arith.constant 0 : i32
      %dma_wait3A_203 = tpu.memref_slice %arg4[%dma_wait3A_202] : memref<320000xi32, #tpu.memory_space<hbm>> -> memref<40xi32, #tpu.memory_space<hbm>>
      %dma_wait3A_204 = arith.constant 0 : i32
      %dma_wait3A_205 = tpu.memref_slice %arg4[%dma_wait3A_204] : memref<320000xi32, #tpu.memory_space<hbm>> -> memref<40xi32, #tpu.memory_space<hbm>>
      tpu.wait_dma2 semaphore(%arg23 : memref<!tpu.dma_semaphore, #tpu.memory_space<semaphore_mem>>) src(%dma_wait3A_205 : memref<40xi32, #tpu.memory_space<hbm>>) dst(%arg11 : memref<40xi32, #tpu.memory_space<vmem>>)
      %dma_wait3A_206 = arith.constant 0 : i32
      %dma_wait3A_207 = tpu.memref_slice %arg7[%dma_wait3A_206] : memref<10000xi32, #tpu.memory_space<vmem>> -> memref<40xi32, #tpu.memory_space<vmem>>
      %dma_wait3A_208 = arith.constant 0 : i32
      %dma_wait3A_209 = arith.constant 0 : i32
      %dma_wait3A_210 = tpu.memref_slice %arg2[%dma_wait3A_208, %dma_wait3A_209] : memref<10000x128xf32, #tpu.memory_space<hbm>> -> memref<10000x128xf32, #tpu.memory_space<hbm>>
      tpu.wait_indirect_dma semaphore(%arg28 : memref<!tpu.dma_semaphore, #tpu.memory_space<semaphore_mem>>) src(%dma_wait3A_210 : memref<10000x128xf32, #tpu.memory_space<hbm>>) dst(%arg16 : memref<40x128xf32, #tpu.memory_space<vmem>>)
      "tpu.region"() ({
        %run_scoped3A = tpu.sem_alloc : memref<!tpu.dma_semaphore, #tpu.memory_space<semaphore_mem>>
        %dma_start3A_254 = arith.constant 0 : i32
        %dma_start3A_255 = arith.constant 0 : i32
        %dma_start3A_256 = tpu.memref_slice %arg18[%dma_start3A_254, %dma_start3A_255] : memref<10000x128xf32, #tpu.memory_space<vmem_shared>> -> memref<10000x128xf32, #tpu.memory_space<vmem_shared>>
        tpu.enqueue_indirect_dma source(%arg16 : memref<40x128xf32, #tpu.memory_space<vmem>>) target(%dma_start3A_256 : memref<10000x128xf32, #tpu.memory_space<vmem_shared>>) offsets(%arg11 : memref<40xi32, #tpu.memory_space<vmem>>) semaphore(%run_scoped3A : memref<!tpu.dma_semaphore, #tpu.memory_space<semaphore_mem>>) {add = true}
        %dma_wait3A_257 = arith.constant 0 : i32
        %dma_wait3A_258 = arith.constant 0 : i32
        %dma_wait3A_259 = tpu.memref_slice %arg18[%dma_wait3A_257, %dma_wait3A_258] : memref<10000x128xf32, #tpu.memory_space<vmem_shared>> -> memref<10000x128xf32, #tpu.memory_space<vmem_shared>>
        tpu.wait_indirect_dma semaphore(%run_scoped3A : memref<!tpu.dma_semaphore, #tpu.memory_space<semaphore_mem>>) src(%arg16 : memref<40x128xf32, #tpu.memory_space<vmem>>) dst(%dma_wait3A_259 : memref<10000x128xf32, #tpu.memory_space<vmem_shared>>)
        tpu.yield
      }) : () -> ()
      %add3A_211 = arith.constant 5 : i32
      %add3A_212 = arith.addi %add3A_201, %add3A_211 : i32
      %min3A_213 = arith.constant 249 : i32
      %min3A_214 = arith.minsi %add3A_212, %min3A_213 : i32
      %mul3A_215 = arith.constant 40 : i32
      %mul3A_216 = arith.muli %min3A_214, %mul3A_215 : i32
      %add3A_217 = arith.addi %mul3A_5, %mul3A_216 : i32
      %dma_start3A_218 = tpu.memref_slice %arg4[%add3A_217] : memref<320000xi32, #tpu.memory_space<hbm>> -> memref<40xi32, #tpu.memory_space<hbm>>
      %dma_start3A_219 = tpu.memref_slice %arg4[%add3A_217] : memref<320000xi32, #tpu.memory_space<hbm>> -> memref<40xi32, #tpu.memory_space<hbm>>
      tpu.enqueue_dma source(%dma_start3A_219 : memref<40xi32, #tpu.memory_space<hbm>>) target(%arg11 : memref<40xi32, #tpu.memory_space<vmem>>) target_semaphore(%arg23 : memref<!tpu.dma_semaphore, #tpu.memory_space<semaphore_mem>>)
      %mul3A_220 = arith.constant 40 : i32
      %mul3A_221 = arith.muli %min3A_214, %mul3A_220 : i32
      %dma_start3A_222 = tpu.memref_slice %arg7[%mul3A_221] : memref<10000xi32, #tpu.memory_space<vmem>> -> memref<40xi32, #tpu.memory_space<vmem>>
      %dma_start3A_223 = arith.constant 0 : i32
      %dma_start3A_224 = arith.constant 0 : i32
      %dma_start3A_225 = tpu.memref_slice %arg2[%dma_start3A_223, %dma_start3A_224] : memref<10000x128xf32, #tpu.memory_space<hbm>> -> memref<10000x128xf32, #tpu.memory_space<hbm>>
      tpu.enqueue_indirect_dma source(%dma_start3A_225 : memref<10000x128xf32, #tpu.memory_space<hbm>>) target(%arg16 : memref<40x128xf32, #tpu.memory_space<vmem>>) offsets(%dma_start3A_222 : memref<40xi32, #tpu.memory_space<vmem>>) semaphore(%arg28 : memref<!tpu.dma_semaphore, #tpu.memory_space<semaphore_mem>>)
      %mul3A_226 = arith.constant 5 : i32
      %mul3A_227 = arith.muli %scan3A_114, %mul3A_226 : i32
      %add3A_228 = arith.constant 4 : i32
      %add3A_229 = arith.addi %mul3A_227, %add3A_228 : i32
      %dma_wait3A_230 = arith.constant 0 : i32
      %dma_wait3A_231 = tpu.memref_slice %arg4[%dma_wait3A_230] : memref<320000xi32, #tpu.memory_space<hbm>> -> memref<40xi32, #tpu.memory_space<hbm>>
      %dma_wait3A_232 = arith.constant 0 : i32
      %dma_wait3A_233 = tpu.memref_slice %arg4[%dma_wait3A_232] : memref<320000xi32, #tpu.memory_space<hbm>> -> memref<40xi32, #tpu.memory_space<hbm>>
      tpu.wait_dma2 semaphore(%arg24 : memref<!tpu.dma_semaphore, #tpu.memory_space<semaphore_mem>>) src(%dma_wait3A_233 : memref<40xi32, #tpu.memory_space<hbm>>) dst(%arg12 : memref<40xi32, #tpu.memory_space<vmem>>)
      %dma_wait3A_234 = arith.constant 0 : i32
      %dma_wait3A_235 = tpu.memref_slice %arg7[%dma_wait3A_234] : memref<10000xi32, #tpu.memory_space<vmem>> -> memref<40xi32, #tpu.memory_space<vmem>>
      %dma_wait3A_236 = arith.constant 0 : i32
      %dma_wait3A_237 = arith.constant 0 : i32
      %dma_wait3A_238 = tpu.memref_slice %arg2[%dma_wait3A_236, %dma_wait3A_237] : memref<10000x128xf32, #tpu.memory_space<hbm>> -> memref<10000x128xf32, #tpu.memory_space<hbm>>
      tpu.wait_indirect_dma semaphore(%arg29 : memref<!tpu.dma_semaphore, #tpu.memory_space<semaphore_mem>>) src(%dma_wait3A_238 : memref<10000x128xf32, #tpu.memory_space<hbm>>) dst(%arg17 : memref<40x128xf32, #tpu.memory_space<vmem>>)
      "tpu.region"() ({
        %run_scoped3A = tpu.sem_alloc : memref<!tpu.dma_semaphore, #tpu.memory_space<semaphore_mem>>
        %dma_start3A_254 = arith.constant 0 : i32
        %dma_start3A_255 = arith.constant 0 : i32
        %dma_start3A_256 = tpu.memref_slice %arg18[%dma_start3A_254, %dma_start3A_255] : memref<10000x128xf32, #tpu.memory_space<vmem_shared>> -> memref<10000x128xf32, #tpu.memory_space<vmem_shared>>
        tpu.enqueue_indirect_dma source(%arg17 : memref<40x128xf32, #tpu.memory_space<vmem>>) target(%dma_start3A_256 : memref<10000x128xf32, #tpu.memory_space<vmem_shared>>) offsets(%arg12 : memref<40xi32, #tpu.memory_space<vmem>>) semaphore(%run_scoped3A : memref<!tpu.dma_semaphore, #tpu.memory_space<semaphore_mem>>) {add = true}
        %dma_wait3A_257 = arith.constant 0 : i32
        %dma_wait3A_258 = arith.constant 0 : i32
        %dma_wait3A_259 = tpu.memref_slice %arg18[%dma_wait3A_257, %dma_wait3A_258] : memref<10000x128xf32, #tpu.memory_space<vmem_shared>> -> memref<10000x128xf32, #tpu.memory_space<vmem_shared>>
        tpu.wait_indirect_dma semaphore(%run_scoped3A : memref<!tpu.dma_semaphore, #tpu.memory_space<semaphore_mem>>) src(%arg17 : memref<40x128xf32, #tpu.memory_space<vmem>>) dst(%dma_wait3A_259 : memref<10000x128xf32, #tpu.memory_space<vmem_shared>>)
        tpu.yield
      }) : () -> ()
      %add3A_239 = arith.constant 5 : i32
      %add3A_240 = arith.addi %add3A_229, %add3A_239 : i32
      %min3A_241 = arith.constant 249 : i32
      %min3A_242 = arith.minsi %add3A_240, %min3A_241 : i32
      %mul3A_243 = arith.constant 40 : i32
      %mul3A_244 = arith.muli %min3A_242, %mul3A_243 : i32
      %add3A_245 = arith.addi %mul3A_5, %mul3A_244 : i32
      %dma_start3A_246 = tpu.memref_slice %arg4[%add3A_245] : memref<320000xi32, #tpu.memory_space<hbm>> -> memref<40xi32, #tpu.memory_space<hbm>>
      %dma_start3A_247 = tpu.memref_slice %arg4[%add3A_245] : memref<320000xi32, #tpu.memory_space<hbm>> -> memref<40xi32, #tpu.memory_space<hbm>>
      tpu.enqueue_dma source(%dma_start3A_247 : memref<40xi32, #tpu.memory_space<hbm>>) target(%arg12 : memref<40xi32, #tpu.memory_space<vmem>>) target_semaphore(%arg24 : memref<!tpu.dma_semaphore, #tpu.memory_space<semaphore_mem>>)
      %mul3A_248 = arith.constant 40 : i32
      %mul3A_249 = arith.muli %min3A_242, %mul3A_248 : i32
      %dma_start3A_250 = tpu.memref_slice %arg7[%mul3A_249] : memref<10000xi32, #tpu.memory_space<vmem>> -> memref<40xi32, #tpu.memory_space<vmem>>
      %dma_start3A_251 = arith.constant 0 : i32
      %dma_start3A_252 = arith.constant 0 : i32
      %dma_start3A_253 = tpu.memref_slice %arg2[%dma_start3A_251, %dma_start3A_252] : memref<10000x128xf32, #tpu.memory_space<hbm>> -> memref<10000x128xf32, #tpu.memory_space<hbm>>
      tpu.enqueue_indirect_dma source(%dma_start3A_253 : memref<10000x128xf32, #tpu.memory_space<hbm>>) target(%arg17 : memref<40x128xf32, #tpu.memory_space<vmem>>) offsets(%dma_start3A_250 : memref<40xi32, #tpu.memory_space<vmem>>) semaphore(%arg29 : memref<!tpu.dma_semaphore, #tpu.memory_space<semaphore_mem>>)
    }
    %scan3A_64 = arith.constant 50 : i32
    %dma_wait3A_65 = arith.constant 0 : i32
    %dma_wait3A_66 = tpu.memref_slice %arg4[%dma_wait3A_65] : memref<320000xi32, #tpu.memory_space<hbm>> -> memref<40xi32, #tpu.memory_space<hbm>>
    %dma_wait3A_67 = arith.constant 0 : i32
    %dma_wait3A_68 = tpu.memref_slice %arg4[%dma_wait3A_67] : memref<320000xi32, #tpu.memory_space<hbm>> -> memref<40xi32, #tpu.memory_space<hbm>>
    tpu.wait_dma2 semaphore(%arg20 : memref<!tpu.dma_semaphore, #tpu.memory_space<semaphore_mem>>) src(%dma_wait3A_68 : memref<40xi32, #tpu.memory_space<hbm>>) dst(%arg8 : memref<40xi32, #tpu.memory_space<vmem>>)
    %dma_wait3A_69 = arith.constant 0 : i32
    %dma_wait3A_70 = tpu.memref_slice %arg7[%dma_wait3A_69] : memref<10000xi32, #tpu.memory_space<vmem>> -> memref<40xi32, #tpu.memory_space<vmem>>
    %dma_wait3A_71 = arith.constant 0 : i32
    %dma_wait3A_72 = arith.constant 0 : i32
    %dma_wait3A_73 = tpu.memref_slice %arg2[%dma_wait3A_71, %dma_wait3A_72] : memref<10000x128xf32, #tpu.memory_space<hbm>> -> memref<10000x128xf32, #tpu.memory_space<hbm>>
    tpu.wait_indirect_dma semaphore(%arg25 : memref<!tpu.dma_semaphore, #tpu.memory_space<semaphore_mem>>) src(%dma_wait3A_73 : memref<10000x128xf32, #tpu.memory_space<hbm>>) dst(%arg13 : memref<40x128xf32, #tpu.memory_space<vmem>>)
    %dma_wait3A_74 = arith.constant 0 : i32
    %dma_wait3A_75 = tpu.memref_slice %arg4[%dma_wait3A_74] : memref<320000xi32, #tpu.memory_space<hbm>> -> memref<40xi32, #tpu.memory_space<hbm>>
    %dma_wait3A_76 = arith.constant 0 : i32
    %dma_wait3A_77 = tpu.memref_slice %arg4[%dma_wait3A_76] : memref<320000xi32, #tpu.memory_space<hbm>> -> memref<40xi32, #tpu.memory_space<hbm>>
    tpu.wait_dma2 semaphore(%arg21 : memref<!tpu.dma_semaphore, #tpu.memory_space<semaphore_mem>>) src(%dma_wait3A_77 : memref<40xi32, #tpu.memory_space<hbm>>) dst(%arg9 : memref<40xi32, #tpu.memory_space<vmem>>)
    %dma_wait3A_78 = arith.constant 0 : i32
    %dma_wait3A_79 = tpu.memref_slice %arg7[%dma_wait3A_78] : memref<10000xi32, #tpu.memory_space<vmem>> -> memref<40xi32, #tpu.memory_space<vmem>>
    %dma_wait3A_80 = arith.constant 0 : i32
    %dma_wait3A_81 = arith.constant 0 : i32
    %dma_wait3A_82 = tpu.memref_slice %arg2[%dma_wait3A_80, %dma_wait3A_81] : memref<10000x128xf32, #tpu.memory_space<hbm>> -> memref<10000x128xf32, #tpu.memory_space<hbm>>
    tpu.wait_indirect_dma semaphore(%arg26 : memref<!tpu.dma_semaphore, #tpu.memory_space<semaphore_mem>>) src(%dma_wait3A_82 : memref<10000x128xf32, #tpu.memory_space<hbm>>) dst(%arg14 : memref<40x128xf32, #tpu.memory_space<vmem>>)
    %dma_wait3A_83 = arith.constant 0 : i32
    %dma_wait3A_84 = tpu.memref_slice %arg4[%dma_wait3A_83] : memref<320000xi32, #tpu.memory_space<hbm>> -> memref<40xi32, #tpu.memory_space<hbm>>
    %dma_wait3A_85 = arith.constant 0 : i32
    %dma_wait3A_86 = tpu.memref_slice %arg4[%dma_wait3A_85] : memref<320000xi32, #tpu.memory_space<hbm>> -> memref<40xi32, #tpu.memory_space<hbm>>
    tpu.wait_dma2 semaphore(%arg22 : memref<!tpu.dma_semaphore, #tpu.memory_space<semaphore_mem>>) src(%dma_wait3A_86 : memref<40xi32, #tpu.memory_space<hbm>>) dst(%arg10 : memref<40xi32, #tpu.memory_space<vmem>>)
    %dma_wait3A_87 = arith.constant 0 : i32
    %dma_wait3A_88 = tpu.memref_slice %arg7[%dma_wait3A_87] : memref<10000xi32, #tpu.memory_space<vmem>> -> memref<40xi32, #tpu.memory_space<vmem>>
    %dma_wait3A_89 = arith.constant 0 : i32
    %dma_wait3A_90 = arith.constant 0 : i32
    %dma_wait3A_91 = tpu.memref_slice %arg2[%dma_wait3A_89, %dma_wait3A_90] : memref<10000x128xf32, #tpu.memory_space<hbm>> -> memref<10000x128xf32, #tpu.memory_space<hbm>>
    tpu.wait_indirect_dma semaphore(%arg27 : memref<!tpu.dma_semaphore, #tpu.memory_space<semaphore_mem>>) src(%dma_wait3A_91 : memref<10000x128xf32, #tpu.memory_space<hbm>>) dst(%arg15 : memref<40x128xf32, #tpu.memory_space<vmem>>)
    %dma_wait3A_92 = arith.constant 0 : i32
    %dma_wait3A_93 = tpu.memref_slice %arg4[%dma_wait3A_92] : memref<320000xi32, #tpu.memory_space<hbm>> -> memref<40xi32, #tpu.memory_space<hbm>>
    %dma_wait3A_94 = arith.constant 0 : i32
    %dma_wait3A_95 = tpu.memref_slice %arg4[%dma_wait3A_94] : memref<320000xi32, #tpu.memory_space<hbm>> -> memref<40xi32, #tpu.memory_space<hbm>>
    tpu.wait_dma2 semaphore(%arg23 : memref<!tpu.dma_semaphore, #tpu.memory_space<semaphore_mem>>) src(%dma_wait3A_95 : memref<40xi32, #tpu.memory_space<hbm>>) dst(%arg11 : memref<40xi32, #tpu.memory_space<vmem>>)
    %dma_wait3A_96 = arith.constant 0 : i32
    %dma_wait3A_97 = tpu.memref_slice %arg7[%dma_wait3A_96] : memref<10000xi32, #tpu.memory_space<vmem>> -> memref<40xi32, #tpu.memory_space<vmem>>
    %dma_wait3A_98 = arith.constant 0 : i32
    %dma_wait3A_99 = arith.constant 0 : i32
    %dma_wait3A_100 = tpu.memref_slice %arg2[%dma_wait3A_98, %dma_wait3A_99] : memref<10000x128xf32, #tpu.memory_space<hbm>> -> memref<10000x128xf32, #tpu.memory_space<hbm>>
    tpu.wait_indirect_dma semaphore(%arg28 : memref<!tpu.dma_semaphore, #tpu.memory_space<semaphore_mem>>) src(%dma_wait3A_100 : memref<10000x128xf32, #tpu.memory_space<hbm>>) dst(%arg16 : memref<40x128xf32, #tpu.memory_space<vmem>>)
    %dma_wait3A_101 = arith.constant 0 : i32
    %dma_wait3A_102 = tpu.memref_slice %arg4[%dma_wait3A_101] : memref<320000xi32, #tpu.memory_space<hbm>> -> memref<40xi32, #tpu.memory_space<hbm>>
    %dma_wait3A_103 = arith.constant 0 : i32
    %dma_wait3A_104 = tpu.memref_slice %arg4[%dma_wait3A_103] : memref<320000xi32, #tpu.memory_space<hbm>> -> memref<40xi32, #tpu.memory_space<hbm>>
    tpu.wait_dma2 semaphore(%arg24 : memref<!tpu.dma_semaphore, #tpu.memory_space<semaphore_mem>>) src(%dma_wait3A_104 : memref<40xi32, #tpu.memory_space<hbm>>) dst(%arg12 : memref<40xi32, #tpu.memory_space<vmem>>)
    %dma_wait3A_105 = arith.constant 0 : i32
    %dma_wait3A_106 = tpu.memref_slice %arg7[%dma_wait3A_105] : memref<10000xi32, #tpu.memory_space<vmem>> -> memref<40xi32, #tpu.memory_space<vmem>>
    %dma_wait3A_107 = arith.constant 0 : i32
    %dma_wait3A_108 = arith.constant 0 : i32
    %dma_wait3A_109 = tpu.memref_slice %arg2[%dma_wait3A_107, %dma_wait3A_108] : memref<10000x128xf32, #tpu.memory_space<hbm>> -> memref<10000x128xf32, #tpu.memory_space<hbm>>
    tpu.wait_indirect_dma semaphore(%arg29 : memref<!tpu.dma_semaphore, #tpu.memory_space<semaphore_mem>>) src(%dma_wait3A_109 : memref<10000x128xf32, #tpu.memory_space<hbm>>) dst(%arg17 : memref<40x128xf32, #tpu.memory_space<vmem>>)
    %barrier3A_110 = arith.constant 0 : index
    tpu.barrier barrier_id(%barrier3A_110)
    "tpu.region"() ({
      %run_scoped3A = tpu.sem_alloc : memref<!tpu.dma_semaphore, #tpu.memory_space<semaphore_mem>>
      %dma_start3A_114 = arith.constant 0 : i32
      %dma_start3A_115 = tpu.memref_slice %arg6[%arg0, %mul3A_0, %dma_start3A_114] : memref<2x10000x128xf32, #tpu.memory_space<hbm>> -> memref<1x624x128xf32, #tpu.memory_space<hbm>>
      %dma_start3A_116 = tpu.memref_squeeze %dma_start3A_115 : memref<1x624x128xf32, #tpu.memory_space<hbm>> -> memref<624x128xf32, #tpu.memory_space<hbm>>
      %dma_start3A_117 = arith.constant 0 : i32
      %dma_start3A_118 = tpu.memref_slice %arg18[%mul3A_0, %dma_start3A_117] : memref<10000x128xf32, #tpu.memory_space<vmem_shared>> -> memref<624x128xf32, #tpu.memory_space<vmem_shared>>
      tpu.enqueue_dma source(%dma_start3A_118 : memref<624x128xf32, #tpu.memory_space<vmem_shared>>) target(%dma_start3A_116 : memref<624x128xf32, #tpu.memory_space<hbm>>) target_semaphore(%run_scoped3A : memref<!tpu.dma_semaphore, #tpu.memory_space<semaphore_mem>>)
      %dma_wait3A_119 = arith.constant 0 : i32
      %dma_wait3A_120 = tpu.memref_slice %arg6[%arg0, %mul3A_0, %dma_wait3A_119] : memref<2x10000x128xf32, #tpu.memory_space<hbm>> -> memref<1x624x128xf32, #tpu.memory_space<hbm>>
      %dma_wait3A_121 = tpu.memref_squeeze %dma_wait3A_120 : memref<1x624x128xf32, #tpu.memory_space<hbm>> -> memref<624x128xf32, #tpu.memory_space<hbm>>
      %dma_wait3A_122 = arith.constant 0 : i32
      %dma_wait3A_123 = tpu.memref_slice %arg18[%mul3A_0, %dma_wait3A_122] : memref<10000x128xf32, #tpu.memory_space<vmem_shared>> -> memref<624x128xf32, #tpu.memory_space<vmem_shared>>
      tpu.wait_dma2 semaphore(%run_scoped3A : memref<!tpu.dma_semaphore, #tpu.memory_space<semaphore_mem>>) src(%dma_wait3A_123 : memref<624x128xf32, #tpu.memory_space<vmem_shared>>) dst(%dma_wait3A_121 : memref<624x128xf32, #tpu.memory_space<hbm>>)
      tpu.yield
    }) : () -> ()
    %convert_element_type3A_111 = arith.extui %eq3A_1 : i1 to i32
    %cond3A_112 = arith.constant 0 : i32
    %cond3A_113 = arith.cmpi ne, %convert_element_type3A_111, %cond3A_112 : i32
    scf.if %cond3A_113 {
      "tpu.region"() ({
        %run_scoped3A = tpu.sem_alloc : memref<!tpu.dma_semaphore, #tpu.memory_space<semaphore_mem>>
        %dma_start3A_114 = arith.constant 9984 : i32
        %dma_start3A_115 = arith.constant 0 : i32
        %dma_start3A_116 = tpu.memref_slice %arg6[%arg0, %dma_start3A_114, %dma_start3A_115] : memref<2x10000x128xf32, #tpu.memory_space<hbm>> -> memref<1x16x128xf32, #tpu.memory_space<hbm>>
        %dma_start3A_117 = tpu.memref_squeeze %dma_start3A_116 : memref<1x16x128xf32, #tpu.memory_space<hbm>> -> memref<16x128xf32, #tpu.memory_space<hbm>>
        %dma_start3A_118 = arith.constant 9984 : i32
        %dma_start3A_119 = arith.constant 0 : i32
        %dma_start3A_120 = tpu.memref_slice %arg18[%dma_start3A_118, %dma_start3A_119] : memref<10000x128xf32, #tpu.memory_space<vmem_shared>> -> memref<16x128xf32, #tpu.memory_space<vmem_shared>>
        tpu.enqueue_dma source(%dma_start3A_120 : memref<16x128xf32, #tpu.memory_space<vmem_shared>>) target(%dma_start3A_117 : memref<16x128xf32, #tpu.memory_space<hbm>>) target_semaphore(%run_scoped3A : memref<!tpu.dma_semaphore, #tpu.memory_space<semaphore_mem>>)
        %dma_wait3A_121 = arith.constant 9984 : i32
        %dma_wait3A_122 = arith.constant 0 : i32
        %dma_wait3A_123 = tpu.memref_slice %arg6[%arg0, %dma_wait3A_121, %dma_wait3A_122] : memref<2x10000x128xf32, #tpu.memory_space<hbm>> -> memref<1x16x128xf32, #tpu.memory_space<hbm>>
        %dma_wait3A_124 = tpu.memref_squeeze %dma_wait3A_123 : memref<1x16x128xf32, #tpu.memory_space<hbm>> -> memref<16x128xf32, #tpu.memory_space<hbm>>
        %dma_wait3A_125 = arith.constant 9984 : i32
        %dma_wait3A_126 = arith.constant 0 : i32
        %dma_wait3A_127 = tpu.memref_slice %arg18[%dma_wait3A_125, %dma_wait3A_126] : memref<10000x128xf32, #tpu.memory_space<vmem_shared>> -> memref<16x128xf32, #tpu.memory_space<vmem_shared>>
        tpu.wait_dma2 semaphore(%run_scoped3A : memref<!tpu.dma_semaphore, #tpu.memory_space<semaphore_mem>>) src(%dma_wait3A_127 : memref<16x128xf32, #tpu.memory_space<vmem_shared>>) dst(%dma_wait3A_124 : memref<16x128xf32, #tpu.memory_space<hbm>>)
        tpu.yield
      }) : () -> ()
    } else {
    }
    return
  }
}

module attributes {stable_mosaic.version = 14 : i64} {
  func.func @_tc_first_body(%arg0: i32, %arg1: memref<1000x32xf32, #tpu.memory_space<vmem>>, %arg2: memref<1000x128xf32, #tpu.memory_space<vmem>>, %arg3: memref<128x128xf32, #tpu.memory_space<vmem>>, %arg4: memref<1000x128xf32, #tpu.memory_space<vmem>>, %arg5: memref<1000x1xf32, #tpu.memory_space<vmem>>) attributes {dimension_semantics = [#tpu.dimension_semantics<arbitrary>], iteration_bounds = array<i64: 10>, scalar_prefetch = 0 : i64, scratch_operands = 0 : i64, tpu.core_type = #tpu.core_type<tc>, window_params = [{transform_indices = @transform_0, window_bounds = array<i64: 1000, 32>}, {transform_indices = @transform_1, window_bounds = array<i64: 1000, 128>}, {pipeline_mode = #tpu.pipeline_mode<synchronous>, transform_indices = @transform_2, window_bounds = array<i64: 128, 128>}, {transform_indices = @transform_3, window_bounds = array<i64: 1000, 128>}, {transform_indices = @transform_4, window_bounds = array<i64: 1000, 1>}]} {
    %get3A = arith.constant 0 : index
    %get3A_0 = arith.constant 0 : index
    %get3A_1 = vector.load %arg1[%get3A, %get3A_0] : memref<1000x32xf32, #tpu.memory_space<vmem>>, vector<1000x32xf32>
    %reduce_sum3A = arith.constant dense<0.000000e+00> : vector<1000xf32>
    %reduce_sum3A_2 = vector.multi_reduction <add>, %get3A_1, %reduce_sum3A [1] : vector<1000x32xf32> to vector<1000xf32>
    %broadcast_in_dim3A = vector.shape_cast %reduce_sum3A_2 : vector<1000xf32> to vector<1000x1xf32>
    %add3A = arith.constant 1.000000e+00 : f32
    %add3A_3 = vector.broadcast %add3A : f32 to vector<1000x1xf32>
    %add3A_4 = arith.addf %broadcast_in_dim3A, %add3A_3 : vector<1000x1xf32>
    %rsqrt3A = math.rsqrt %add3A_4 : vector<1000x1xf32>
    %get3A_5 = arith.constant 0 : index
    %get3A_6 = arith.constant 0 : index
    %get3A_7 = vector.load %arg2[%get3A_5, %get3A_6] : memref<1000x128xf32, #tpu.memory_space<vmem>>, vector<1000x128xf32>
    %get3A_8 = arith.constant 0 : index
    %get3A_9 = arith.constant 0 : index
    %get3A_10 = vector.load %arg3[%get3A_8, %get3A_9] : memref<128x128xf32, #tpu.memory_space<vmem>>, vector<128x128xf32>
    %dot_general3A = arith.constant dense<0.000000e+00> : vector<1000x128xf32>
    %dot_general3A_11 = tpu.matmul %get3A_7, %get3A_10, %dot_general3A {dimension_numbers = #tpu.dot_dimension_numbers<[1], [0], [0], [1], [0, 0, 1, 1], [], []>, transpose_lhs_hint = false} : vector<1000x128xf32>, vector<128x128xf32>, vector<1000x128xf32> -> vector<1000x128xf32>
    %swap3A = arith.constant 0 : index
    %swap3A_12 = arith.constant 0 : index
    %swap3A_13 = vector.load %arg4[%swap3A, %swap3A_12] : memref<1000x128xf32, #tpu.memory_space<vmem>>, vector<1000x128xf32>
    tpu.vector_store %arg4[%swap3A, %swap3A_12], %dot_general3A_11 {strides = array<i32>} : memref<1000x128xf32, #tpu.memory_space<vmem>>, vector<1000x128xf32>,
    %swap3A_14 = arith.constant 0 : index
    %swap3A_15 = arith.constant 0 : index
    %swap3A_16 = vector.load %arg5[%swap3A_14, %swap3A_15] : memref<1000x1xf32, #tpu.memory_space<vmem>>, vector<1000x1xf32>
    tpu.vector_store %arg5[%swap3A_14, %swap3A_15], %rsqrt3A {strides = array<i32>} : memref<1000x1xf32, #tpu.memory_space<vmem>>, vector<1000x1xf32>,
    return
  }
  func.func @transform_0(%arg0: i32) -> (i32, i32) {
    %c0_i32 = arith.constant 0 : i32
    %c0_i32_0 = arith.constant 0 : i32
    return %arg0, %c0_i32 : i32, i32
  }
  func.func @transform_1(%arg0: i32) -> (i32, i32) {
    %c0_i32 = arith.constant 0 : i32
    %c0_i32_0 = arith.constant 0 : i32
    return %arg0, %c0_i32 : i32, i32
  }
  func.func @transform_2(%arg0: i32) -> (i32, i32) {
    %c0_i32 = arith.constant 0 : i32
    %c0_i32_0 = arith.constant 0 : i32
    %c0_i32_1 = arith.constant 0 : i32
    return %c0_i32, %c0_i32_0 : i32, i32
  }
  func.func @transform_3(%arg0: i32) -> (i32, i32) {
    %c0_i32 = arith.constant 0 : i32
    %c0_i32_0 = arith.constant 0 : i32
    return %arg0, %c0_i32 : i32, i32
  }
  func.func @transform_4(%arg0: i32) -> (i32, i32) {
    %c0_i32 = arith.constant 0 : i32
    %c0_i32_0 = arith.constant 0 : i32
    return %arg0, %c0_i32 : i32, i32
  }
}

module attributes {stable_mosaic.version = 14 : i64} {
  func.func @_tc_mid_body(%arg0: i32, %arg1: memref<1000x128xf32, #tpu.memory_space<vmem>>, %arg2: memref<1000x128xf32, #tpu.memory_space<vmem>>, %arg3: memref<1000x1xf32, #tpu.memory_space<vmem>>, %arg4: memref<128x128xf32, #tpu.memory_space<vmem>>, %arg5: memref<1x128xf32, #tpu.memory_space<vmem>>, %arg6: memref<1000x128xf32, #tpu.memory_space<vmem>>) attributes {dimension_semantics = [#tpu.dimension_semantics<arbitrary>], iteration_bounds = array<i64: 10>, scalar_prefetch = 0 : i64, scratch_operands = 0 : i64, tpu.core_type = #tpu.core_type<tc>, window_params = [{transform_indices = @transform_0, window_bounds = array<i64: 1000, 128>}, {transform_indices = @transform_1, window_bounds = array<i64: 1000, 128>}, {transform_indices = @transform_2, window_bounds = array<i64: 1000, 1>}, {pipeline_mode = #tpu.pipeline_mode<synchronous>, transform_indices = @transform_3, window_bounds = array<i64: 128, 128>}, {pipeline_mode = #tpu.pipeline_mode<synchronous>, transform_indices = @transform_4, window_bounds = array<i64: 1, 128>}, {transform_indices = @transform_5, window_bounds = array<i64: 1000, 128>}]} {
    %get3A = arith.constant 0 : index
    %get3A_0 = arith.constant 0 : index
    %get3A_1 = vector.load %arg3[%get3A, %get3A_0] : memref<1000x1xf32, #tpu.memory_space<vmem>>, vector<1000x1xf32>
    %mul3A = arith.mulf %get3A_1, %get3A_1 : vector<1000x1xf32>
    %get3A_2 = arith.constant 0 : index
    %get3A_3 = arith.constant 0 : index
    %get3A_4 = vector.load %arg1[%get3A_2, %get3A_3] : memref<1000x128xf32, #tpu.memory_space<vmem>>, vector<1000x128xf32>
    %get3A_5 = arith.constant 0 : index
    %get3A_6 = arith.constant 0 : index
    %get3A_7 = vector.load %arg2[%get3A_5, %get3A_6] : memref<1000x128xf32, #tpu.memory_space<vmem>>, vector<1000x128xf32>
    %mul3A_8 = vector.broadcast %mul3A : vector<1000x1xf32> to vector<1000x128xf32>
    %mul3A_9 = arith.mulf %get3A_7, %mul3A_8 : vector<1000x128xf32>
    %add3A = arith.addf %get3A_4, %mul3A_9 : vector<1000x128xf32>
    %get3A_10 = arith.constant 0 : index
    %get3A_11 = arith.constant 0 : index
    %get3A_12 = vector.load %arg5[%get3A_10, %get3A_11] : memref<1x128xf32, #tpu.memory_space<vmem>>, vector<1x128xf32>
    %add3A_13 = vector.broadcast %get3A_12 : vector<1x128xf32> to vector<1000x128xf32>
    %add3A_14 = arith.addf %add3A, %add3A_13 : vector<1000x128xf32>
    %max3A = arith.constant 0.000000e+00 : f32
    %max3A_15 = vector.broadcast %max3A : f32 to vector<1000x128xf32>
    %max3A_16 = arith.maximumf %add3A_14, %max3A_15 : vector<1000x128xf32>
    %get3A_17 = arith.constant 0 : index
    %get3A_18 = arith.constant 0 : index
    %get3A_19 = vector.load %arg4[%get3A_17, %get3A_18] : memref<128x128xf32, #tpu.memory_space<vmem>>, vector<128x128xf32>
    %dot_general3A = arith.constant dense<0.000000e+00> : vector<1000x128xf32>
    %dot_general3A_20 = tpu.matmul %max3A_16, %get3A_19, %dot_general3A {dimension_numbers = #tpu.dot_dimension_numbers<[1], [0], [0], [1], [0, 0, 1, 1], [], []>, transpose_lhs_hint = false} : vector<1000x128xf32>, vector<128x128xf32>, vector<1000x128xf32> -> vector<1000x128xf32>
    %mul3A_21 = vector.broadcast %get3A_1 : vector<1000x1xf32> to vector<1000x128xf32>
    %mul3A_22 = arith.mulf %dot_general3A_20, %mul3A_21 : vector<1000x128xf32>
    %swap3A = arith.constant 0 : index
    %swap3A_23 = arith.constant 0 : index
    %swap3A_24 = vector.load %arg6[%swap3A, %swap3A_23] : memref<1000x128xf32, #tpu.memory_space<vmem>>, vector<1000x128xf32>
    tpu.vector_store %arg6[%swap3A, %swap3A_23], %mul3A_22 {strides = array<i32>} : memref<1000x128xf32, #tpu.memory_space<vmem>>, vector<1000x128xf32>,
    return
  }
  func.func @transform_0(%arg0: i32) -> (i32, i32) {
    %c0_i32 = arith.constant 0 : i32
    %c0_i32_0 = arith.constant 0 : i32
    return %arg0, %c0_i32 : i32, i32
  }
  func.func @transform_1(%arg0: i32) -> (i32, i32) {
    %c0_i32 = arith.constant 0 : i32
    %c0_i32_0 = arith.constant 0 : i32
    return %arg0, %c0_i32 : i32, i32
  }
  func.func @transform_2(%arg0: i32) -> (i32, i32) {
    %c0_i32 = arith.constant 0 : i32
    %c0_i32_0 = arith.constant 0 : i32
    return %arg0, %c0_i32 : i32, i32
  }
  func.func @transform_3(%arg0: i32) -> (i32, i32) {
    %c0_i32 = arith.constant 0 : i32
    %c0_i32_0 = arith.constant 0 : i32
    %c0_i32_1 = arith.constant 0 : i32
    return %c0_i32, %c0_i32_0 : i32, i32
  }
  func.func @transform_4(%arg0: i32) -> (i32, i32) {
    %c0_i32 = arith.constant 0 : i32
    %c0_i32_0 = arith.constant 0 : i32
    %c0_i32_1 = arith.constant 0 : i32
    return %c0_i32, %c0_i32_0 : i32, i32
  }
  func.func @transform_5(%arg0: i32) -> (i32, i32) {
    %c0_i32 = arith.constant 0 : i32
    %c0_i32_0 = arith.constant 0 : i32
    return %arg0, %c0_i32 : i32, i32
  }
}

module attributes {stable_mosaic.version = 14 : i64} {
  func.func @_tc_head_body(%arg0: i32, %arg1: memref<1000x128xf32, #tpu.memory_space<vmem>>, %arg2: memref<1000x128xf32, #tpu.memory_space<vmem>>, %arg3: memref<1000x128xf32, #tpu.memory_space<vmem>>, %arg4: memref<1000x1xf32, #tpu.memory_space<vmem>>, %arg5: memref<1x128xf32, #tpu.memory_space<vmem>>, %arg6: memref<1x64xf32, #tpu.memory_space<vmem>>, %arg7: memref<1x16xf32, #tpu.memory_space<vmem>>, %arg8: memref<208x256xf32, #tpu.memory_space<vmem>>, %arg9: memref<1x256xf32, #tpu.memory_space<vmem>>, %arg10: memref<256x256xf32, #tpu.memory_space<vmem>>, %arg11: memref<1x256xf32, #tpu.memory_space<vmem>>, %arg12: memref<256x1xf32, #tpu.memory_space<vmem>>, %arg13: memref<1x1xf32, #tpu.memory_space<vmem>>, %arg14: memref<1x1xf32, #tpu.memory_space<vmem>>, %arg15: memref<1x128xf32, #tpu.memory_space<vmem>>) attributes {dimension_semantics = [#tpu.dimension_semantics<arbitrary>], iteration_bounds = array<i64: 10>, scalar_prefetch = 0 : i64, scratch_operands = 1 : i64, tpu.core_type = #tpu.core_type<tc>, window_params = [{transform_indices = @transform_0, window_bounds = array<i64: 1000, 128>}, {transform_indices = @transform_1, window_bounds = array<i64: 1000, 128>}, {transform_indices = @transform_2, window_bounds = array<i64: 1000, 128>}, {transform_indices = @transform_3, window_bounds = array<i64: 1000, 1>}, {pipeline_mode = #tpu.pipeline_mode<synchronous>, transform_indices = @transform_4, window_bounds = array<i64: 1, 128>}, {pipeline_mode = #tpu.pipeline_mode<synchronous>, transform_indices = @transform_5, window_bounds = array<i64: 1, 64>}, {pipeline_mode = #tpu.pipeline_mode<synchronous>, transform_indices = @transform_6, window_bounds = array<i64: 1, 16>}, {pipeline_mode = #tpu.pipeline_mode<synchronous>, transform_indices = @transform_7, window_bounds = array<i64: 208, 256>}, {pipeline_mode = #tpu.pipeline_mode<synchronous>, transform_indices = @transform_8, window_bounds = array<i64: 1, 256>}, {pipeline_mode = #tpu.pipeline_mode<synchronous>, transform_indices = @transform_9, window_bounds = array<i64: 256, 256>}, {pipeline_mode = #tpu.pipeline_mode<synchronous>, transform_indices = @transform_10, window_bounds = array<i64: 1, 256>}, {pipeline_mode = #tpu.pipeline_mode<synchronous>, transform_indices = @transform_11, window_bounds = array<i64: 256, 1>}, {pipeline_mode = #tpu.pipeline_mode<synchronous>, transform_indices = @transform_12, window_bounds = array<i64: 1, 1>}, {pipeline_mode = #tpu.pipeline_mode<synchronous>, transform_indices = @transform_13, window_bounds = array<i64: 1, 1>}]} {
    %eq3A = arith.constant 0 : i32
    %eq3A_0 = arith.cmpi eq, %arg0, %eq3A : i32
    %convert_element_type3A = arith.extui %eq3A_0 : i1 to i32
    %cond3A = arith.constant 0 : i32
    %cond3A_1 = arith.cmpi ne, %convert_element_type3A, %cond3A : i32
    scf.if %cond3A_1 {
      %broadcast_in_dim3A_34 = arith.constant 0.000000e+00 : f32
      %broadcast_in_dim3A_35 = vector.broadcast %broadcast_in_dim3A_34 : f32 to vector<1x128xf32>
      %swap3A_36 = arith.constant 0 : index
      %swap3A_37 = arith.constant 0 : index
      %swap3A_38 = vector.load %arg15[%swap3A_36, %swap3A_37] : memref<1x128xf32, #tpu.memory_space<vmem>>, vector<1x128xf32>
      tpu.vector_store %arg15[%swap3A_36, %swap3A_37], %broadcast_in_dim3A_35 {strides = array<i32>} : memref<1x128xf32, #tpu.memory_space<vmem>>, vector<1x128xf32>,
    } else {
    }
    %get3A = arith.constant 0 : index
    %get3A_2 = arith.constant 0 : index
    %get3A_3 = vector.load %arg1[%get3A, %get3A_2] : memref<1000x128xf32, #tpu.memory_space<vmem>>, vector<1000x128xf32>
    %get3A_4 = arith.constant 0 : index
    %get3A_5 = arith.constant 0 : index
    %get3A_6 = vector.load %arg2[%get3A_4, %get3A_5] : memref<1000x128xf32, #tpu.memory_space<vmem>>, vector<1000x128xf32>
    %add3A = arith.addf %get3A_3, %get3A_6 : vector<1000x128xf32>
    %get3A_7 = arith.constant 0 : index
    %get3A_8 = arith.constant 0 : index
    %get3A_9 = vector.load %arg3[%get3A_7, %get3A_8] : memref<1000x128xf32, #tpu.memory_space<vmem>>, vector<1000x128xf32>
    %add3A_10 = arith.addf %add3A, %get3A_9 : vector<1000x128xf32>
    %get3A_11 = arith.constant 0 : index
    %get3A_12 = arith.constant 0 : index
    %get3A_13 = vector.load %arg4[%get3A_11, %get3A_12] : memref<1000x1xf32, #tpu.memory_space<vmem>>, vector<1000x1xf32>
    %mul3A = vector.broadcast %get3A_13 : vector<1000x1xf32> to vector<1000x128xf32>
    %mul3A_14 = arith.mulf %add3A_10, %mul3A : vector<1000x128xf32>
    %get3A_15 = arith.constant 0 : index
    %get3A_16 = arith.constant 0 : index
    %get3A_17 = vector.load %arg5[%get3A_15, %get3A_16] : memref<1x128xf32, #tpu.memory_space<vmem>>, vector<1x128xf32>
    %add3A_18 = vector.broadcast %get3A_17 : vector<1x128xf32> to vector<1000x128xf32>
    %add3A_19 = arith.addf %mul3A_14, %add3A_18 : vector<1000x128xf32>
    %max3A = arith.constant 0.000000e+00 : f32
    %max3A_20 = vector.broadcast %max3A : f32 to vector<1000x128xf32>
    %max3A_21 = arith.maximumf %add3A_19, %max3A_20 : vector<1000x128xf32>
    %get3A_22 = arith.constant 0 : index
    %get3A_23 = arith.constant 0 : index
    %get3A_24 = vector.load %arg15[%get3A_22, %get3A_23] : memref<1x128xf32, #tpu.memory_space<vmem>>, vector<1x128xf32>
    %reduce_sum3A = arith.constant dense<0.000000e+00> : vector<128xf32>
    %reduce_sum3A_25 = vector.multi_reduction <add>, %max3A_21, %reduce_sum3A [0] : vector<1000x128xf32> to vector<128xf32>
    %broadcast_in_dim3A = vector.shape_cast %reduce_sum3A_25 : vector<128xf32> to vector<1x128xf32>
    %add3A_26 = arith.addf %get3A_24, %broadcast_in_dim3A : vector<1x128xf32>
    %swap3A = arith.constant 0 : index
    %swap3A_27 = arith.constant 0 : index
    %swap3A_28 = vector.load %arg15[%swap3A, %swap3A_27] : memref<1x128xf32, #tpu.memory_space<vmem>>, vector<1x128xf32>
    tpu.vector_store %arg15[%swap3A, %swap3A_27], %add3A_26 {strides = array<i32>} : memref<1x128xf32, #tpu.memory_space<vmem>>, vector<1x128xf32>,
    %eq3A_29 = arith.constant 9 : i32
    %eq3A_30 = arith.cmpi eq, %arg0, %eq3A_29 : i32
    %convert_element_type3A_31 = arith.extui %eq3A_30 : i1 to i32
    %cond3A_32 = arith.constant 0 : i32
    %cond3A_33 = arith.cmpi ne, %convert_element_type3A_31, %cond3A_32 : i32
    scf.if %cond3A_33 {
      %get3A_34 = arith.constant 0 : index
      %get3A_35 = arith.constant 0 : index
      %get3A_36 = vector.load %arg15[%get3A_34, %get3A_35] : memref<1x128xf32, #tpu.memory_space<vmem>>, vector<1x128xf32>
      %div3A = arith.constant 1.000000e+04 : f32
      %div3A_37 = vector.broadcast %div3A : f32 to vector<1x128xf32>
      %div3A_38 = arith.divf %get3A_36, %div3A_37 : vector<1x128xf32>
      %get3A_39 = arith.constant 0 : index
      %get3A_40 = arith.constant 0 : index
      %get3A_41 = vector.load %arg6[%get3A_39, %get3A_40] : memref<1x64xf32, #tpu.memory_space<vmem>>, vector<1x64xf32>
      %get3A_42 = arith.constant 0 : index
      %get3A_43 = arith.constant 0 : index
      %get3A_44 = vector.load %arg7[%get3A_42, %get3A_43] : memref<1x16xf32, #tpu.memory_space<vmem>>, vector<1x16xf32>
      %concatenate3A = tpu.concatenate %div3A_38, %get3A_41, %get3A_44 in 1 : vector<1x128xf32>, vector<1x64xf32>, vector<1x16xf32> -> vector<1x208xf32>
      %get3A_45 = arith.constant 0 : index
      %get3A_46 = arith.constant 0 : index
      %get3A_47 = vector.load %arg8[%get3A_45, %get3A_46] : memref<208x256xf32, #tpu.memory_space<vmem>>, vector<208x256xf32>
      %dot_general3A = arith.constant dense<0.000000e+00> : vector<1x256xf32>
      %dot_general3A_48 = tpu.matmul %concatenate3A, %get3A_47, %dot_general3A {dimension_numbers = #tpu.dot_dimension_numbers<[1], [0], [0], [1], [0, 0, 1, 1], [], []>, transpose_lhs_hint = false} : vector<1x208xf32>, vector<208x256xf32>, vector<1x256xf32> -> vector<1x256xf32>
      %get3A_49 = arith.constant 0 : index
      %get3A_50 = arith.constant 0 : index
      %get3A_51 = vector.load %arg9[%get3A_49, %get3A_50] : memref<1x256xf32, #tpu.memory_space<vmem>>, vector<1x256xf32>
      %add3A_52 = arith.addf %dot_general3A_48, %get3A_51 : vector<1x256xf32>
      %max3A_53 = arith.constant 0.000000e+00 : f32
      %max3A_54 = vector.broadcast %max3A_53 : f32 to vector<1x256xf32>
      %max3A_55 = arith.maximumf %add3A_52, %max3A_54 : vector<1x256xf32>
      %get3A_56 = arith.constant 0 : index
      %get3A_57 = arith.constant 0 : index
      %get3A_58 = vector.load %arg10[%get3A_56, %get3A_57] : memref<256x256xf32, #tpu.memory_space<vmem>>, vector<256x256xf32>
      %dot_general3A_59 = arith.constant dense<0.000000e+00> : vector<1x256xf32>
      %dot_general3A_60 = tpu.matmul %max3A_55, %get3A_58, %dot_general3A_59 {dimension_numbers = #tpu.dot_dimension_numbers<[1], [0], [0], [1], [0, 0, 1, 1], [], []>, transpose_lhs_hint = false} : vector<1x256xf32>, vector<256x256xf32>, vector<1x256xf32> -> vector<1x256xf32>
      %get3A_61 = arith.constant 0 : index
      %get3A_62 = arith.constant 0 : index
      %get3A_63 = vector.load %arg11[%get3A_61, %get3A_62] : memref<1x256xf32, #tpu.memory_space<vmem>>, vector<1x256xf32>
      %add3A_64 = arith.addf %dot_general3A_60, %get3A_63 : vector<1x256xf32>
      %max3A_65 = arith.constant 0.000000e+00 : f32
      %max3A_66 = vector.broadcast %max3A_65 : f32 to vector<1x256xf32>
      %max3A_67 = arith.maximumf %add3A_64, %max3A_66 : vector<1x256xf32>
      %get3A_68 = arith.constant 0 : index
      %get3A_69 = arith.constant 0 : index
      %get3A_70 = vector.load %arg12[%get3A_68, %get3A_69] : memref<256x1xf32, #tpu.memory_space<vmem>>, vector<256x1xf32>
      %dot_general3A_71 = arith.constant dense<0.000000e+00> : vector<1x1xf32>
      %dot_general3A_72 = tpu.matmul %max3A_67, %get3A_70, %dot_general3A_71 {dimension_numbers = #tpu.dot_dimension_numbers<[1], [0], [0], [1], [0, 0, 1, 1], [], []>, transpose_lhs_hint = false} : vector<1x256xf32>, vector<256x1xf32>, vector<1x1xf32> -> vector<1x1xf32>
      %get3A_73 = arith.constant 0 : index
      %get3A_74 = arith.constant 0 : index
      %get3A_75 = vector.load %arg13[%get3A_73, %get3A_74] : memref<1x1xf32, #tpu.memory_space<vmem>>, vector<1x1xf32>
      %add3A_76 = arith.addf %dot_general3A_72, %get3A_75 : vector<1x1xf32>
      %swap3A_77 = arith.constant 0 : index
      %swap3A_78 = arith.constant 0 : index
      %swap3A_79 = vector.load %arg14[%swap3A_77, %swap3A_78] : memref<1x1xf32, #tpu.memory_space<vmem>>, vector<1x1xf32>
      tpu.vector_store %arg14[%swap3A_77, %swap3A_78], %add3A_76 {strides = array<i32>} : memref<1x1xf32, #tpu.memory_space<vmem>>, vector<1x1xf32>,
    } else {
    }
    return
  }
  func.func @transform_0(%arg0: i32) -> (i32, i32) {
    %c0_i32 = arith.constant 0 : i32
    %c0_i32_0 = arith.constant 0 : i32
    return %arg0, %c0_i32 : i32, i32
  }
  func.func @transform_1(%arg0: i32) -> (i32, i32) {
    %c0_i32 = arith.constant 0 : i32
    %c0_i32_0 = arith.constant 0 : i32
    return %arg0, %c0_i32 : i32, i32
  }
  func.func @transform_2(%arg0: i32) -> (i32, i32) {
    %c0_i32 = arith.constant 0 : i32
    %c0_i32_0 = arith.constant 0 : i32
    return %arg0, %c0_i32 : i32, i32
  }
  func.func @transform_3(%arg0: i32) -> (i32, i32) {
    %c0_i32 = arith.constant 0 : i32
    %c0_i32_0 = arith.constant 0 : i32
    return %arg0, %c0_i32 : i32, i32
  }
  func.func @transform_4(%arg0: i32) -> (i32, i32) {
    %c0_i32 = arith.constant 0 : i32
    %c0_i32_0 = arith.constant 0 : i32
    %c0_i32_1 = arith.constant 0 : i32
    return %c0_i32, %c0_i32_0 : i32, i32
  }
  func.func @transform_5(%arg0: i32) -> (i32, i32) {
    %c0_i32 = arith.constant 0 : i32
    %c0_i32_0 = arith.constant 0 : i32
    %c0_i32_1 = arith.constant 0 : i32
    return %c0_i32, %c0_i32_0 : i32, i32
  }
  func.func @transform_6(%arg0: i32) -> (i32, i32) {
    %c0_i32 = arith.constant 0 : i32
    %c0_i32_0 = arith.constant 0 : i32
    %c0_i32_1 = arith.constant 0 : i32
    return %c0_i32, %c0_i32_0 : i32, i32
  }
  func.func @transform_7(%arg0: i32) -> (i32, i32) {
    %c0_i32 = arith.constant 0 : i32
    %c0_i32_0 = arith.constant 0 : i32
    %c0_i32_1 = arith.constant 0 : i32
    return %c0_i32, %c0_i32_0 : i32, i32
  }
  func.func @transform_8(%arg0: i32) -> (i32, i32) {
    %c0_i32 = arith.constant 0 : i32
    %c0_i32_0 = arith.constant 0 : i32
    %c0_i32_1 = arith.constant 0 : i32
    return %c0_i32, %c0_i32_0 : i32, i32
  }
  func.func @transform_9(%arg0: i32) -> (i32, i32) {
    %c0_i32 = arith.constant 0 : i32
    %c0_i32_0 = arith.constant 0 : i32
    %c0_i32_1 = arith.constant 0 : i32
    return %c0_i32, %c0_i32_0 : i32, i32
  }
  func.func @transform_10(%arg0: i32) -> (i32, i32) {
    %c0_i32 = arith.constant 0 : i32
    %c0_i32_0 = arith.constant 0 : i32
    %c0_i32_1 = arith.constant 0 : i32
    return %c0_i32, %c0_i32_0 : i32, i32
  }
  func.func @transform_11(%arg0: i32) -> (i32, i32) {
    %c0_i32 = arith.constant 0 : i32
    %c0_i32_0 = arith.constant 0 : i32
    %c0_i32_1 = arith.constant 0 : i32
    return %c0_i32, %c0_i32_0 : i32, i32
  }
  func.func @transform_12(%arg0: i32) -> (i32, i32) {
    %c0_i32 = arith.constant 0 : i32
    %c0_i32_0 = arith.constant 0 : i32
    %c0_i32_1 = arith.constant 0 : i32
    return %c0_i32, %c0_i32_0 : i32, i32
  }
  func.func @transform_13(%arg0: i32) -> (i32, i32) {
    %c0_i32 = arith.constant 0 : i32
    %c0_i32_0 = arith.constant 0 : i32
    %c0_i32_1 = arith.constant 0 : i32
    return %c0_i32, %c0_i32_0 : i32, i32
  }
}

</mosaic_0001>

<sc_bundles>
// kernel: kernel.11.cloned.1.call-start
scs
__scs_entry_jumppad:
0x0: {  	(pc) =	sbr.rel $0x88, $3  }
0x1: {  	(tag) =	ssettag $0x0;
	lr =	simm.s32 $0x1  }
0x2: {  	[smem:$0x3F93] =	sst lr;
	_ =	strace $0xD0000000  }
0x3: {  	_ = 	snop  }
0x4: {  	_ = 	snop  }
0x5: {  	_ = 	snop  }
0x6: {  	_ = 	snop  }
0x7: {  	_ = 	snop  }
__scs_overlays_trampoline_lowered:
0x8: {  	[smem:$0x3FA2] =	sst s0  }
0x9: {  	[smem:$0x3FA3] =	sst s1  }
0xa: {  	[smem:$0x3FA4] =	sst s2  }
0xb: {  	[smem:$0x3FA5] =	sst s3  }
0xc: {  	[smem:$0x3FA6] =	sst s4  }
0xd: {  	[smem:$0x3FA7] =	sst s5  }
0xe: {  	[smem:$0x3FA8] =	sst s6  }
0xf: {  	[smem:$0x3FA9] =	sst s7  }
0x10: {  	[smem:$0x3FAA] =	sst s8  }
0x11: {  	[smem:$0x3FAB] =	sst s9;
	s0 =	simm.s32 @!p0 $0x0  }
0x12: {  	s1 =	sld [smem:$0x3F91];
	s0 =	simm.s32 @p0 $0x1  }
0x13: {  	[smem:$0x3FAC] =	sst s0;
	s0 =	simm.s32 @!p1 $0x0  }
0x14: {  	s2 =	sld [smem:$0x3F90];
	s0 =	simm.s32 @p1 $0x1  }
0x15: {  	[smem:$0x3FAD] =	sst s0;
	s0 =	simm.s32 @!p2 $0x0  }
0x16: {  	s3 =	sld [smem:$0x3FDB];
	s0 =	simm.s32 @p2 $0x1  }
0x17: {  	s4 =	simm.s32 $0x1BF5;
	[smem:$0x3FAF] =	sst s0  }
0x18: {  	s0 =	sld [smem:$0x3F92];
	_ =	swait.ge [sflag:s4], $0x0  }
0x19: {  	s7 =	sld [smem:$0x3F93]  }
0x1a: {  	s8 =	sadd.s32 $0xFFFFE003, lr  }
0x1b: {  	s9 =	sadd.s32 $0xFFFFFEF7, lr;
	s5 =	simm.s32 $0xFFFFFFFF;
	p2 =	slt.u32 s8, $0xFFFFF086  }
0x1c: {  	p1 =	slt.u32 s9, $0xF7A;
	s5 =	simm.s32 @!p2 $0x0  }
0x1d: {  	s5 =	simm.s32 @p1 $0x1;
	p0 =	seq.s32 s7, s2  }
0x1e: {  	s7 =	smul.u32 @!p0 $0xF7A, s2;
	p2 =	seq.s32 @!p0 s5, $0x0  }
0x1f: {  	s9 =	smul.u32 $0xF7A, s1;
	s8 =	simm.s32 @!p0 $0x1BF5;
	p2 =	por !p2, p0  }
0x20: {  	[sflag:s8] =	ssyncset.s32 @!p0 $0xFFFFF086;
	s6 =	sadd.s32 @!p0 s3, s7;
	s7 =	simm.s32 @!p0 $0x108  }
0x21: {  	s3 =	sadd.s32 s3, s9;
	s6 =	sadd.s32 @!p0 $0x88, s6;
	s7 =	simm.s32 @p2 $0x1082  }
0x22: {  	[simem:s7], [sflag:s8] =	dma.local @!p0 [hbm:s6], $0xF7A  }
0x23: {  	s9 =	sor.u32 $0xD0000000, s2;
	s6 =	simm.s32 $0x108;
	_ =	swait.ge @!p0 [sflag:s8], $0x0  }
0x24: {  	s3 =	sadd.s32 $0x88, s3;
	s6 =	simm.s32 @!p1 $0x1082;
	[sflag:s4] =	ssyncset.s32 $0xFFFFF086  }
0x25: {  	[simem:s6], [sflag:s4] =	dma.local [hbm:s3], $0xF7A  }
0x26: {  	[smem:$0x3F93] =	sst s1;
	(tag) =	ssettag s2;
	_ =	strace s9  }
0x27: {  	s1 =	sld [smem:$0x3FA3]  }
0x28: {  	s2 =	sld [smem:$0x3FA4]  }
0x29: {  	s4 =	sld [smem:$0x3FA6]  }
0x2a: {  	p0 =	seq.s32 s5, $0x0;
	s5 =	sld [smem:$0x3FA7]  }
0x2b: {  	s6 =	sld [smem:$0x3FA8]  }
0x2c: {  	s7 =	sld [smem:$0x3FA9]  }
0x2d: {  	s3 =	simm.s32 $0x108;
	s8 =	sld [smem:$0x3FAA]  }
0x2e: {  	s3 =	simm.s32 @!p0 $0x1082;
	s9 =	sld [smem:$0x3FAB]  }
0x2f: {  	lr =	sadd.s32 s0, s3;
	s0 =	sld [smem:$0x3FA2]  }
0x30: {  	s3 =	sld [smem:$0x3FA5]  }
0x31: {  	[smem:$0x3FAE] =	sst s10  }
0x32: {  	s10 =	sld [smem:$0x3FAC];
	_ =	sdelay $0x3  }
0x33: {  	p0 =	seq.s32 s10, $0x1;
	s10 =	sld [smem:$0x3FAE];
	_ =	sdelay $0x3  }
0x34: {  	[smem:$0x3FAE] =	sst s10  }
0x35: {  	s10 =	sld [smem:$0x3FAD];
	_ =	sdelay $0x3  }
0x36: {  	p1 =	seq.s32 s10, $0x1;
	s10 =	sld [smem:$0x3FAE];
	_ =	sdelay $0x3  }
0x37: {  	[smem:$0x3FAE] =	sst s10  }
0x38: {  	s10 =	sld [smem:$0x3FAF]  }
0x39: {  	_ = 	snop;
	(pc) =	sbr.ind lr, $3  }
0x3a: {  	_ = 	snop  }
0x3b: {  	_ = 	snop  }
0x3c: {  	p2 =	seq.s32 s10, $0x1;
	s10 =	sld [smem:$0x3FAE]  }
0x3d: {  	_ =	shalt  }
0x3e: {  	_ =	shalt  }
0x3f: {  	_ =	shalt  }
0x40: {  	_ =	shalt  }
0x41: {  	_ =	shalt  }
0x42: {  	_ =	shalt  }
0x43: {  	_ =	shalt  }
0x44: {  	_ =	shalt  }
0x45: {  	_ =	shalt  }
0x46: {  	_ =	shalt  }
0x47: {  	_ =	shalt  }
0x48: {  	_ =	shalt  }
0x49: {  	_ =	shalt  }
0x4a: {  	_ =	shalt  }
0x4b: {  	_ =	shalt  }
0x4c: {  	_ =	shalt  }
0x4d: {  	_ =	shalt  }
0x4e: {  	_ =	shalt  }
0x4f: {  	_ =	shalt  }
0x50: {  	_ =	shalt  }
0x51: {  	_ =	shalt  }
0x52: {  	_ =	shalt  }
0x53: {  	_ =	shalt  }
0x54: {  	_ =	shalt  }
0x55: {  	_ =	shalt  }
0x56: {  	_ =	shalt  }
0x57: {  	_ =	shalt  }
0x58: {  	_ =	shalt  }
0x59: {  	_ =	shalt  }
0x5a: {  	_ =	shalt  }
0x5b: {  	_ =	shalt  }
0x5c: {  	_ =	shalt  }
0x5d: {  	_ =	shalt  }
0x5e: {  	_ =	shalt  }
0x5f: {  	_ =	shalt  }
0x60: {  	_ =	shalt  }
0x61: {  	_ =	shalt  }
0x62: {  	_ =	shalt  }
0x63: {  	_ =	shalt  }
0x64: {  	_ =	shalt  }
0x65: {  	_ =	shalt  }
0x66: {  	_ =	shalt  }
0x67: {  	_ =	shalt  }
0x68: {  	_ =	shalt  }
0x69: {  	_ =	shalt  }
0x6a: {  	_ =	shalt  }
0x6b: {  	_ =	shalt  }
0x6c: {  	_ =	shalt  }
0x6d: {  	_ =	shalt  }
0x6e: {  	_ =	shalt  }
0x6f: {  	_ =	shalt  }
0x70: {  	_ =	shalt  }
0x71: {  	_ =	shalt  }
0x72: {  	_ =	shalt  }
0x73: {  	_ =	shalt  }
0x74: {  	_ =	shalt  }
0x75: {  	_ =	shalt  }
0x76: {  	_ =	shalt  }
0x77: {  	_ =	shalt  }
0x78: {  	_ =	shalt  }
0x79: {  	_ =	shalt  }
0x7a: {  	_ =	shalt  }
0x7b: {  	_ =	shalt  }
0x7c: {  	_ =	shalt  }
0x7d: {  	_ =	shalt  }
0x7e: {  	_ =	shalt  }
0x7f: {  	_ =	shalt  }
0x80: {  	_ =	shalt  }
0x81: {  	_ =	shalt  }
0x82: {  	_ =	shalt  }
0x83: {  	_ =	shalt  }
0x84: {  	_ =	shalt  }
0x85: {  	_ =	shalt  }
0x86: {  	_ =	shalt  }
0x87: {  	_ =	shalt  }
.Lfunc_end0:
.L_simem_size_0:
called_computation.1_lowered:
.L_overlay_start_0:
0x88: {  	s2 =	sld [smem:$0x3FD9]  }
0x89: {  	s3 =	sld [smem:$0x3FFE];
	_ =	sdelay $0x1  }
0x8a: {  	s1 =	srdreg.scid  }
0x8b: {  	s0 =	sand.u32 $0x1, s1  }
0x8c: {  	s16 =	sshll.u32 s0, $0xA;
	s2 =	sadd.s32 s3, s2  }
0x8d: {  	s2 =	sadd.s32 s2, s16  }
0x8e: {  	[smem:$0x3FBA] =	sst s2  }
0x8f: {  	_ = 	snop  }
0x90: {  	(tm) =	ssettm $0x1  }
0x91: {  	s17 =	sld [smem:$0x3FFB];
	_ =	sdelay $0x3  }
0x92: {  	_ =	strace s17  }
0x93: {  	s2 =	sld [smem:$0x3FFC];
	_ =	sdelay $0x3  }
0x94: {  	_ =	strace s2  }
0x95: {  	s2 =	sld [smem:$0x3FFD];
	_ =	sdelay $0x3  }
0x96: {  	_ =	strace s2  }
0x97: {  	_ =	strace $0x8FFFFFFF  }
0x98: {  	s18 =	sld [smem:$0x3FDB];
	_ =	sdelay $0x1  }
0x99: {  	s19 =	simm.s32 $_scs_section_size  }
0x9a: {  	s4 =	simm.s32 $_size__tile_overlayer_lowered;
	s5 =	simm.s32 $_tile_overlayer_lowered  }
0x9b: {  	s22 =	simm.s32 $0x1BFF;
	s21 =	sshll.u32 s5, $0x1;
	s2 =	sadd.s32 s19, s18  }
0x9c: {  	s6 =	simm.s32 $0x0;
	s20 =	sshll.u32 s4, $0x1;
	s4 =	sadd.s32 s21, s2  }
0x9d: {  	[timem:s6], [sflag:s22] =	dma.local [hbm:s4], s20  }
0x9e: {  	_ =	swait.ge [sflag:s22], s20  }
0x9f: {  	s3 =	ssub.s32 $0x0, s20;
	[sflag:s22] =	ssyncset.done $0x0  }
0xa0: {  	[sflag:s22] =	ssyncadd.s32 s3;
	_ =	sdelay $0x1  }
0xa1: {  	s23 =	simm.s32 $0x1B8B  }
0xa2: {  	_ =	swait.ge [sflag:s23], $0x1  }
0xa3: {  	[sflag:s23] =	ssyncset.done $0x0  }
0xa4: {  	s25 =	simm.s32 $0x1B8E;
	s24 =	sld [smem:$0x3FFE];
	[sflag:s23] =	ssyncadd.s32 $0xFFFFFFFF  }
0xa5: {  	s26 =	simm.s32 $execute0_lowered;
	[smem:$0x3FD2] =	sst s25  }
0xa6: {  	s4 =	sshll.u32 s26, $0x1;
	_ =	strace $0x80000049;
	[dreg:$0x1] =	wrdreg $0xFFFFFFFF  }
0xa7: {  	s28 =	simm.s32 $_size_execute0_lowered;
	s2 =	sadd.s32 s2, s4;
	[dreg:$0x0] =	wrdreg $0x0  }
0xa8: {  	s4 =	sshll.u32 s28, $0x1;
	[dreg:$0x2] =	wrdreg s2  }
0xa9: {  	[dreg:$0x3] =	wrdreg s4  }
0xaa: {  	[dreg:$0x4] =	wrdreg $0xC0  }
0xab: {  	_ =	task [dreg:s6], $0x5FFFF  }
0xac: {  	[dreg:$0x1] =	wrdreg $0xFFFFFFFF  }
0xad: {  	[dreg:$0x0] =	wrdreg $0x60  }
0xae: {  	[dreg:$0x2] =	wrdreg s24  }
0xaf: {  	[dreg:$0x3] =	wrdreg $0x9  }
0xb0: {  	_ =	task.clear_ibuf [dreg:s6], $0x4FFFF;
	_ =	strace $0x90000049  }
0xb1: {  	s29 =	simm.s32 $0x9;
	_ =	strace $0x8000004B  }
0xb2: {  	_ =	swait.ge [sflag:s29], $0x1  }
0xb3: {  	[sflag:s29] =	ssyncadd.s32 $0xFFFFFFFF  }
0xb4: {  	_ =	strace $0x9000004B  }
0xb5: {  	_ =	sfence  }
0xb6: {  	s30 =	sld [smem:$0x0];
	_ =	sdelay $0x2  }
0xb7: {  	s31 =	sshll.u32 s1, $0xD;
	s1 =	sshrl.u32 s1, $0x2  }
0xb8: {  	s3 =	sand.u32 $0x4000, s31;
	s1 =	sadd.s32 s1, s30  }
0xb9: {  	s0 =	sor.u32 s3, s0;
	s1 =	sshll.u32 s1, $0x11  }
0xba: {  	s0 =	sor.u32 s1, s0  }
0xbb: {  	s0 =	sadd.s32 $0x8F2B, s0  }
0xbc: {  	[sflag:s0] =	ssyncadd.remote.s32 $0x1  }
0xbd: {  	_ =	sfence.sel $0xFFFF  }
0xbe: {  	[dreg:$0x0] =	wrdreg $0xFFFFFFFF;
	(pc) =	sbr.abs _section_cstart, $3  }
0xbf: {  	[dreg:$0x1] =	wrdreg $0xFFFFFFFF  }
0xc0: {  	_ =	task.clear_ibuf [dreg:s6], $0x2FFFF;
	_ =	strace $0x9FFFFFFF  }
0xc1: {  	(tm) =	ssettm $0x7FFFFFFF  }
tec
execute0_lowered:
.L_overlay_start_1:
0x0: {  	(tag) =	ssettag $0x1  }
0x1: {  	s0 =	rddreg [dreg:$0x0];
	s1 =	srdreg.scid  }
0x2: {  	s2 =	simm.s32 $0x0;
	s4 =	stileid.u32;
	s16 =	simm.s32 $0x3F00  }
0x3: {  	s17 =	simm.s32 $0x1F80;
	s18 =	simm.s32 $0x5E80;
	s19 =	simm.s32 $0x2  }
0x4: {  	s20 =	simm.s32 $0x4;
	s28 =	simm.s32 $0x13680;
	s29 =	simm.s32 $0x6  }
0x5: {  	s30 =	simm.s32 $0x7;
	s31 =	simm.s32 $0x8;
	s1 =	sand.u32 $0x1, s1  }
0x6: {  	[smem:$0x7FF] =	sst s2;
	s5 =	sadd.s32 $0xCE00, s0;
	s8 =	sadd.s32 $0x3DE00, s0  }
0x7: {  	s21 =	sadd.s32 $0x3E400, s0;
	_ =	strace $0x8000004A;
	[dreg:$0x2] =	wrdreg s8  }
0x8: {  	s23 =	sadd.s32 $0x33E8, s0;
	s24 =	sadd.s32 $0xD1E8, s0;
	[dreg:$0x3] =	wrdreg s21  }
0x9: {  	s3 =	sshll.u32 s1, $0x4;
	s1 =	ssub.s32 $0x2, s1;
	[dreg:$0x4] =	wrdreg s23  }
0xa: {  	[dreg:$0x5] =	wrdreg s24;
	s21 =	simm.s32 $0x3;
	s6 =	sor.u32 s4, s3  }
0xb: {  	s24 =	simm.s32 $0x28;
	s3 =	sadd.s32 $0x16C00, s0;
	s7 =	smul.u32 $0x1380, s6  }
0xc: {  	s22 =	sshrl.u32 s1, $0x1;
	s9 =	smul.u32 $0x138, s6;
	p0 =	seq.s32 s6, $0x1F  }
.Ltmp0:
0xd: {  	s6 =	simm.s32 $0x148;
	s1 =	ssub.s32 s1, s22;
	(pc) =	sbr.rel .LBB2_1-.Ltmp0, $4  }
0xe: {  	s4 =	sadd.s32 $0x3000, s0;
	s6 =	simm.s32 @!p0 $0x138;
	s26 =	smax.u32 s1, $0x1  }
0xf: {  	s7 =	sadd.s32 s7, s0;
	s0 =	sadd.s32 $0x66880, s0;
	[dreg:$0x8] =	wrdreg s26  }
0x10: {  	v3 =	vimm.s32 $0x0;
	v4 =	vimm.s32 $0x148;
	s25 =	sadd.s32 $0xE700, s9;
	s7 =	sadd.s32 $0x40C00, s7;
	[dreg:$0x7] =	wrdreg s0  }
0x11: {  	s22 =	simm.s32 $0x5;
	v0 =	vmov s9;
	v1 =	vmov s6;
	s6 =	simm.s32 $0x0;
	v2 =	vmov s25;
	[dreg:$0x6] =	wrdreg s7  }
.LBB2_16:
0x12: {  	_ =	swait.ge [sflag:s29], $0x1400  }
0x13: {  	[sflag:s29] =	ssyncset.done $0x0  }
0x14: {  	[sflag:s29] =	ssyncadd.s32 $0xFFFFEC00  }
0x15: {  	_ =	swait.ge [sflag:s30], $0x1400  }
0x16: {  	[sflag:s30] =	ssyncset.done $0x0  }
0x17: {  	[sflag:s30] =	ssyncadd.s32 $0xFFFFEC00  }
0x18: {  	_ =	swait.ge [sflag:s31], $0x1400  }
0x19: {  	s0 =	simm.s32 @p0 $0x0;
	[sflag:s31] =	ssyncset.done $0x0  }
0x1a: {  	s1 =	simm.s32 @p0 $0x14A80;
	s6 =	rddreg [dreg:$0x7];
	[sflag:s31] =	ssyncadd.s32 $0xFFFFEC00  }
0x1b: {  	[hbm4b:s6+s0] =	stream.linear.scatter @p0 [tilespmem:s1], [sflag:$0x9], $0xA400, $0x38;
	[tilespmem:$0x1F280] =	vst v63  }
0x1c: {  	s0 =	simm.s32 @p0 $0x9  }
0x1d: {  	_ =	swait.ge @p0 [sflag:s0], $0xA400  }
0x1e: {  	s1 =	simm.s32 @!p0 $0x14A80;
	[sflag:s0] =	ssyncset.done @p0 $0x0  }
0x1f: {  	s6 =	rddreg [dreg:$0x6];
	[sflag:s0] =	ssyncadd.s32 @p0 $0xFFFF5C00;
	s0 =	simm.s32 @!p0 $0x0  }
0x20: {  	[hbm4b:s6+s0] =	stream.linear.scatter @!p0 [tilespmem:s1], [sflag:$0x9], $0x9C00, $0x38;
	[tilespmem:$0x1F280] =	vst v63  }
0x21: {  	s0 =	simm.s32 @!p0 $0x9  }
0x22: {  	_ =	swait.ge @!p0 [sflag:s0], $0x9C00  }
0x23: {  	s25 =	rddreg [dreg:$0x9]  }
0x24: {  	s26 =	rddreg [dreg:$0x8];
	s6 =	sadd.s32 $0x1, s25  }
0x25: {  	p1 =	sne.s32 s6, s26  }
.Ltmp1:
0x26: {  	_ = 	snop;
	(pc) =	sbr.rel @!p1 .LBB2_17-.Ltmp1, $3  }
0x27: {  	_ =	sdelay $0x1  }
0x28: {  	[sflag:s0] =	ssyncset.done @!p0 $0x0  }
0x29: {  	[sflag:s0] =	ssyncadd.s32 @!p0 $0xFFFF6400  }
.LBB2_1:
0x2a: {  	[dreg:$0x9] =	wrdreg s6  }
0x2b: {  	s0 =	rddreg [dreg:$0x3];
	s1 =	simm.s32 $0x14A80  }
0x2c: {  	[tilespmem:s1], [sflag:$0x1] =	stream.linear.gather [hbm4b:s0+s2], $0xA800, $0x38;
	[tilespmem:$0x1F280] =	vst v63  }
0x2d: {  	s14 =	rddreg [dreg:$0x2];
	s15 =	simm.s32 $0xE700;
	s23 =	simm.s32 $0x9  }
0x2e: {  	[tilespmem:s15], [sflag:$0x9] =	stream.linear.gather [hbm4b:s14+s2], $0x2780, $0x38;
	[tilespmem:$0x1F280] =	vst v63  }
0x2f: {  	_ =	swait.ge [sflag:s23], $0x2780  }
0x30: {  	[sflag:s23] =	ssyncset.done $0x0  }
0x31: {  	[sflag:s23] =	ssyncadd.s32 $0xFFFFD880  }
0x32: {  	[tilespmem:s2], [sflag:$0x2] =	stream.linear.gather [hbm4b:s4+s2], $0x1F40, $0x38;
	[tilespmem:$0x1F280] =	vst v63  }
0x33: {  	_ = 	snop  }
0x34: {  	[tilespmem:s16], [sflag:$0x4] =	stream.linear.gather [hbm4b:s5+s2], $0x1F40, $0x38;
	[tilespmem:$0x1F280] =	vst v63  }
0x35: {  	s25 =	rddreg [dreg:$0x4]  }
0x36: {  	[tilespmem:s17], [sflag:$0x3] =	stream.linear.gather [hbm4b:s25+s2], $0x1F40, $0x38;
	[tilespmem:$0x1F280] =	vst v63  }
0x37: {  	s0 =	simm.s32 $0x0;
	s1 =	simm.s32 $0x0;
	s26 =	rddreg [dreg:$0x5]  }
0x38: {  	[tilespmem:s18], [sflag:$0x5] =	stream.linear.gather [hbm4b:s26+s2], $0x1F40, $0x38;
	[tilespmem:$0x1F280] =	vst v63  }
.LBB2_2:
0x39: {  	_ =	swait.ge [sflag:s19], $0x1F40  }
0x3a: {  	[sflag:s19] =	ssyncset.done $0x0  }
0x3b: {  	[sflag:s19] =	ssyncadd.s32 $0xFFFFE0C0  }
0x3c: {  	_ =	swait.ge [sflag:s20], $0x1F40  }
0x3d: {  	[sflag:s20] =	ssyncset.done $0x0  }
0x3e: {  	s6 =	simm.s32 $0x0;
	[sflag:s20] =	ssyncadd.s32 $0xFFFFE0C0  }
0x3f: {  	v5 =	vld [tilespmem:s6+$0x3F00];
	_ =	sdelay $0x4  }
0x40: {  	v5 =	vsub.s32 v5, v0  }
0x41: {  	vm0 =	vgt.s32 v5, $0xFFFFFFFF;
	vm1 =	vlt.s32 v5, v1  }
0x42: {  	vm0 =	vmand vm0, vm1  }
0x43: {  	v6 =	vmpcnt.ones.xlane vm0;
	_ =	sdelay $0x1  }
0x44: {  	v6 =	vxor.u32 $0x80000000, v6  }
0x45: {  	(xrf0) =	vmax.scan.msk.u32 $0xffff, v6  }
0x46: {  	v6 =	vld [tilespmem:s6+$0x0];
	_ =	sdelay $0x4  }
0x47: {  	[tilespmem:s0+$0x7E00] =	vst.msk vm0, v6;
	v6, _, _ =	vpop (xrf0)  }
0x48: {  	s7 =	simm.s32 $0x80;
	s6 =	simm.s32 $0x10;
	[tilespmem:s0+$0xB280] =	vst.msk vm0, v5;
	(v2sf) =	vpush v6, $0xF  }
.LBB2_3:
0x49: {  	p1 =	sne.s32 s7, $0x7CC0;
	v5 =	vld [tilespmem:s6+$0x3F00];
	_ =	sdelay $0x4  }
0x4a: {  	v5 =	vsub.s32 v5, v0  }
0x4b: {  	vm0 =	vgt.s32 v5, $0xFFFFFFFF;
	vm1 =	vlt.s32 v5, v1  }
0x4c: {  	vm0 =	vmand vm0, vm1  }
0x4d: {  	v6 =	vmpcnt.ones.xlane vm0;
	_ =	sdelay $0x1  }
0x4e: {  	v6 =	vxor.u32 $0x80000000, v6  }
0x4f: {  	(xrf0) =	vmax.scan.msk.u32 $0xffff, v6  }
0x50: {  	v6 =	vld [tilespmem:s6+$0x0];
	_ =	sdelay $0x1  }
.Ltmp2:
0x51: {  	s6 =	spop (v2sf);
	(pc) =	sbr.rel @p1 .LBB2_3-.Ltmp2, $4  }
0x52: {  	s0 =	sadd.s32 s6, s0  }
0x53: {  	s0 =	sadd.s32 $0x80000000, s0  }
0x54: {  	[tilespmem:s0+$0x7E00] =	vst.msk vm0, v6;
	v6, _, _ =	vpop (xrf0)  }
0x55: {  	s6 =	sshra.s32 s7, $0x2;
	s7 =	sadd.s32 $0x40, s7;
	[tilespmem:s0+$0xB280] =	vst.msk vm0, v5;
	(v2sf) =	vpush v6, $0xF  }
0x56: {  	v5 =	vld [tilespmem:s6+$0x3F00];
	_ =	sdelay $0x4  }
0x57: {  	v5 =	vsub.s32 v5, v0  }
0x58: {  	vm0 =	vgt.s32 v5, $0xFFFFFFFF;
	vm1 =	vlt.s32 v5, v1  }
0x59: {  	vm0 =	vmand vm0, vm1  }
0x5a: {  	v6 =	vmpcnt.ones.xlane vm0;
	_ =	sdelay $0x1  }
0x5b: {  	v6 =	vxor.u32 $0x80000000, v6  }
0x5c: {  	(xrf0) =	vmax.scan.msk.u32 $0xffff, v6;
	_ =	sdelay $0x5  }
0x5d: {  	v6, _, _ =	vpop (xrf0)  }
0x5e: {  	(v2sf) =	vpush v6, $0xF;
	_ =	sdelay $0x4  }
0x5f: {  	v6 =	vld [tilespmem:s6+$0x0];
	s6 =	sshll.u32 s1, $0x1  }
0x60: {  	s7 =	smin.u32 s6, $0x25  }
0x61: {  	s8 =	spop (v2sf);
	s7 =	smul.u32 $0x1F40, s7  }
0x62: {  	s0 =	sadd.s32 s8, s0  }
0x63: {  	s0 =	sadd.s32 $0x80000000, s0;
	s7 =	sshrl.u32 s7, $0x3  }
0x64: {  	[tilespmem:s0+$0x7E00] =	vst.msk vm0, v6;
	s7 =	sadd.s32 $0x7D0, s7  }
0x65: {  	s9 =	simm.s32 $0x0;
	[tilespmem:s0+$0xB280] =	vst.msk vm0, v5;
	s23 =	sadd.s32 s4, s7  }
0x66: {  	[tilespmem:s9], [sflag:$0x2] =	stream.linear.gather [hbm4b:s23+s9], $0x1F40, $0x38;
	[tilespmem:$0x1F280] =	vst v63  }
0x67: {  	s7 =	sadd.s32 s5, s7  }
0x68: {  	[tilespmem:s16], [sflag:$0x4] =	stream.linear.gather [hbm4b:s7+s9], $0x1F40, $0x38;
	[tilespmem:$0x1F280] =	vst v63  }
0x69: {  	s25 =	spop (v2sf)  }
0x6a: {  	_ =	swait.ge [sflag:s21], $0x1F40  }
0x6b: {  	[sflag:s21] =	ssyncset.done $0x0  }
0x6c: {  	[sflag:s21] =	ssyncadd.s32 $0xFFFFE0C0  }
0x6d: {  	_ =	swait.ge [sflag:s22], $0x1F40  }
0x6e: {  	[sflag:s22] =	ssyncset.done $0x0  }
0x6f: {  	s26 =	simm.s32 $0x0;
	[sflag:s22] =	ssyncadd.s32 $0xFFFFE0C0  }
0x70: {  	v5 =	vld [tilespmem:s26+$0x5E80];
	_ =	sdelay $0x4  }
0x71: {  	v5 =	vsub.s32 v5, v0  }
0x72: {  	vm14 =	vgt.s32 v5, $0xFFFFFFFF;
	vm15 =	vlt.s32 v5, v1  }
0x73: {  	vm0 =	vmand vm14, vm15  }
0x74: {  	v6 =	vmpcnt.ones.xlane vm0;
	_ =	sdelay $0x1  }
0x75: {  	v6 =	vxor.u32 $0x80000000, v6  }
0x76: {  	(xrf0) =	vmax.scan.msk.u32 $0xffff, v6  }
0x77: {  	v6 =	vld [tilespmem:s26+$0x1F80];
	_ =	sdelay $0x2  }
0x78: {  	s0 =	sadd.s32 s25, s0  }
0x79: {  	s0 =	sadd.s32 $0x80000000, s0  }
0x7a: {  	[tilespmem:s0+$0x7E00] =	vst.msk vm0, v6;
	v6, _, _ =	vpop (xrf0)  }
0x7b: {  	s8 =	simm.s32 $0x80;
	s7 =	simm.s32 $0x10;
	[tilespmem:s0+$0xB280] =	vst.msk vm0, v5;
	(v2sf) =	vpush v6, $0xF  }
.LBB2_5:
0x7c: {  	p1 =	sne.s32 s8, $0x7CC0;
	v5 =	vld [tilespmem:s7+$0x5E80];
	_ =	sdelay $0x4  }
0x7d: {  	v5 =	vsub.s32 v5, v0  }
0x7e: {  	vm0 =	vgt.s32 v5, $0xFFFFFFFF;
	vm1 =	vlt.s32 v5, v1  }
0x7f: {  	vm0 =	vmand vm0, vm1  }
0x80: {  	v6 =	vmpcnt.ones.xlane vm0;
	_ =	sdelay $0x1  }
0x81: {  	v6 =	vxor.u32 $0x80000000, v6  }
0x82: {  	(xrf0) =	vmax.scan.msk.u32 $0xffff, v6  }
0x83: {  	v6 =	vld [tilespmem:s7+$0x1F80];
	_ =	sdelay $0x1  }
.Ltmp3:
0x84: {  	s7 =	spop (v2sf);
	(pc) =	sbr.rel @p1 .LBB2_5-.Ltmp3, $4  }
0x85: {  	s0 =	sadd.s32 s7, s0  }
0x86: {  	s0 =	sadd.s32 $0x80000000, s0  }
0x87: {  	[tilespmem:s0+$0x7E00] =	vst.msk vm0, v6;
	v6, _, _ =	vpop (xrf0)  }
0x88: {  	s7 =	sshra.s32 s8, $0x2;
	s8 =	sadd.s32 $0x40, s8;
	[tilespmem:s0+$0xB280] =	vst.msk vm0, v5;
	(v2sf) =	vpush v6, $0xF  }
0x89: {  	v5 =	vld [tilespmem:s7+$0x5E80];
	_ =	sdelay $0x4  }
0x8a: {  	v5 =	vsub.s32 v5, v0  }
0x8b: {  	vm0 =	vgt.s32 v5, $0xFFFFFFFF;
	vm1 =	vlt.s32 v5, v1  }
0x8c: {  	vm0 =	vmand vm0, vm1  }
0x8d: {  	v6 =	vmpcnt.ones.xlane vm0;
	_ =	sdelay $0x1  }
0x8e: {  	v6 =	vxor.u32 $0x80000000, v6  }
0x8f: {  	(xrf0) =	vmax.scan.msk.u32 $0xffff, v6;
	_ =	sdelay $0x5  }
0x90: {  	v6, _, _ =	vpop (xrf0)  }
0x91: {  	(v2sf) =	vpush v6, $0xF;
	_ =	sdelay $0x4  }
0x92: {  	v6 =	vld [tilespmem:s7+$0x1F80]  }
0x93: {  	s6 =	smin.u32 s6, $0x24  }
0x94: {  	s6 =	smul.u32 $0x1F40, s6;
	s23 =	spop (v2sf)  }
0x95: {  	s0 =	sadd.s32 s23, s0  }
0x96: {  	s6 =	sshrl.u32 s6, $0x3;
	s0 =	sadd.s32 $0x80000000, s0  }
0x97: {  	s1 =	sadd.s32 $0x1, s1;
	s6 =	sadd.s32 $0xBB8, s6;
	[tilespmem:s0+$0x7E00] =	vst.msk vm0, v6  }
0x98: {  	p1 =	sne.s32 s1, $0x14;
	s25 =	sadd.s32 s4, s6;
	[tilespmem:s0+$0xB280] =	vst.msk vm0, v5  }
0x99: {  	[tilespmem:s17], [sflag:$0x3] =	stream.linear.gather [hbm4b:s25+s2], $0x1F40, $0x38;
	[tilespmem:$0x1F280] =	vst v63  }
.Ltmp4:
0x9a: {  	s6 =	sadd.s32 s5, s6;
	(pc) =	sbr.rel @p1 .LBB2_2-.Ltmp4, $4  }
0x9b: {  	[tilespmem:s18], [sflag:$0x5] =	stream.linear.gather [hbm4b:s6+s2], $0x1F40, $0x38;
	[tilespmem:$0x1F280] =	vst v63  }
0x9c: {  	s26 =	spop (v2sf)  }
0x9d: {  	s0 =	sadd.s32 s26, s0  }
0x9e: {  	s0 =	sadd.s32 $0x80000000, s0  }
0x9f: {  	_ =	swait.ge [sflag:s19], $0x1F40  }
0xa0: {  	[sflag:s19] =	ssyncset.done $0x0  }
0xa1: {  	[sflag:s19] =	ssyncadd.s32 $0xFFFFE0C0  }
0xa2: {  	_ =	swait.ge [sflag:s20], $0x1F40  }
0xa3: {  	[sflag:s20] =	ssyncset.done $0x0  }
0xa4: {  	[sflag:s20] =	ssyncadd.s32 $0xFFFFE0C0  }
0xa5: {  	_ =	swait.ge [sflag:s21], $0x1F40  }
0xa6: {  	s1 =	sadd.s32 $0x77, s0;
	[sflag:s21] =	ssyncset.done $0x0  }
0xa7: {  	s6 =	smulhi.u32 $0x88888889, s1;
	s7 =	sshra.s32 s1, $0x1F;
	[sflag:s21] =	ssyncadd.s32 $0xFFFFE0C0  }
0xa8: {  	s8 =	ssub.s32 $0xFFFFFF89, s0;
	s7 =	smul.u32 $0x88888889, s7;
	_ =	swait.ge [sflag:s22], $0x1F40  }
0xa9: {  	s6 =	sadd.s32 s8, s6;
	[sflag:s22] =	ssyncset.done $0x0  }
0xaa: {  	s6 =	sadd.s32 s7, s6;
	[sflag:s22] =	ssyncadd.s32 $0xFFFFE0C0  }
0xab: {  	s6 =	sadd.s32 s1, s6;
	[tilespmem:s0+$0x7E00] =	vst v3  }
0xac: {  	s13 =	sshrl.u32 s6, $0x1F;
	s6 =	sshra.s32 s6, $0x6;
	[tilespmem:s0+$0xB280] =	vst v4  }
0xad: {  	s6 =	sadd.s32 s13, s6;
	[tilespmem:s0+$0x7E10] =	vst v3  }
0xae: {  	s7 =	smul.u32 $0xFFFFFF88, s6;
	[tilespmem:s0+$0xB290] =	vst v4  }
0xaf: {  	[tilespmem:s0+$0x7E20] =	vst v3  }
0xb0: {  	p1 =	slt.s32 s1, $0x1;
	p2 =	sne.s32 s7, s8;
	[tilespmem:s0+$0xB2A0] =	vst v4  }
0xb1: {  	p1 =	por !p1, !p2;
	[tilespmem:s0+$0x7E30] =	vst v3  }
0xb2: {  	s1 =	simm.s32 $0x1;
	[tilespmem:s0+$0xB2B0] =	vst v4;
	p1 =	por !p1, !p1  }
0xb3: {  	[tilespmem:s0+$0x7E40] =	vst v3;
	s1 =	simm.s32 @!p1 $0x0  }
0xb4: {  	[tilespmem:s0+$0xB2C0] =	vst v4;
	s1 =	ssub.s32 s6, s1  }
0xb5: {  	[tilespmem:s0+$0x7E50] =	vst v3;
	s6 =	smul.u32 $0x3, s1  }
0xb6: {  	[tilespmem:s0+$0xB2D0] =	vst v4  }
0xb7: {  	[tilespmem:s0+$0x7E60] =	vst v3;
	s13 =	sadd.s32 $0xFFFFFFFF, s6  }
0xb8: {  	[tilespmem:s0+$0xB2E0] =	vst v4;
	s6 =	sshra.s32 s13, $0x1F  }
0xb9: {  	[tilespmem:s0+$0x7E68] =	vst v3;
	s6 =	sand.u32 s6, s13  }
0xba: {  	s15 =	simm.s32 $0x1;
	[tilespmem:s0+$0xB2E8] =	vst v4;
	s14 =	smul.u32 $0xA0, s6  }
0xbb: {  	_ =	swait.ge [sflag:s15], $0xA800  }
0xbc: {  	[sflag:s15] =	ssyncset.done $0x0;
	s0 =	sshra.s32 s14, $0x2  }
0xbd: {  	s23 =	simm.s32 $0x10E80;
	[sflag:s15] =	ssyncadd.s32 $0xFFFF5800;
	s0 =	sadd.s32 $0x7E00, s0  }
0xbe: {  	[tilespmem:s23], [sflag:$0x6] =	stream.indirect.gather [hbm4b:s3+s24], $0x80, s0, s24, $0xb8;
	[tilespmem:$0x1F280] =	vst v63  }
0xbf: {  	p1 =	slt.s32 s13, $0x1;
	s0 =	smov.u32 s13  }
0xc0: {  	s6 =	smov.u32 s13;
	s0 =	simm.s32 @!p1 $0x1;
	p1 =	slt.s32 s13, $0x2  }
0xc1: {  	s0 =	smul.u32 $0xA0, s0;
	s6 =	simm.s32 @!p1 $0x2  }
0xc2: {  	p1 =	slt.s32 s1, $0x1;
	s6 =	smul.u32 $0xA0, s6  }
.Ltmp5:
0xc3: {  	s0 =	sshra.s32 s0, $0x2;
	(pc) =	sbr.rel @p1 .LBB2_16-.Ltmp5, $4  }
0xc4: {  	s25 =	simm.s32 $0x12280;
	s0 =	sadd.s32 $0x7E00, s0;
	s26 =	sshra.s32 s6, $0x2  }
0xc5: {  	[tilespmem:s25], [sflag:$0x7] =	stream.indirect.gather [hbm4b:s3+s24], $0x80, s0, s24, $0xb8;
	[tilespmem:$0x1F280] =	vst v63  }
0xc6: {  	s0 =	sadd.s32 $0x7E00, s26  }
0xc7: {  	[tilespmem:s28], [sflag:$0x8] =	stream.indirect.gather [hbm4b:s3+s24], $0x80, s0, s24, $0xb8;
	[tilespmem:$0x1F280] =	vst v63  }
0xc8: {  	s14 =	simm.s32 $0x0  }
0xc9: {  	s6 =	simm.s32 $0x7E00;
	s7 =	simm.s32 $0xB280;
	s8 =	simm.s32 $0x7E28  }
0xca: {  	s9 =	simm.s32 $0xB2A8;
	s10 =	simm.s32 $0x7E50;
	s11 =	simm.s32 $0xB2D0  }
.LBB2_9:
0xcb: {  	v5 =	vmov s7  }
0xcc: {  	v6 =	vmov s6  }
0xcd: {  	_ =	swait.ge [sflag:s29], $0x1400  }
0xce: {  	[sflag:s29] =	ssyncset.done $0x0  }
0xcf: {  	s0 =	simm.s32 $0x0;
	[sflag:s29] =	ssyncadd.s32 $0xFFFFEC00  }
0xd0: {  	v7 =	vld.idx.msk [tilespmem:v5+s0+$0x0 ss:$0x1], $0xffff  }
0xd1: {  	v8 =	vld.idx.msk [tilespmem:v6+s0+$0x0 ss:$0x1], $0xffff;
	_ =	sdelay $0x3  }
0xd2: {  	(v2sf) =	vpush v7, $0x0  }
0xd3: {  	(v2sf) =	vpush v8, $0x0;
	_ =	sdelay $0xd  }
0xd4: {  	s25 =	spop (v2sf)  }
0xd5: {  	v7 =	vld.idx.msk [tilespmem:v2+s25+$0x0 ss:$0x1], $0xffff;
	s12 =	spop (v2sf)  }
0xd6: {  	v8 =	vld [tilespmem:s12+$0xE700];
	_ =	sdelay $0x3  }
0xd7: {  	(v2sf) =	vpush v7, $0x0  }
0xd8: {  	(v2sf) =	vpush v8, $0x0;
	_ =	sdelay $0xb  }
0xd9: {  	s12 =	simm.s32 $0x10EC0  }
0xda: {  	s0 =	sshll.u32 s25, $0x9;
	v7 =	vld [tilespmem:s12+$0xFFFFFFC0]  }
0xdb: {  	s23 =	sshra.s32 s0, $0x2;
	s26 =	spop (v2sf)  }
0xdc: {  	v8 =	vld [tilespmem:s23+$0x14A80];
	s15 =	spop (v2sf)  }
0xdd: {  	s0 =	smul.f32 s26, s15;
	_ =	sdelay $0x1  }
0xde: {  	v7 =	vmul.f32 s0, v7;
	_ =	sdelay $0x1  }
0xdf: {  	v7 =	vadd.f32 v7, v8;
	_ =	sdelay $0x1  }
0xe0: {  	[tilespmem:s23+$0x14A80] =	vst v7  }
0xe1: {  	v7 =	vld [tilespmem:s12+$0xFFFFFFD0];
	_ =	sdelay $0x1  }
0xe2: {  	v8 =	vld [tilespmem:s23+$0x14A90];
	_ =	sdelay $0x2  }
0xe3: {  	v7 =	vmul.f32 s0, v7;
	_ =	sdelay $0x1  }
0xe4: {  	v7 =	vadd.f32 v7, v8;
	_ =	sdelay $0x1  }
0xe5: {  	[tilespmem:s23+$0x14A90] =	vst v7  }
0xe6: {  	v7 =	vld [tilespmem:s12+$0xFFFFFFE0];
	_ =	sdelay $0x1  }
0xe7: {  	v8 =	vld [tilespmem:s23+$0x14AA0];
	_ =	sdelay $0x2  }
0xe8: {  	v7 =	vmul.f32 s0, v7;
	_ =	sdelay $0x1  }
0xe9: {  	v7 =	vadd.f32 v7, v8;
	_ =	sdelay $0x1  }
0xea: {  	[tilespmem:s23+$0x14AA0] =	vst v7  }
0xeb: {  	v7 =	vld [tilespmem:s12+$0xFFFFFFF0];
	_ =	sdelay $0x1  }
0xec: {  	v8 =	vld [tilespmem:s23+$0x14AB0];
	_ =	sdelay $0x2  }
0xed: {  	v7 =	vmul.f32 s0, v7;
	_ =	sdelay $0x1  }
0xee: {  	v7 =	vadd.f32 v7, v8;
	_ =	sdelay $0x1  }
0xef: {  	[tilespmem:s23+$0x14AB0] =	vst v7  }
0xf0: {  	v7 =	vld [tilespmem:s12+$0x0];
	_ =	sdelay $0x1  }
0xf1: {  	v8 =	vld [tilespmem:s23+$0x14AC0];
	_ =	sdelay $0x2  }
0xf2: {  	v7 =	vmul.f32 s0, v7;
	_ =	sdelay $0x1  }
0xf3: {  	v7 =	vadd.f32 v7, v8;
	_ =	sdelay $0x1  }
0xf4: {  	[tilespmem:s23+$0x14AC0] =	vst v7  }
0xf5: {  	v7 =	vld [tilespmem:s12+$0x10];
	_ =	sdelay $0x1  }
0xf6: {  	v8 =	vld [tilespmem:s23+$0x14AD0];
	_ =	sdelay $0x2  }
0xf7: {  	v7 =	vmul.f32 s0, v7;
	_ =	sdelay $0x1  }
0xf8: {  	v7 =	vadd.f32 v7, v8;
	_ =	sdelay $0x1  }
0xf9: {  	[tilespmem:s23+$0x14AD0] =	vst v7  }
0xfa: {  	v7 =	vld [tilespmem:s12+$0x20];
	_ =	sdelay $0x1  }
0xfb: {  	v8 =	vld [tilespmem:s23+$0x14AE0];
	_ =	sdelay $0x2  }
0xfc: {  	v7 =	vmul.f32 s0, v7;
	_ =	sdelay $0x1  }
0xfd: {  	v7 =	vadd.f32 v7, v8;
	_ =	sdelay $0x1  }
0xfe: {  	[tilespmem:s23+$0x14AE0] =	vst v7  }
0xff: {  	v7 =	vld [tilespmem:s12+$0x30];
	_ =	sdelay $0x1  }
0x100: {  	v8 =	vld [tilespmem:s23+$0x14AF0];
	_ =	sdelay $0x2  }
0x101: {  	v7 =	vmul.f32 s0, v7;
	_ =	sdelay $0x1  }
0x102: {  	s15 =	simm.s32 $0x4;
	v7 =	vadd.f32 v7, v8  }
.LBB2_10:
0x103: {  	p1 =	sne.s32 s15, $0x9C  }
0x104: {  	s12 =	sadd.s32 $0x80, s12;
	s0 =	smov.u32 s15;
	s15 =	sadd.s32 $0x4, s15  }
0x105: {  	s0 =	sshra.s32 s0, $0x2;
	[tilespmem:s23+$0x14AF0] =	vst v7  }
0x106: {  	v7 =	vld.idx.msk [tilespmem:v5+s0+$0x0 ss:$0x1], $0xffff  }
0x107: {  	v8 =	vld.idx.msk [tilespmem:v6+s0+$0x0 ss:$0x1], $0xffff;
	_ =	sdelay $0x4  }
0x108: {  	(v2sf) =	vpush v7, $0x0  }
0x109: {  	(v2sf) =	vpush v8, $0x0;
	_ =	sdelay $0xd  }
0x10a: {  	s0 =	spop (v2sf)  }
0x10b: {  	v7 =	vld.idx.msk [tilespmem:v2+s0+$0x0 ss:$0x1], $0xffff;
	s0 =	sshll.u32 s0, $0x9;
	s23 =	spop (v2sf)  }
0x10c: {  	v8 =	vld [tilespmem:s23+$0xE700];
	_ =	sdelay $0x4  }
0x10d: {  	(v2sf) =	vpush v7, $0x0  }
0x10e: {  	(v2sf) =	vpush v8, $0x0;
	_ =	sdelay $0xb  }
0x10f: {  	v7 =	vld [tilespmem:s12+$0xFFFFFFC0]  }
0x110: {  	s23 =	sshra.s32 s0, $0x2  }
0x111: {  	v8 =	vld [tilespmem:s23+$0x14A80];
	s0 =	spop (v2sf)  }
0x112: {  	s25 =	spop (v2sf)  }
0x113: {  	s0 =	smul.f32 s0, s25;
	_ =	sdelay $0x1  }
0x114: {  	v7 =	vmul.f32 s0, v7;
	_ =	sdelay $0x1  }
0x115: {  	v7 =	vadd.f32 v7, v8;
	_ =	sdelay $0x1  }
0x116: {  	[tilespmem:s23+$0x14A80] =	vst v7  }
0x117: {  	v7 =	vld [tilespmem:s12+$0xFFFFFFD0]  }
0x118: {  	v8 =	vld [tilespmem:s23+$0x14A90];
	_ =	sdelay $0x3  }
0x119: {  	v7 =	vmul.f32 s0, v7;
	_ =	sdelay $0x1  }
0x11a: {  	v7 =	vadd.f32 v7, v8;
	_ =	sdelay $0x1  }
0x11b: {  	[tilespmem:s23+$0x14A90] =	vst v7  }
0x11c: {  	v7 =	vld [tilespmem:s12+$0xFFFFFFE0]  }
0x11d: {  	v8 =	vld [tilespmem:s23+$0x14AA0];
	_ =	sdelay $0x3  }
0x11e: {  	v7 =	vmul.f32 s0, v7;
	_ =	sdelay $0x1  }
0x11f: {  	v7 =	vadd.f32 v7, v8;
	_ =	sdelay $0x1  }
0x120: {  	[tilespmem:s23+$0x14AA0] =	vst v7  }
0x121: {  	v7 =	vld [tilespmem:s12+$0xFFFFFFF0]  }
0x122: {  	v8 =	vld [tilespmem:s23+$0x14AB0];
	_ =	sdelay $0x3  }
0x123: {  	v7 =	vmul.f32 s0, v7;
	_ =	sdelay $0x1  }
0x124: {  	v7 =	vadd.f32 v7, v8;
	_ =	sdelay $0x1  }
0x125: {  	[tilespmem:s23+$0x14AB0] =	vst v7  }
0x126: {  	v7 =	vld [tilespmem:s12+$0x0]  }
0x127: {  	v8 =	vld [tilespmem:s23+$0x14AC0];
	_ =	sdelay $0x3  }
0x128: {  	v7 =	vmul.f32 s0, v7;
	_ =	sdelay $0x1  }
0x129: {  	v7 =	vadd.f32 v7, v8;
	_ =	sdelay $0x1  }
0x12a: {  	[tilespmem:s23+$0x14AC0] =	vst v7  }
0x12b: {  	v7 =	vld [tilespmem:s12+$0x10]  }
0x12c: {  	v8 =	vld [tilespmem:s23+$0x14AD0];
	_ =	sdelay $0x3  }
0x12d: {  	v7 =	vmul.f32 s0, v7;
	_ =	sdelay $0x1  }
0x12e: {  	v7 =	vadd.f32 v7, v8;
	_ =	sdelay $0x1  }
0x12f: {  	[tilespmem:s23+$0x14AD0] =	vst v7  }
0x130: {  	v7 =	vld [tilespmem:s12+$0x20]  }
0x131: {  	v8 =	vld [tilespmem:s23+$0x14AE0];
	_ =	sdelay $0x3  }
0x132: {  	v7 =	vmul.f32 s0, v7;
	_ =	sdelay $0x1  }
0x133: {  	v7 =	vadd.f32 v7, v8;
	_ =	sdelay $0x1  }
0x134: {  	[tilespmem:s23+$0x14AE0] =	vst v7  }
0x135: {  	v7 =	vld [tilespmem:s12+$0x30]  }
0x136: {  	v8 =	vld [tilespmem:s23+$0x14AF0];
	_ =	sdelay $0x1  }
.Ltmp6:
0x137: {  	(pc) =	sbr.rel @p1 .LBB2_10-.Ltmp6, $3  }
0x138: {  	_ = 	snop  }
0x139: {  	v7 =	vmul.f32 s0, v7;
	_ =	sdelay $0x1  }
0x13a: {  	v7 =	vadd.f32 v7, v8  }
0x13b: {  	s12 =	smul.u32 $0x3, s14;
	_ =	sdelay $0x1  }
0x13c: {  	s0 =	sadd.s32 $0x3, s12  }
0x13d: {  	s15 =	smov.u32 s13;
	p1 =	slt.s32 s0, s13  }
0x13e: {  	s15 =	smov.u32 @p1 s0  }
0x13f: {  	s0 =	smul.u32 $0xA0, s15;
	_ =	sdelay $0x1  }
0x140: {  	s0 =	sshra.s32 s0, $0x2  }
0x141: {  	v5 =	vmov s9;
	s26 =	simm.s32 $0x10E80;
	[tilespmem:s23+$0x14AF0] =	vst v7;
	s0 =	sadd.s32 $0x7E00, s0  }
0x142: {  	v6 =	vmov s8;
	[tilespmem:s26], [sflag:$0x6] =	stream.indirect.gather [hbm4b:s3+s24], $0x80, s0, s24, $0xb8;
	[tilespmem:$0x1F280] =	vst v63  }
0x143: {  	_ =	swait.ge [sflag:s30], $0x1400  }
0x144: {  	[sflag:s30] =	ssyncset.done $0x0  }
0x145: {  	s15 =	simm.s32 $0x0;
	[sflag:s30] =	ssyncadd.s32 $0xFFFFEC00  }
0x146: {  	v7 =	vld.idx.msk [tilespmem:v5+s15+$0x0 ss:$0x1], $0xffff  }
0x147: {  	v8 =	vld.idx.msk [tilespmem:v6+s15+$0x0 ss:$0x1], $0xffff;
	_ =	sdelay $0x3  }
0x148: {  	(v2sf) =	vpush v7, $0x0  }
0x149: {  	(v2sf) =	vpush v8, $0x0;
	_ =	sdelay $0xd  }
0x14a: {  	s23 =	spop (v2sf)  }
0x14b: {  	v7 =	vld.idx.msk [tilespmem:v2+s23+$0x0 ss:$0x1], $0xffff;
	s25 =	spop (v2sf)  }
0x14c: {  	v8 =	vld [tilespmem:s25+$0xE700];
	_ =	sdelay $0x3  }
0x14d: {  	(v2sf) =	vpush v7, $0x0  }
0x14e: {  	(v2sf) =	vpush v8, $0x0;
	_ =	sdelay $0xb  }
0x14f: {  	s15 =	simm.s32 $0x122C0  }
0x150: {  	s0 =	sshll.u32 s23, $0x9;
	v7 =	vld [tilespmem:s15+$0xFFFFFFC0]  }
0x151: {  	s0 =	sshra.s32 s0, $0x2;
	s26 =	spop (v2sf)  }
0x152: {  	v8 =	vld [tilespmem:s0+$0x14A80];
	s25 =	spop (v2sf)  }
0x153: {  	s23 =	smul.f32 s26, s25;
	_ =	sdelay $0x1  }
0x154: {  	v7 =	vmul.f32 s23, v7;
	_ =	sdelay $0x1  }
0x155: {  	v7 =	vadd.f32 v7, v8;
	_ =	sdelay $0x1  }
0x156: {  	[tilespmem:s0+$0x14A80] =	vst v7  }
0x157: {  	v7 =	vld [tilespmem:s15+$0xFFFFFFD0];
	_ =	sdelay $0x1  }
0x158: {  	v8 =	vld [tilespmem:s0+$0x14A90];
	_ =	sdelay $0x2  }
0x159: {  	v7 =	vmul.f32 s23, v7;
	_ =	sdelay $0x1  }
0x15a: {  	v7 =	vadd.f32 v7, v8;
	_ =	sdelay $0x1  }
0x15b: {  	[tilespmem:s0+$0x14A90] =	vst v7  }
0x15c: {  	v7 =	vld [tilespmem:s15+$0xFFFFFFE0];
	_ =	sdelay $0x1  }
0x15d: {  	v8 =	vld [tilespmem:s0+$0x14AA0];
	_ =	sdelay $0x2  }
0x15e: {  	v7 =	vmul.f32 s23, v7;
	_ =	sdelay $0x1  }
0x15f: {  	v7 =	vadd.f32 v7, v8;
	_ =	sdelay $0x1  }
0x160: {  	[tilespmem:s0+$0x14AA0] =	vst v7  }
0x161: {  	v7 =	vld [tilespmem:s15+$0xFFFFFFF0];
	_ =	sdelay $0x1  }
0x162: {  	v8 =	vld [tilespmem:s0+$0x14AB0];
	_ =	sdelay $0x2  }
0x163: {  	v7 =	vmul.f32 s23, v7;
	_ =	sdelay $0x1  }
0x164: {  	v7 =	vadd.f32 v7, v8;
	_ =	sdelay $0x1  }
0x165: {  	[tilespmem:s0+$0x14AB0] =	vst v7  }
0x166: {  	v7 =	vld [tilespmem:s15+$0x0];
	_ =	sdelay $0x1  }
0x167: {  	v8 =	vld [tilespmem:s0+$0x14AC0];
	_ =	sdelay $0x2  }
0x168: {  	v7 =	vmul.f32 s23, v7;
	_ =	sdelay $0x1  }
0x169: {  	v7 =	vadd.f32 v7, v8;
	_ =	sdelay $0x1  }
0x16a: {  	[tilespmem:s0+$0x14AC0] =	vst v7  }
0x16b: {  	v7 =	vld [tilespmem:s15+$0x10];
	_ =	sdelay $0x1  }
0x16c: {  	v8 =	vld [tilespmem:s0+$0x14AD0];
	_ =	sdelay $0x2  }
0x16d: {  	v7 =	vmul.f32 s23, v7;
	_ =	sdelay $0x1  }
0x16e: {  	v7 =	vadd.f32 v7, v8;
	_ =	sdelay $0x1  }
0x16f: {  	[tilespmem:s0+$0x14AD0] =	vst v7  }
0x170: {  	v7 =	vld [tilespmem:s15+$0x20];
	_ =	sdelay $0x1  }
0x171: {  	v8 =	vld [tilespmem:s0+$0x14AE0];
	_ =	sdelay $0x2  }
0x172: {  	v7 =	vmul.f32 s23, v7;
	_ =	sdelay $0x1  }
0x173: {  	v7 =	vadd.f32 v7, v8;
	_ =	sdelay $0x1  }
0x174: {  	[tilespmem:s0+$0x14AE0] =	vst v7  }
0x175: {  	v7 =	vld [tilespmem:s15+$0x30];
	_ =	sdelay $0x1  }
0x176: {  	v8 =	vld [tilespmem:s0+$0x14AF0];
	_ =	sdelay $0x2  }
0x177: {  	v7 =	vmul.f32 s23, v7;
	_ =	sdelay $0x1  }
0x178: {  	s23 =	simm.s32 $0x4;
	v7 =	vadd.f32 v7, v8  }
.LBB2_12:
0x179: {  	p1 =	sne.s32 s23, $0x9C  }
0x17a: {  	s15 =	sadd.s32 $0x80, s15;
	s25 =	smov.u32 s23;
	s23 =	sadd.s32 $0x4, s23  }
0x17b: {  	s25 =	sshra.s32 s25, $0x2;
	[tilespmem:s0+$0x14AF0] =	vst v7  }
0x17c: {  	v7 =	vld.idx.msk [tilespmem:v5+s25+$0x0 ss:$0x1], $0xffff  }
0x17d: {  	v8 =	vld.idx.msk [tilespmem:v6+s25+$0x0 ss:$0x1], $0xffff;
	_ =	sdelay $0x4  }
0x17e: {  	(v2sf) =	vpush v7, $0x0  }
0x17f: {  	(v2sf) =	vpush v8, $0x0;
	_ =	sdelay $0xd  }
0x180: {  	s0 =	spop (v2sf)  }
0x181: {  	v7 =	vld.idx.msk [tilespmem:v2+s0+$0x0 ss:$0x1], $0xffff;
	s0 =	sshll.u32 s0, $0x9;
	s25 =	spop (v2sf)  }
0x182: {  	v8 =	vld [tilespmem:s25+$0xE700];
	_ =	sdelay $0x4  }
0x183: {  	(v2sf) =	vpush v7, $0x0  }
0x184: {  	(v2sf) =	vpush v8, $0x0;
	_ =	sdelay $0xb  }
0x185: {  	v7 =	vld [tilespmem:s15+$0xFFFFFFC0]  }
0x186: {  	s0 =	sshra.s32 s0, $0x2  }
0x187: {  	v8 =	vld [tilespmem:s0+$0x14A80];
	s25 =	spop (v2sf)  }
0x188: {  	s26 =	spop (v2sf)  }
0x189: {  	s25 =	smul.f32 s25, s26;
	_ =	sdelay $0x1  }
0x18a: {  	v7 =	vmul.f32 s25, v7;
	_ =	sdelay $0x1  }
0x18b: {  	v7 =	vadd.f32 v7, v8;
	_ =	sdelay $0x1  }
0x18c: {  	[tilespmem:s0+$0x14A80] =	vst v7  }
0x18d: {  	v7 =	vld [tilespmem:s15+$0xFFFFFFD0]  }
0x18e: {  	v8 =	vld [tilespmem:s0+$0x14A90];
	_ =	sdelay $0x3  }
0x18f: {  	v7 =	vmul.f32 s25, v7;
	_ =	sdelay $0x1  }
0x190: {  	v7 =	vadd.f32 v7, v8;
	_ =	sdelay $0x1  }
0x191: {  	[tilespmem:s0+$0x14A90] =	vst v7  }
0x192: {  	v7 =	vld [tilespmem:s15+$0xFFFFFFE0]  }
0x193: {  	v8 =	vld [tilespmem:s0+$0x14AA0];
	_ =	sdelay $0x3  }
0x194: {  	v7 =	vmul.f32 s25, v7;
	_ =	sdelay $0x1  }
0x195: {  	v7 =	vadd.f32 v7, v8;
	_ =	sdelay $0x1  }
0x196: {  	[tilespmem:s0+$0x14AA0] =	vst v7  }
0x197: {  	v7 =	vld [tilespmem:s15+$0xFFFFFFF0]  }
0x198: {  	v8 =	vld [tilespmem:s0+$0x14AB0];
	_ =	sdelay $0x3  }
0x199: {  	v7 =	vmul.f32 s25, v7;
	_ =	sdelay $0x1  }
0x19a: {  	v7 =	vadd.f32 v7, v8;
	_ =	sdelay $0x1  }
0x19b: {  	[tilespmem:s0+$0x14AB0] =	vst v7  }
0x19c: {  	v7 =	vld [tilespmem:s15+$0x0]  }
0x19d: {  	v8 =	vld [tilespmem:s0+$0x14AC0];
	_ =	sdelay $0x3  }
0x19e: {  	v7 =	vmul.f32 s25, v7;
	_ =	sdelay $0x1  }
0x19f: {  	v7 =	vadd.f32 v7, v8;
	_ =	sdelay $0x1  }
0x1a0: {  	[tilespmem:s0+$0x14AC0] =	vst v7  }
0x1a1: {  	v7 =	vld [tilespmem:s15+$0x10]  }
0x1a2: {  	v8 =	vld [tilespmem:s0+$0x14AD0];
	_ =	sdelay $0x3  }
0x1a3: {  	v7 =	vmul.f32 s25, v7;
	_ =	sdelay $0x1  }
0x1a4: {  	v7 =	vadd.f32 v7, v8;
	_ =	sdelay $0x1  }
0x1a5: {  	[tilespmem:s0+$0x14AD0] =	vst v7  }
0x1a6: {  	v7 =	vld [tilespmem:s15+$0x20]  }
0x1a7: {  	v8 =	vld [tilespmem:s0+$0x14AE0];
	_ =	sdelay $0x3  }
0x1a8: {  	v7 =	vmul.f32 s25, v7;
	_ =	sdelay $0x1  }
0x1a9: {  	v7 =	vadd.f32 v7, v8;
	_ =	sdelay $0x1  }
0x1aa: {  	[tilespmem:s0+$0x14AE0] =	vst v7  }
0x1ab: {  	v7 =	vld [tilespmem:s15+$0x30]  }
0x1ac: {  	v8 =	vld [tilespmem:s0+$0x14AF0];
	_ =	sdelay $0x1  }
.Ltmp7:
0x1ad: {  	(pc) =	sbr.rel @p1 .LBB2_12-.Ltmp7, $3  }
0x1ae: {  	_ = 	snop  }
0x1af: {  	v7 =	vmul.f32 s25, v7;
	_ =	sdelay $0x1  }
0x1b0: {  	v7 =	vadd.f32 v7, v8  }
0x1b1: {  	s15 =	sadd.s32 $0x4, s12  }
0x1b2: {  	s23 =	smov.u32 s13;
	p1 =	slt.s32 s15, s13  }
0x1b3: {  	s23 =	smov.u32 @p1 s15  }
0x1b4: {  	s15 =	smul.u32 $0xA0, s23;
	_ =	sdelay $0x1  }
0x1b5: {  	s15 =	sshra.s32 s15, $0x2  }
0x1b6: {  	v5 =	vmov s11;
	s26 =	simm.s32 $0x12280;
	[tilespmem:s0+$0x14AF0] =	vst v7;
	s25 =	sadd.s32 $0x7E00, s15  }
0x1b7: {  	v6 =	vmov s10;
	[tilespmem:s26], [sflag:$0x7] =	stream.indirect.gather [hbm4b:s3+s24], $0x80, s25, s24, $0xb8;
	[tilespmem:$0x1F280] =	vst v63  }
0x1b8: {  	_ =	swait.ge [sflag:s31], $0x1400  }
0x1b9: {  	[sflag:s31] =	ssyncset.done $0x0  }
0x1ba: {  	s15 =	simm.s32 $0x0;
	[sflag:s31] =	ssyncadd.s32 $0xFFFFEC00  }
0x1bb: {  	v7 =	vld.idx.msk [tilespmem:v5+s15+$0x0 ss:$0x1], $0xffff  }
0x1bc: {  	v8 =	vld.idx.msk [tilespmem:v6+s15+$0x0 ss:$0x1], $0xffff;
	_ =	sdelay $0x3  }
0x1bd: {  	(v2sf) =	vpush v7, $0x0  }
0x1be: {  	(v2sf) =	vpush v8, $0x0;
	_ =	sdelay $0xd  }
0x1bf: {  	s23 =	spop (v2sf)  }
0x1c0: {  	v7 =	vld.idx.msk [tilespmem:v2+s23+$0x0 ss:$0x1], $0xffff;
	s25 =	spop (v2sf)  }
0x1c1: {  	v8 =	vld [tilespmem:s25+$0xE700];
	_ =	sdelay $0x3  }
0x1c2: {  	(v2sf) =	vpush v7, $0x0  }
0x1c3: {  	(v2sf) =	vpush v8, $0x0;
	_ =	sdelay $0xb  }
0x1c4: {  	s15 =	simm.s32 $0x136C0  }
0x1c5: {  	s0 =	sshll.u32 s23, $0x9;
	v7 =	vld [tilespmem:s15+$0xFFFFFFC0]  }
0x1c6: {  	s0 =	sshra.s32 s0, $0x2;
	s26 =	spop (v2sf)  }
0x1c7: {  	v8 =	vld [tilespmem:s0+$0x14A80];
	s25 =	spop (v2sf)  }
0x1c8: {  	s23 =	smul.f32 s26, s25;
	_ =	sdelay $0x1  }
0x1c9: {  	v7 =	vmul.f32 s23, v7;
	_ =	sdelay $0x1  }
0x1ca: {  	v7 =	vadd.f32 v7, v8;
	_ =	sdelay $0x1  }
0x1cb: {  	[tilespmem:s0+$0x14A80] =	vst v7  }
0x1cc: {  	v7 =	vld [tilespmem:s15+$0xFFFFFFD0];
	_ =	sdelay $0x1  }
0x1cd: {  	v8 =	vld [tilespmem:s0+$0x14A90];
	_ =	sdelay $0x2  }
0x1ce: {  	v7 =	vmul.f32 s23, v7;
	_ =	sdelay $0x1  }
0x1cf: {  	v7 =	vadd.f32 v7, v8;
	_ =	sdelay $0x1  }
0x1d0: {  	[tilespmem:s0+$0x14A90] =	vst v7  }
0x1d1: {  	v7 =	vld [tilespmem:s15+$0xFFFFFFE0];
	_ =	sdelay $0x1  }
0x1d2: {  	v8 =	vld [tilespmem:s0+$0x14AA0];
	_ =	sdelay $0x2  }
0x1d3: {  	v7 =	vmul.f32 s23, v7;
	_ =	sdelay $0x1  }
0x1d4: {  	v7 =	vadd.f32 v7, v8;
	_ =	sdelay $0x1  }
0x1d5: {  	[tilespmem:s0+$0x14AA0] =	vst v7  }
0x1d6: {  	v7 =	vld [tilespmem:s15+$0xFFFFFFF0];
	_ =	sdelay $0x1  }
0x1d7: {  	v8 =	vld [tilespmem:s0+$0x14AB0];
	_ =	sdelay $0x2  }
0x1d8: {  	v7 =	vmul.f32 s23, v7;
	_ =	sdelay $0x1  }
0x1d9: {  	v7 =	vadd.f32 v7, v8;
	_ =	sdelay $0x1  }
0x1da: {  	[tilespmem:s0+$0x14AB0] =	vst v7  }
0x1db: {  	v7 =	vld [tilespmem:s15+$0x0];
	_ =	sdelay $0x1  }
0x1dc: {  	v8 =	vld [tilespmem:s0+$0x14AC0];
	_ =	sdelay $0x2  }
0x1dd: {  	v7 =	vmul.f32 s23, v7;
	_ =	sdelay $0x1  }
0x1de: {  	v7 =	vadd.f32 v7, v8;
	_ =	sdelay $0x1  }
0x1df: {  	[tilespmem:s0+$0x14AC0] =	vst v7  }
0x1e0: {  	v7 =	vld [tilespmem:s15+$0x10];
	_ =	sdelay $0x1  }
0x1e1: {  	v8 =	vld [tilespmem:s0+$0x14AD0];
	_ =	sdelay $0x2  }
0x1e2: {  	v7 =	vmul.f32 s23, v7;
	_ =	sdelay $0x1  }
0x1e3: {  	v7 =	vadd.f32 v7, v8;
	_ =	sdelay $0x1  }
0x1e4: {  	[tilespmem:s0+$0x14AD0] =	vst v7  }
0x1e5: {  	v7 =	vld [tilespmem:s15+$0x20];
	_ =	sdelay $0x1  }
0x1e6: {  	v8 =	vld [tilespmem:s0+$0x14AE0];
	_ =	sdelay $0x2  }
0x1e7: {  	v7 =	vmul.f32 s23, v7;
	_ =	sdelay $0x1  }
0x1e8: {  	v7 =	vadd.f32 v7, v8;
	_ =	sdelay $0x1  }
0x1e9: {  	[tilespmem:s0+$0x14AE0] =	vst v7  }
0x1ea: {  	v7 =	vld [tilespmem:s15+$0x30];
	_ =	sdelay $0x1  }
0x1eb: {  	v8 =	vld [tilespmem:s0+$0x14AF0];
	_ =	sdelay $0x2  }
0x1ec: {  	v7 =	vmul.f32 s23, v7;
	_ =	sdelay $0x1  }
0x1ed: {  	s23 =	simm.s32 $0x4;
	v7 =	vadd.f32 v7, v8  }
.LBB2_14:
0x1ee: {  	p1 =	sne.s32 s23, $0x9C  }
0x1ef: {  	s15 =	sadd.s32 $0x80, s15;
	s25 =	smov.u32 s23;
	s23 =	sadd.s32 $0x4, s23  }
0x1f0: {  	s25 =	sshra.s32 s25, $0x2;
	[tilespmem:s0+$0x14AF0] =	vst v7  }
0x1f1: {  	v7 =	vld.idx.msk [tilespmem:v5+s25+$0x0 ss:$0x1], $0xffff  }
0x1f2: {  	v8 =	vld.idx.msk [tilespmem:v6+s25+$0x0 ss:$0x1], $0xffff;
	_ =	sdelay $0x4  }
0x1f3: {  	(v2sf) =	vpush v7, $0x0  }
0x1f4: {  	(v2sf) =	vpush v8, $0x0;
	_ =	sdelay $0xd  }
0x1f5: {  	s0 =	spop (v2sf)  }
0x1f6: {  	v7 =	vld.idx.msk [tilespmem:v2+s0+$0x0 ss:$0x1], $0xffff;
	s0 =	sshll.u32 s0, $0x9;
	s25 =	spop (v2sf)  }
0x1f7: {  	v8 =	vld [tilespmem:s25+$0xE700];
	_ =	sdelay $0x4  }
0x1f8: {  	(v2sf) =	vpush v7, $0x0  }
0x1f9: {  	(v2sf) =	vpush v8, $0x0;
	_ =	sdelay $0xb  }
0x1fa: {  	v7 =	vld [tilespmem:s15+$0xFFFFFFC0]  }
0x1fb: {  	s0 =	sshra.s32 s0, $0x2  }
0x1fc: {  	v8 =	vld [tilespmem:s0+$0x14A80];
	s25 =	spop (v2sf)  }
0x1fd: {  	s26 =	spop (v2sf)  }
0x1fe: {  	s25 =	smul.f32 s25, s26;
	_ =	sdelay $0x1  }
0x1ff: {  	v7 =	vmul.f32 s25, v7;
	_ =	sdelay $0x1  }
0x200: {  	v7 =	vadd.f32 v7, v8;
	_ =	sdelay $0x1  }
0x201: {  	[tilespmem:s0+$0x14A80] =	vst v7  }
0x202: {  	v7 =	vld [tilespmem:s15+$0xFFFFFFD0]  }
0x203: {  	v8 =	vld [tilespmem:s0+$0x14A90];
	_ =	sdelay $0x3  }
0x204: {  	v7 =	vmul.f32 s25, v7;
	_ =	sdelay $0x1  }
0x205: {  	v7 =	vadd.f32 v7, v8;
	_ =	sdelay $0x1  }
0x206: {  	[tilespmem:s0+$0x14A90] =	vst v7  }
0x207: {  	v7 =	vld [tilespmem:s15+$0xFFFFFFE0]  }
0x208: {  	v8 =	vld [tilespmem:s0+$0x14AA0];
	_ =	sdelay $0x3  }
0x209: {  	v7 =	vmul.f32 s25, v7;
	_ =	sdelay $0x1  }
0x20a: {  	v7 =	vadd.f32 v7, v8;
	_ =	sdelay $0x1  }
0x20b: {  	[tilespmem:s0+$0x14AA0] =	vst v7  }
0x20c: {  	v7 =	vld [tilespmem:s15+$0xFFFFFFF0]  }
0x20d: {  	v8 =	vld [tilespmem:s0+$0x14AB0];
	_ =	sdelay $0x3  }
0x20e: {  	v7 =	vmul.f32 s25, v7;
	_ =	sdelay $0x1  }
0x20f: {  	v7 =	vadd.f32 v7, v8;
	_ =	sdelay $0x1  }
0x210: {  	[tilespmem:s0+$0x14AB0] =	vst v7  }
0x211: {  	v7 =	vld [tilespmem:s15+$0x0]  }
0x212: {  	v8 =	vld [tilespmem:s0+$0x14AC0];
	_ =	sdelay $0x3  }
0x213: {  	v7 =	vmul.f32 s25, v7;
	_ =	sdelay $0x1  }
0x214: {  	v7 =	vadd.f32 v7, v8;
	_ =	sdelay $0x1  }
0x215: {  	[tilespmem:s0+$0x14AC0] =	vst v7  }
0x216: {  	v7 =	vld [tilespmem:s15+$0x10]  }
0x217: {  	v8 =	vld [tilespmem:s0+$0x14AD0];
	_ =	sdelay $0x3  }
0x218: {  	v7 =	vmul.f32 s25, v7;
	_ =	sdelay $0x1  }
0x219: {  	v7 =	vadd.f32 v7, v8;
	_ =	sdelay $0x1  }
0x21a: {  	[tilespmem:s0+$0x14AD0] =	vst v7  }
0x21b: {  	v7 =	vld [tilespmem:s15+$0x20]  }
0x21c: {  	v8 =	vld [tilespmem:s0+$0x14AE0];
	_ =	sdelay $0x3  }
0x21d: {  	v7 =	vmul.f32 s25, v7;
	_ =	sdelay $0x1  }
0x21e: {  	v7 =	vadd.f32 v7, v8;
	_ =	sdelay $0x1  }
0x21f: {  	[tilespmem:s0+$0x14AE0] =	vst v7  }
0x220: {  	v7 =	vld [tilespmem:s15+$0x30]  }
0x221: {  	v8 =	vld [tilespmem:s0+$0x14AF0];
	_ =	sdelay $0x1  }
.Ltmp8:
0x222: {  	(pc) =	sbr.rel @p1 .LBB2_14-.Ltmp8, $3  }
0x223: {  	_ = 	snop  }
0x224: {  	v7 =	vmul.f32 s25, v7;
	_ =	sdelay $0x1  }
0x225: {  	v7 =	vadd.f32 v7, v8  }
0x226: {  	s12 =	sadd.s32 $0x5, s12  }
0x227: {  	s15 =	smov.u32 s13;
	p1 =	slt.s32 s12, s13  }
0x228: {  	s14 =	sadd.s32 $0x1, s14;
	s15 =	smov.u32 @p1 s12  }
0x229: {  	p1 =	sne.s32 s14, s1;
	s12 =	smul.u32 $0xA0, s15  }
.Ltmp9:
0x22a: {  	_ = 	snop;
	(pc) =	sbr.rel @p1 .LBB2_9-.Ltmp9, $4  }
.Ltmp10:
0x22b: {  	s6 =	sadd.s32 $0x78, s6;
	s7 =	sadd.s32 $0x78, s7;
	(pc) =	sbr.rel @!p1 .LBB2_16-.Ltmp10, $4  }
0x22c: {  	s8 =	sadd.s32 $0x78, s8;
	s9 =	sadd.s32 $0x78, s9;
	s12 =	sshra.s32 s12, $0x2  }
0x22d: {  	s10 =	sadd.s32 $0x78, s10;
	s11 =	sadd.s32 $0x78, s11;
	[tilespmem:s0+$0x14AF0] =	vst v7;
	s26 =	sadd.s32 $0x7E00, s12  }
0x22e: {  	[tilespmem:s28], [sflag:$0x8] =	stream.indirect.gather [hbm4b:s3+s24], $0x80, s26, s24, $0xb8;
	[tilespmem:$0x1F280] =	vst v63  }
0x22f: {  	_ = 	snop  }
.LBB2_17:
0x230: {  	_ =	sfence.sel $0x180000  }
0x231: {  	[bflag:$0x0] =	sbarrier.arrive $0xFFFF  }
0x232: {  	_ =	strace $0x9000004A  }
0x233: {  	s0 =	stileid.u32;
	[bflag:$0x2] =	sbarrier.arrive $0xFFFF  }
0x234: {  	p0 =	sne.s32 s0, $0x0;
	s0 =	rddreg [dreg:$0x1]  }
0x235: {  	s0 =	sadd.s32 @!p0 $0x100000, s0  }
0x236: {  	[sflag:s0] =	ssyncadd.tile.s32 @!p0 $0x1;
	_ =	shalt  }
.Lfunc_end2:
_tile_overlayer_lowered:
.L_overlay_start_2:
0x237: {  	(tag) =	ssettag $0x2  }
0x238: {  	s0 =	rddreg [dreg:$0x0];
	s2 =	stileid.u32  }
0x239: {  	s1 =	rddreg [dreg:$0x1];
	p0 =	sne.s32 s2, $0x0  }
0x23a: {  	s3 =	rddreg [dreg:$0x2];
	[bflag:$0x3] =	sbarrier.arrive $0xFFFF;
	s2 =	simm.s32 @!p0 $0x1C09  }
0x23b: {  	[timem:s3], [sflag:s2] =	dma.local @!p0 [hbm:s0], s1  }
0x23c: {  	s0 =	simm.s32 @!p0 $0x9  }
0x23d: {  	_ =	swait.ge @!p0 [sflag:s0], s1  }
0x23e: {  	s1 =	ssub.s32 @!p0 $0x0, s1;
	[sflag:s0] =	ssyncset.done @!p0 $0x0  }
0x23f: {  	[sflag:s0] =	ssyncadd.s32 @!p0 s1  }
0x240: {  	[bflag:$0x3] =	sbarrier.arrive $0xFFFF  }
0x241: {  	_ =	shalt  }

// kernel: kernel.14.cloned.1.call-start
scs
__scs_entry_jumppad:
0x0: {  	(pc) =	sbr.rel $0x88, $3  }
0x1: {  	(tag) =	ssettag $0x0;
	lr =	simm.s32 $0x1  }
0x2: {  	[smem:$0x3F93] =	sst lr;
	_ =	strace $0xD0000000  }
0x3: {  	_ = 	snop  }
0x4: {  	_ = 	snop  }
0x5: {  	_ = 	snop  }
0x6: {  	_ = 	snop  }
0x7: {  	_ = 	snop  }
__scs_overlays_trampoline_lowered:
0x8: {  	[smem:$0x3FA2] =	sst s0  }
0x9: {  	[smem:$0x3FA3] =	sst s1  }
0xa: {  	[smem:$0x3FA4] =	sst s2  }
0xb: {  	[smem:$0x3FA5] =	sst s3  }
0xc: {  	[smem:$0x3FA6] =	sst s4  }
0xd: {  	[smem:$0x3FA7] =	sst s5  }
0xe: {  	[smem:$0x3FA8] =	sst s6  }
0xf: {  	[smem:$0x3FA9] =	sst s7  }
0x10: {  	[smem:$0x3FAA] =	sst s8  }
0x11: {  	[smem:$0x3FAB] =	sst s9;
	s0 =	simm.s32 @!p0 $0x0  }
0x12: {  	s1 =	sld [smem:$0x3F91];
	s0 =	simm.s32 @p0 $0x1  }
0x13: {  	[smem:$0x3FAC] =	sst s0;
	s0 =	simm.s32 @!p1 $0x0  }
0x14: {  	s2 =	sld [smem:$0x3F90];
	s0 =	simm.s32 @p1 $0x1  }
0x15: {  	[smem:$0x3FAD] =	sst s0;
	s0 =	simm.s32 @!p2 $0x0  }
0x16: {  	s3 =	sld [smem:$0x3FDB];
	s0 =	simm.s32 @p2 $0x1  }
0x17: {  	s4 =	simm.s32 $0x1BF5;
	[smem:$0x3FAF] =	sst s0  }
0x18: {  	s0 =	sld [smem:$0x3F92];
	_ =	swait.ge [sflag:s4], $0x0  }
0x19: {  	s7 =	sld [smem:$0x3F93]  }
0x1a: {  	s8 =	sadd.s32 $0xFFFFE003, lr  }
0x1b: {  	s9 =	sadd.s32 $0xFFFFFEF7, lr;
	s5 =	simm.s32 $0xFFFFFFFF;
	p2 =	slt.u32 s8, $0xFFFFF086  }
0x1c: {  	p1 =	slt.u32 s9, $0xF7A;
	s5 =	simm.s32 @!p2 $0x0  }
0x1d: {  	s5 =	simm.s32 @p1 $0x1;
	p0 =	seq.s32 s7, s2  }
0x1e: {  	s7 =	smul.u32 @!p0 $0xF7A, s2;
	p2 =	seq.s32 @!p0 s5, $0x0  }
0x1f: {  	s9 =	smul.u32 $0xF7A, s1;
	s8 =	simm.s32 @!p0 $0x1BF5;
	p2 =	por !p2, p0  }
0x20: {  	[sflag:s8] =	ssyncset.s32 @!p0 $0xFFFFF086;
	s6 =	sadd.s32 @!p0 s3, s7;
	s7 =	simm.s32 @!p0 $0x108  }
0x21: {  	s3 =	sadd.s32 s3, s9;
	s6 =	sadd.s32 @!p0 $0x88, s6;
	s7 =	simm.s32 @p2 $0x1082  }
0x22: {  	[simem:s7], [sflag:s8] =	dma.local @!p0 [hbm:s6], $0xF7A  }
0x23: {  	s9 =	sor.u32 $0xD0000000, s2;
	s6 =	simm.s32 $0x108;
	_ =	swait.ge @!p0 [sflag:s8], $0x0  }
0x24: {  	s3 =	sadd.s32 $0x88, s3;
	s6 =	simm.s32 @!p1 $0x1082;
	[sflag:s4] =	ssyncset.s32 $0xFFFFF086  }
0x25: {  	[simem:s6], [sflag:s4] =	dma.local [hbm:s3], $0xF7A  }
0x26: {  	[smem:$0x3F93] =	sst s1;
	(tag) =	ssettag s2;
	_ =	strace s9  }
0x27: {  	s1 =	sld [smem:$0x3FA3]  }
0x28: {  	s2 =	sld [smem:$0x3FA4]  }
0x29: {  	s4 =	sld [smem:$0x3FA6]  }
0x2a: {  	p0 =	seq.s32 s5, $0x0;
	s5 =	sld [smem:$0x3FA7]  }
0x2b: {  	s6 =	sld [smem:$0x3FA8]  }
0x2c: {  	s7 =	sld [smem:$0x3FA9]  }
0x2d: {  	s3 =	simm.s32 $0x108;
	s8 =	sld [smem:$0x3FAA]  }
0x2e: {  	s3 =	simm.s32 @!p0 $0x1082;
	s9 =	sld [smem:$0x3FAB]  }
0x2f: {  	lr =	sadd.s32 s0, s3;
	s0 =	sld [smem:$0x3FA2]  }
0x30: {  	s3 =	sld [smem:$0x3FA5]  }
0x31: {  	[smem:$0x3FAE] =	sst s10  }
0x32: {  	s10 =	sld [smem:$0x3FAC];
	_ =	sdelay $0x3  }
0x33: {  	p0 =	seq.s32 s10, $0x1;
	s10 =	sld [smem:$0x3FAE];
	_ =	sdelay $0x3  }
0x34: {  	[smem:$0x3FAE] =	sst s10  }
0x35: {  	s10 =	sld [smem:$0x3FAD];
	_ =	sdelay $0x3  }
0x36: {  	p1 =	seq.s32 s10, $0x1;
	s10 =	sld [smem:$0x3FAE];
	_ =	sdelay $0x3  }
0x37: {  	[smem:$0x3FAE] =	sst s10  }
0x38: {  	s10 =	sld [smem:$0x3FAF]  }
0x39: {  	_ = 	snop;
	(pc) =	sbr.ind lr, $3  }
0x3a: {  	_ = 	snop  }
0x3b: {  	_ = 	snop  }
0x3c: {  	p2 =	seq.s32 s10, $0x1;
	s10 =	sld [smem:$0x3FAE]  }
0x3d: {  	_ =	shalt  }
0x3e: {  	_ =	shalt  }
0x3f: {  	_ =	shalt  }
0x40: {  	_ =	shalt  }
0x41: {  	_ =	shalt  }
0x42: {  	_ =	shalt  }
0x43: {  	_ =	shalt  }
0x44: {  	_ =	shalt  }
0x45: {  	_ =	shalt  }
0x46: {  	_ =	shalt  }
0x47: {  	_ =	shalt  }
0x48: {  	_ =	shalt  }
0x49: {  	_ =	shalt  }
0x4a: {  	_ =	shalt  }
0x4b: {  	_ =	shalt  }
0x4c: {  	_ =	shalt  }
0x4d: {  	_ =	shalt  }
0x4e: {  	_ =	shalt  }
0x4f: {  	_ =	shalt  }
0x50: {  	_ =	shalt  }
0x51: {  	_ =	shalt  }
0x52: {  	_ =	shalt  }
0x53: {  	_ =	shalt  }
0x54: {  	_ =	shalt  }
0x55: {  	_ =	shalt  }
0x56: {  	_ =	shalt  }
0x57: {  	_ =	shalt  }
0x58: {  	_ =	shalt  }
0x59: {  	_ =	shalt  }
0x5a: {  	_ =	shalt  }
0x5b: {  	_ =	shalt  }
0x5c: {  	_ =	shalt  }
0x5d: {  	_ =	shalt  }
0x5e: {  	_ =	shalt  }
0x5f: {  	_ =	shalt  }
0x60: {  	_ =	shalt  }
0x61: {  	_ =	shalt  }
0x62: {  	_ =	shalt  }
0x63: {  	_ =	shalt  }
0x64: {  	_ =	shalt  }
0x65: {  	_ =	shalt  }
0x66: {  	_ =	shalt  }
0x67: {  	_ =	shalt  }
0x68: {  	_ =	shalt  }
0x69: {  	_ =	shalt  }
0x6a: {  	_ =	shalt  }
0x6b: {  	_ =	shalt  }
0x6c: {  	_ =	shalt  }
0x6d: {  	_ =	shalt  }
0x6e: {  	_ =	shalt  }
0x6f: {  	_ =	shalt  }
0x70: {  	_ =	shalt  }
0x71: {  	_ =	shalt  }
0x72: {  	_ =	shalt  }
0x73: {  	_ =	shalt  }
0x74: {  	_ =	shalt  }
0x75: {  	_ =	shalt  }
0x76: {  	_ =	shalt  }
0x77: {  	_ =	shalt  }
0x78: {  	_ =	shalt  }
0x79: {  	_ =	shalt  }
0x7a: {  	_ =	shalt  }
0x7b: {  	_ =	shalt  }
0x7c: {  	_ =	shalt  }
0x7d: {  	_ =	shalt  }
0x7e: {  	_ =	shalt  }
0x7f: {  	_ =	shalt  }
0x80: {  	_ =	shalt  }
0x81: {  	_ =	shalt  }
0x82: {  	_ =	shalt  }
0x83: {  	_ =	shalt  }
0x84: {  	_ =	shalt  }
0x85: {  	_ =	shalt  }
0x86: {  	_ =	shalt  }
0x87: {  	_ =	shalt  }
.Lfunc_end0:
.L_simem_size_0:
called_computation.2_lowered:
.L_overlay_start_0:
0x88: {  	s2 =	sld [smem:$0x3FD9]  }
0x89: {  	s3 =	sld [smem:$0x3FFE];
	_ =	sdelay $0x1  }
0x8a: {  	s1 =	srdreg.scid  }
0x8b: {  	s0 =	sand.u32 $0x1, s1  }
0x8c: {  	s16 =	sshll.u32 s0, $0xA;
	s2 =	sadd.s32 s3, s2  }
0x8d: {  	s2 =	sadd.s32 s2, s16  }
0x8e: {  	[smem:$0x3FBA] =	sst s2  }
0x8f: {  	_ = 	snop  }
0x90: {  	(tm) =	ssettm $0x1  }
0x91: {  	s17 =	sld [smem:$0x3FFB];
	_ =	sdelay $0x3  }
0x92: {  	_ =	strace s17  }
0x93: {  	s2 =	sld [smem:$0x3FFC];
	_ =	sdelay $0x3  }
0x94: {  	_ =	strace s2  }
0x95: {  	s2 =	sld [smem:$0x3FFD];
	_ =	sdelay $0x3  }
0x96: {  	_ =	strace s2  }
0x97: {  	_ =	strace $0x8FFFFFFF  }
0x98: {  	s18 =	sld [smem:$0x3FDB];
	_ =	sdelay $0x1  }
0x99: {  	s19 =	simm.s32 $_scs_section_size  }
0x9a: {  	s4 =	simm.s32 $_size__tile_overlayer_lowered;
	s5 =	simm.s32 $_tile_overlayer_lowered  }
0x9b: {  	s22 =	simm.s32 $0x1BFF;
	s21 =	sshll.u32 s5, $0x1;
	s2 =	sadd.s32 s19, s18  }
0x9c: {  	s6 =	simm.s32 $0x0;
	s20 =	sshll.u32 s4, $0x1;
	s4 =	sadd.s32 s21, s2  }
0x9d: {  	[timem:s6], [sflag:s22] =	dma.local [hbm:s4], s20  }
0x9e: {  	_ =	swait.ge [sflag:s22], s20  }
0x9f: {  	s3 =	ssub.s32 $0x0, s20;
	[sflag:s22] =	ssyncset.done $0x0  }
0xa0: {  	[sflag:s22] =	ssyncadd.s32 s3;
	_ =	sdelay $0x1  }
0xa1: {  	s23 =	simm.s32 $0x1B8B  }
0xa2: {  	_ =	swait.ge [sflag:s23], $0x1  }
0xa3: {  	[sflag:s23] =	ssyncset.done $0x0  }
0xa4: {  	s25 =	simm.s32 $0x1B8E;
	s24 =	sld [smem:$0x3FFE];
	[sflag:s23] =	ssyncadd.s32 $0xFFFFFFFF  }
0xa5: {  	s26 =	simm.s32 $execute0_lowered;
	[smem:$0x3FD2] =	sst s25  }
0xa6: {  	s4 =	sshll.u32 s26, $0x1;
	_ =	strace $0x8000004C;
	[dreg:$0x1] =	wrdreg $0xFFFFFFFF  }
0xa7: {  	s28 =	simm.s32 $_size_execute0_lowered;
	s2 =	sadd.s32 s2, s4;
	[dreg:$0x0] =	wrdreg $0x0  }
0xa8: {  	s4 =	sshll.u32 s28, $0x1;
	[dreg:$0x2] =	wrdreg s2  }
0xa9: {  	[dreg:$0x3] =	wrdreg s4  }
0xaa: {  	[dreg:$0x4] =	wrdreg $0xC0  }
0xab: {  	_ =	task [dreg:s6], $0x5FFFF  }
0xac: {  	[dreg:$0x1] =	wrdreg $0xFFFFFFFF  }
0xad: {  	[dreg:$0x0] =	wrdreg $0x60  }
0xae: {  	[dreg:$0x2] =	wrdreg s24  }
0xaf: {  	[dreg:$0x3] =	wrdreg $0x8E000  }
0xb0: {  	[dreg:$0x4] =	wrdreg $0x9  }
0xb1: {  	_ =	task.clear_ibuf [dreg:s6], $0x5FFFF;
	_ =	strace $0x9000004C  }
0xb2: {  	s29 =	simm.s32 $0x9;
	_ =	strace $0x8000004E  }
0xb3: {  	_ =	swait.ge [sflag:s29], $0x1  }
0xb4: {  	[sflag:s29] =	ssyncadd.s32 $0xFFFFFFFF  }
0xb5: {  	_ =	strace $0x9000004E  }
0xb6: {  	_ =	sfence  }
0xb7: {  	s30 =	sld [smem:$0x0];
	_ =	sdelay $0x2  }
0xb8: {  	s31 =	sshll.u32 s1, $0xD;
	s1 =	sshrl.u32 s1, $0x2  }
0xb9: {  	s3 =	sand.u32 $0x4000, s31;
	s1 =	sadd.s32 s1, s30  }
0xba: {  	s0 =	sor.u32 s3, s0;
	s1 =	sshll.u32 s1, $0x11  }
0xbb: {  	s0 =	sor.u32 s1, s0  }
0xbc: {  	s0 =	sadd.s32 $0x8F2B, s0  }
0xbd: {  	[sflag:s0] =	ssyncadd.remote.s32 $0x1  }
0xbe: {  	_ =	sfence.sel $0xFFFF  }
0xbf: {  	[dreg:$0x0] =	wrdreg $0xFFFFFFFF;
	(pc) =	sbr.abs _section_cstart, $3  }
0xc0: {  	[dreg:$0x1] =	wrdreg $0xFFFFFFFF  }
0xc1: {  	_ =	task.clear_ibuf [dreg:s6], $0x2FFFF;
	_ =	strace $0x9FFFFFFF  }
0xc2: {  	(tm) =	ssettm $0x7FFFFFFF  }
0xc3: {  	_ =	shalt  }
tec
execute0_lowered:
.L_overlay_start_1:
0x0: {  	(tag) =	ssettag $0x1  }
0x1: {  	s0 =	srdreg.scid  }
0x2: {  	s12 =	stileid.u32;
	s7 =	rddreg [dreg:$0x0]  }
0x3: {  	s2 =	rddreg [dreg:$0x1];
	s4 =	simm.s32 $0x0;
	s28 =	simm.s32 $0x2880  }
0x4: {  	s30 =	simm.s32 $0x5200;
	s31 =	simm.s32 $0x2900;
	s29 =	simm.s32 $0x2980  }
0x5: {  	s14 =	simm.s32 $0x4;
	s15 =	simm.s32 $0x9;
	s0 =	sand.u32 $0x1, s0  }
0x6: {  	[smem:$0x7FF] =	sst s4;
	s5 =	sadd.s32 $0x16C00, s7;
	s6 =	sadd.s32 $0xCE00, s7  }
0x7: {  	s10 =	smul.u32 $0x4E000, s12;
	s11 =	sadd.s32 $0x3E400, s7;
	s17 =	sshll.u32 s12, $0x6  }
0x8: {  	s20 =	smul.u32 $0x13800, s12;
	s25 =	sadd.s32 $0x138000, s2;
	p0 =	sne.s32 s12, $0xF  }
0x9: {  	s1 =	sshll.u32 s0, $0x4;
	_ =	strace $0x8000004D;
	[dreg:$0x3] =	wrdreg s11  }
0xa: {  	s9 =	ssub.s32 $0x2, s0;
	[dreg:$0x4] =	wrdreg s17;
	s11 =	sor.u32 $0x1C01, s17  }
0xb: {  	s0 =	smul.u32 $0x138800, s0;
	[dreg:$0xc] =	wrdreg s25;
	s25 =	simm.s32 $0x2800  }
0xc: {  	s17 =	simm.s32 $0xA;
	s1 =	sor.u32 s12, s1;
	s16 =	sshrl.u32 s9, $0x1  }
0xd: {  	s10 =	sshrl.u32 s10, $0x2;
	[dreg:$0x5] =	wrdreg s11;
	s12 =	simm.s32 $0x7  }
0xe: {  	s3 =	smul.u32 $0x2710, s1;
	s9 =	ssub.s32 s9, s16;
	s10 =	sadd.s32 s10, s2  }
0xf: {  	s23 =	sadd.s32 s20, s0;
	s0 =	sshrl.u32 s0, $0x3;
	s16 =	simm.s32 $0x5  }
0x10: {  	s20 =	simm.s32 $0x0;
	s26 =	smax.u32 s9, $0x1;
	s11 =	sshrl.u32 s10, $0x3  }
0x11: {  	s10 =	simm.s32 $0x2;
	s1 =	sshrl.u32 s3, $0x3;
	s18 =	sadd.s32 $0x28, s3  }
0x12: {  	s19 =	sadd.s32 $0x78, s3;
	[dreg:$0xf] =	wrdreg s26;
	s26 =	simm.s32 $0x3E00  }
0x13: {  	[dreg:$0x10] =	wrdreg s11;
	s8 =	sadd.s32 s1, s7;
	s7 =	sadd.s32 $0x40C00, s7  }
0x14: {  	s13 =	sadd.s32 s6, s1;
	s1 =	sshrl.u32 s18, $0x3;
	s22 =	sshrl.u32 s19, $0x3  }
0x15: {  	s18 =	simm.s32 $0x6;
	s8 =	sadd.s32 $0x3000, s8;
	[dreg:$0x7] =	wrdreg s13  }
0x16: {  	s19 =	simm.s32 $0xB;
	s1 =	sadd.s32 s6, s1;
	[dreg:$0x6] =	wrdreg s8  }
0x17: {  	s21 =	sadd.s32 $0xA, s13;
	s24 =	sadd.s32 $0x14, s13;
	[dreg:$0x8] =	wrdreg s1  }
0x18: {  	s0 =	sadd.s32 s7, s0;
	s13 =	simm.s32 $0x3;
	[dreg:$0x9] =	wrdreg s21  }
0x19: {  	s1 =	sadd.s32 s6, s22;
	[dreg:$0xb] =	wrdreg s24;
	s0 =	sadd.s32 $0x27000, s0  }
0x1a: {  	s21 =	simm.s32 $0xC;
	s22 =	simm.s32 $0x2780;
	s24 =	simm.s32 $0x2A00  }
0x1b: {  	s8 =	simm.s32 $0x8;
	[dreg:$0xa] =	wrdreg s1;
	s1 =	sshrl.u32 s23, $0x3  }
0x1c: {  	[dreg:$0xe] =	wrdreg s0;
	s23 =	simm.s32 $0x28;
	s1 =	sadd.s32 s7, s1  }
0x1d: {  	s0 =	simm.s32 $0x6600;
	[dreg:$0xd] =	wrdreg s1;
	s1 =	simm.s32 $0x7A00  }
.LBB2_1:
0x1e: {  	[dreg:$0x11] =	wrdreg s20  }
0x1f: {  	s9 =	rddreg [dreg:$0x3]  }
0x20: {  	s7 =	rddreg [dreg:$0x5]  }
0x21: {  	[spmem:s11], [sflag:s7] =	dma.local [hbm:s9], $0x2700  }
0x22: {  	s7 =	rddreg [dreg:$0x6]  }
0x23: {  	[tilespmem:s4], [sflag:$0xC] =	stream.linear.gather [hbm4b:s7+s4], $0x2710, $0x38;
	[tilespmem:$0x1C680] =	vst v63  }
0x24: {  	_ =	swait.ge [sflag:s21], $0x2710  }
0x25: {  	[sflag:s21] =	ssyncset.done $0x0  }
0x26: {  	s20 =	rddreg [dreg:$0x7];
	[sflag:s21] =	ssyncadd.s32 $0xFFFFD8F0  }
0x27: {  	[tilespmem:s22], [sflag:$0x2] =	stream.linear.gather [hbm4b:s20+s4], $0x28, $0x38;
	[tilespmem:$0x1C680] =	vst v63  }
0x28: {  	_ = 	snop  }
0x29: {  	[tilespmem:s24], [sflag:$0x7] =	stream.indirect.gather [hbm4b:s5+s23], $0x80, s4, s23, $0xb8;
	[tilespmem:$0x1C680] =	vst v63  }
0x2a: {  	s11 =	rddreg [dreg:$0x8]  }
0x2b: {  	[tilespmem:s25], [sflag:$0x3] =	stream.linear.gather [hbm4b:s11+s4], $0x28, $0x38;
	[tilespmem:$0x1C680] =	vst v63  }
0x2c: {  	_ = 	snop  }
0x2d: {  	[tilespmem:s26], [sflag:$0x8] =	stream.indirect.gather [hbm4b:s5+s23], $0x80, s23, s23, $0xb8;
	[tilespmem:$0x1C680] =	vst v63  }
0x2e: {  	s20 =	rddreg [dreg:$0x9]  }
0x2f: {  	[tilespmem:s28], [sflag:$0x4] =	stream.linear.gather [hbm4b:s20+s4], $0x28, $0x38;
	[tilespmem:$0x1C680] =	vst v63  }
0x30: {  	s11 =	simm.s32 $0x50  }
0x31: {  	[tilespmem:s30], [sflag:$0x9] =	stream.indirect.gather [hbm4b:s5+s23], $0x80, s11, s23, $0xb8;
	[tilespmem:$0x1C680] =	vst v63  }
0x32: {  	s20 =	rddreg [dreg:$0xa]  }
0x33: {  	[tilespmem:s31], [sflag:$0x5] =	stream.linear.gather [hbm4b:s20+s4], $0x28, $0x38;
	[tilespmem:$0x1C680] =	vst v63  }
0x34: {  	s11 =	simm.s32 $0x78  }
0x35: {  	[tilespmem:s0], [sflag:$0xA] =	stream.indirect.gather [hbm4b:s5+s23], $0x80, s11, s23, $0xb8;
	[tilespmem:$0x1C680] =	vst v63  }
0x36: {  	s20 =	rddreg [dreg:$0xb]  }
0x37: {  	[tilespmem:s29], [sflag:$0x6] =	stream.linear.gather [hbm4b:s20+s4], $0x28, $0x38;
	[tilespmem:$0x1C680] =	vst v63  }
0x38: {  	s11 =	simm.s32 $0xA0;
	s20 =	simm.s32 $0x1  }
0x39: {  	[tilespmem:s1], [sflag:$0xB] =	stream.indirect.gather [hbm4b:s5+s23], $0x80, s11, s23, $0xb8;
	[tilespmem:$0x1C680] =	vst v63  }
0x3a: {  	_ =	swait.ge [sflag:s20], $0x2700  }
0x3b: {  	s7 =	rddreg [dreg:$0xc]  }
0x3c: {  	[sflag:s20] =	ssyncset.done $0x0;
	s11 =	sshrl.u32 @!p0 s7, $0x3  }
0x3d: {  	[sflag:s20] =	ssyncadd.s32 $0xFFFFD900;
	s7 =	simm.s32 @!p0 $0x1FCC;
	[dreg:$0x12] =	wrdreg s11  }
0x3e: {  	[spmem:s11], [sflag:s7] =	dma.local @!p0 [hbm:s9], $0x100  }
0x3f: {  	s7 =	simm.s32 @!p0 $0xC  }
0x40: {  	_ =	swait.ge @!p0 [sflag:s7], $0x100  }
0x41: {  	[sflag:s7] =	ssyncset.done @!p0 $0x0  }
0x42: {  	[sflag:s7] =	ssyncadd.s32 @!p0 $0xFFFFFF00  }
0x43: {  	[bflag:$0x0] =	sbarrier.arrive $0xFFFF  }
0x44: {  	_ =	swait.ge [sflag:s10], $0x28  }
0x45: {  	[sflag:s10] =	ssyncset.done $0x0  }
0x46: {  	s11 =	smin.u32 s4, $0xF4;
	[sflag:s10] =	ssyncadd.s32 $0xFFFFFFD8  }
0x47: {  	s7 =	smul.u32 $0x28, s11;
	_ =	swait.ge [sflag:s12], $0x1400  }
0x48: {  	[sflag:s12] =	ssyncset.done $0x0  }
0x49: {  	s7 =	sadd.s32 $0xC8, s7;
	[sflag:s12] =	ssyncadd.s32 $0xFFFFEC00  }
0x4a: {  	[spmem:s2] =	stream.indirect.scatter.add.f32 [tilespmem:s24], [sflag:$0xC], $0x80, s22, s23, $0xb8;
	[tilespmem:$0x1C680] =	vst v63  }
0x4b: {  	s20 =	sadd.s32 s3, s7;
	_ =	swait.ge [sflag:s21], $0x1400  }
0x4c: {  	s9 =	sshrl.u32 s20, $0x3;
	[sflag:s21] =	ssyncset.done $0x0  }
0x4d: {  	s9 =	sadd.s32 s6, s9;
	[sflag:s21] =	ssyncadd.s32 $0xFFFFEC00  }
0x4e: {  	[tilespmem:s22], [sflag:$0x2] =	stream.linear.gather [hbm4b:s9+s4], $0x28, $0x38;
	[tilespmem:$0x1C680] =	vst v63  }
0x4f: {  	_ = 	snop  }
0x50: {  	[tilespmem:s24], [sflag:$0x7] =	stream.indirect.gather [hbm4b:s5+s23], $0x80, s7, s23, $0xb8;
	[tilespmem:$0x1C680] =	vst v63  }
0x51: {  	_ =	swait.ge [sflag:s13], $0x28  }
0x52: {  	[sflag:s13] =	ssyncset.done $0x0  }
0x53: {  	s11 =	smin.u32 s4, $0xF3;
	[sflag:s13] =	ssyncadd.s32 $0xFFFFFFD8  }
0x54: {  	s7 =	smul.u32 $0x28, s11;
	_ =	swait.ge [sflag:s8], $0x1400  }
0x55: {  	[sflag:s8] =	ssyncset.done $0x0  }
0x56: {  	s7 =	sadd.s32 $0xF0, s7;
	[sflag:s8] =	ssyncadd.s32 $0xFFFFEC00  }
0x57: {  	[spmem:s2] =	stream.indirect.scatter.add.f32 [tilespmem:s26], [sflag:$0xC], $0x80, s25, s23, $0xb8;
	[tilespmem:$0x1C680] =	vst v63  }
0x58: {  	s20 =	sadd.s32 s3, s7;
	_ =	swait.ge [sflag:s21], $0x1400  }
0x59: {  	s9 =	sshrl.u32 s20, $0x3;
	[sflag:s21] =	ssyncset.done $0x0  }
0x5a: {  	s9 =	sadd.s32 s6, s9;
	[sflag:s21] =	ssyncadd.s32 $0xFFFFEC00  }
0x5b: {  	[tilespmem:s25], [sflag:$0x3] =	stream.linear.gather [hbm4b:s9+s4], $0x28, $0x38;
	[tilespmem:$0x1C680] =	vst v63  }
0x5c: {  	_ = 	snop  }
0x5d: {  	[tilespmem:s26], [sflag:$0x8] =	stream.indirect.gather [hbm4b:s5+s23], $0x80, s7, s23, $0xb8;
	[tilespmem:$0x1C680] =	vst v63  }
0x5e: {  	_ =	swait.ge [sflag:s14], $0x28  }
0x5f: {  	[sflag:s14] =	ssyncset.done $0x0  }
0x60: {  	s11 =	smin.u32 s4, $0xF2;
	[sflag:s14] =	ssyncadd.s32 $0xFFFFFFD8  }
0x61: {  	s7 =	smul.u32 $0x28, s11;
	_ =	swait.ge [sflag:s15], $0x1400  }
0x62: {  	[sflag:s15] =	ssyncset.done $0x0  }
0x63: {  	s7 =	sadd.s32 $0x118, s7;
	[sflag:s15] =	ssyncadd.s32 $0xFFFFEC00  }
0x64: {  	[spmem:s2] =	stream.indirect.scatter.add.f32 [tilespmem:s30], [sflag:$0xC], $0x80, s28, s23, $0xb8;
	[tilespmem:$0x1C680] =	vst v63  }
0x65: {  	s20 =	sadd.s32 s3, s7;
	_ =	swait.ge [sflag:s21], $0x1400  }
0x66: {  	s9 =	sshrl.u32 s20, $0x3;
	[sflag:s21] =	ssyncset.done $0x0  }
0x67: {  	s9 =	sadd.s32 s6, s9;
	[sflag:s21] =	ssyncadd.s32 $0xFFFFEC00  }
0x68: {  	[tilespmem:s28], [sflag:$0x4] =	stream.linear.gather [hbm4b:s9+s4], $0x28, $0x38;
	[tilespmem:$0x1C680] =	vst v63  }
0x69: {  	_ = 	snop  }
0x6a: {  	[tilespmem:s30], [sflag:$0x9] =	stream.indirect.gather [hbm4b:s5+s23], $0x80, s7, s23, $0xb8;
	[tilespmem:$0x1C680] =	vst v63  }
0x6b: {  	_ =	swait.ge [sflag:s16], $0x28  }
0x6c: {  	[sflag:s16] =	ssyncset.done $0x0  }
0x6d: {  	s9 =	smin.u32 s4, $0xF1;
	[sflag:s16] =	ssyncadd.s32 $0xFFFFFFD8  }
0x6e: {  	s7 =	smul.u32 $0x28, s9;
	_ =	swait.ge [sflag:s17], $0x1400  }
0x6f: {  	[sflag:s17] =	ssyncset.done $0x0  }
0x70: {  	s7 =	sadd.s32 $0x140, s7;
	[sflag:s17] =	ssyncadd.s32 $0xFFFFEC00  }
0x71: {  	[spmem:s2] =	stream.indirect.scatter.add.f32 [tilespmem:s0], [sflag:$0xC], $0x80, s31, s23, $0xb8;
	[tilespmem:$0x1C680] =	vst v63  }
0x72: {  	s11 =	sadd.s32 s3, s7;
	_ =	swait.ge [sflag:s21], $0x1400  }
0x73: {  	s9 =	sshrl.u32 s11, $0x3;
	[sflag:s21] =	ssyncset.done $0x0  }
0x74: {  	s9 =	sadd.s32 s6, s9;
	[sflag:s21] =	ssyncadd.s32 $0xFFFFEC00  }
0x75: {  	[tilespmem:s31], [sflag:$0x5] =	stream.linear.gather [hbm4b:s9+s4], $0x28, $0x38;
	[tilespmem:$0x1C680] =	vst v63  }
0x76: {  	_ = 	snop  }
0x77: {  	[tilespmem:s0], [sflag:$0xA] =	stream.indirect.gather [hbm4b:s5+s23], $0x80, s7, s23, $0xb8;
	[tilespmem:$0x1C680] =	vst v63  }
0x78: {  	_ =	swait.ge [sflag:s18], $0x28  }
0x79: {  	[sflag:s18] =	ssyncset.done $0x0  }
0x7a: {  	s20 =	smin.u32 s4, $0xF0;
	[sflag:s18] =	ssyncadd.s32 $0xFFFFFFD8  }
0x7b: {  	s7 =	smul.u32 $0x28, s20;
	_ =	swait.ge [sflag:s19], $0x1400  }
0x7c: {  	[sflag:s19] =	ssyncset.done $0x0  }
0x7d: {  	s9 =	sadd.s32 $0x168, s7;
	[sflag:s19] =	ssyncadd.s32 $0xFFFFEC00  }
0x7e: {  	[spmem:s2] =	stream.indirect.scatter.add.f32 [tilespmem:s1], [sflag:$0xC], $0x80, s29, s23, $0xb8;
	[tilespmem:$0x1C680] =	vst v63  }
0x7f: {  	s7 =	sadd.s32 s3, s9;
	_ =	swait.ge [sflag:s21], $0x1400  }
0x80: {  	s7 =	sshrl.u32 s7, $0x3;
	[sflag:s21] =	ssyncset.done $0x0  }
0x81: {  	s7 =	sadd.s32 s6, s7;
	[sflag:s21] =	ssyncadd.s32 $0xFFFFEC00  }
0x82: {  	[tilespmem:s29], [sflag:$0x6] =	stream.linear.gather [hbm4b:s7+s4], $0x28, $0x38;
	[tilespmem:$0x1C680] =	vst v63  }
0x83: {  	s7 =	simm.s32 $0x5  }
.LBB2_2:
0x84: {  	p1 =	sne.s32 s7, $0xF5;
	s20 =	smov.u32 s7;
	s7 =	sadd.s32 $0x5, s7  }
0x85: {  	[tilespmem:s1], [sflag:$0xB] =	stream.indirect.gather [hbm4b:s5+s23], $0x80, s9, s23, $0xb8;
	[tilespmem:$0x1C680] =	vst v63  }
0x86: {  	_ =	swait.ge [sflag:s10], $0x28  }
0x87: {  	[sflag:s10] =	ssyncset.done $0x0  }
0x88: {  	[sflag:s10] =	ssyncadd.s32 $0xFFFFFFD8  }
0x89: {  	s9 =	smin.u32 s20, $0xF4;
	_ =	swait.ge [sflag:s12], $0x1400  }
0x8a: {  	s9 =	smul.u32 $0x28, s9;
	[sflag:s12] =	ssyncset.done $0x0  }
0x8b: {  	[sflag:s12] =	ssyncadd.s32 $0xFFFFEC00  }
0x8c: {  	[spmem:s2] =	stream.indirect.scatter.add.f32 [tilespmem:s24], [sflag:$0xC], $0x80, s22, s23, $0xb8;
	[tilespmem:$0x1C680] =	vst v63  }
0x8d: {  	s9 =	sadd.s32 $0xC8, s9;
	_ =	swait.ge [sflag:s21], $0x1400  }
0x8e: {  	s11 =	sadd.s32 s3, s9;
	[sflag:s21] =	ssyncset.done $0x0  }
0x8f: {  	s11 =	sshrl.u32 s11, $0x3;
	[sflag:s21] =	ssyncadd.s32 $0xFFFFEC00  }
0x90: {  	s11 =	sadd.s32 s6, s11  }
0x91: {  	[tilespmem:s22], [sflag:$0x2] =	stream.linear.gather [hbm4b:s11+s4], $0x28, $0x38;
	[tilespmem:$0x1C680] =	vst v63  }
0x92: {  	_ = 	snop  }
0x93: {  	[tilespmem:s24], [sflag:$0x7] =	stream.indirect.gather [hbm4b:s5+s23], $0x80, s9, s23, $0xb8;
	[tilespmem:$0x1C680] =	vst v63  }
0x94: {  	_ =	swait.ge [sflag:s13], $0x28  }
0x95: {  	[sflag:s13] =	ssyncset.done $0x0  }
0x96: {  	s9 =	smin.u32 s20, $0xF3;
	[sflag:s13] =	ssyncadd.s32 $0xFFFFFFD8  }
0x97: {  	s9 =	smul.u32 $0x28, s9;
	_ =	swait.ge [sflag:s8], $0x1400  }
0x98: {  	[sflag:s8] =	ssyncset.done $0x0  }
0x99: {  	s9 =	sadd.s32 $0xF0, s9;
	[sflag:s8] =	ssyncadd.s32 $0xFFFFEC00  }
0x9a: {  	[spmem:s2] =	stream.indirect.scatter.add.f32 [tilespmem:s26], [sflag:$0xC], $0x80, s25, s23, $0xb8;
	[tilespmem:$0x1C680] =	vst v63  }
0x9b: {  	s11 =	sadd.s32 s3, s9;
	_ =	swait.ge [sflag:s21], $0x1400  }
0x9c: {  	s11 =	sshrl.u32 s11, $0x3;
	[sflag:s21] =	ssyncset.done $0x0  }
0x9d: {  	s11 =	sadd.s32 s6, s11;
	[sflag:s21] =	ssyncadd.s32 $0xFFFFEC00  }
0x9e: {  	[tilespmem:s25], [sflag:$0x3] =	stream.linear.gather [hbm4b:s11+s4], $0x28, $0x38;
	[tilespmem:$0x1C680] =	vst v63  }
0x9f: {  	_ = 	snop  }
0xa0: {  	[tilespmem:s26], [sflag:$0x8] =	stream.indirect.gather [hbm4b:s5+s23], $0x80, s9, s23, $0xb8;
	[tilespmem:$0x1C680] =	vst v63  }
0xa1: {  	_ =	swait.ge [sflag:s14], $0x28  }
0xa2: {  	[sflag:s14] =	ssyncset.done $0x0  }
0xa3: {  	s9 =	smin.u32 s20, $0xF2;
	[sflag:s14] =	ssyncadd.s32 $0xFFFFFFD8  }
0xa4: {  	s9 =	smul.u32 $0x28, s9;
	_ =	swait.ge [sflag:s15], $0x1400  }
0xa5: {  	[sflag:s15] =	ssyncset.done $0x0  }
0xa6: {  	s9 =	sadd.s32 $0x118, s9;
	[sflag:s15] =	ssyncadd.s32 $0xFFFFEC00  }
0xa7: {  	[spmem:s2] =	stream.indirect.scatter.add.f32 [tilespmem:s30], [sflag:$0xC], $0x80, s28, s23, $0xb8;
	[tilespmem:$0x1C680] =	vst v63  }
0xa8: {  	s11 =	sadd.s32 s3, s9;
	_ =	swait.ge [sflag:s21], $0x1400  }
0xa9: {  	s11 =	sshrl.u32 s11, $0x3;
	[sflag:s21] =	ssyncset.done $0x0  }
0xaa: {  	s11 =	sadd.s32 s6, s11;
	[sflag:s21] =	ssyncadd.s32 $0xFFFFEC00  }
0xab: {  	[tilespmem:s28], [sflag:$0x4] =	stream.linear.gather [hbm4b:s11+s4], $0x28, $0x38;
	[tilespmem:$0x1C680] =	vst v63  }
0xac: {  	_ = 	snop  }
0xad: {  	[tilespmem:s30], [sflag:$0x9] =	stream.indirect.gather [hbm4b:s5+s23], $0x80, s9, s23, $0xb8;
	[tilespmem:$0x1C680] =	vst v63  }
0xae: {  	_ =	swait.ge [sflag:s16], $0x28  }
0xaf: {  	[sflag:s16] =	ssyncset.done $0x0  }
0xb0: {  	s9 =	smin.u32 s20, $0xF1;
	[sflag:s16] =	ssyncadd.s32 $0xFFFFFFD8  }
0xb1: {  	s9 =	smul.u32 $0x28, s9;
	_ =	swait.ge [sflag:s17], $0x1400  }
0xb2: {  	[sflag:s17] =	ssyncset.done $0x0  }
0xb3: {  	s9 =	sadd.s32 $0x140, s9;
	[sflag:s17] =	ssyncadd.s32 $0xFFFFEC00  }
0xb4: {  	[spmem:s2] =	stream.indirect.scatter.add.f32 [tilespmem:s0], [sflag:$0xC], $0x80, s31, s23, $0xb8;
	[tilespmem:$0x1C680] =	vst v63  }
0xb5: {  	s11 =	sadd.s32 s3, s9;
	_ =	swait.ge [sflag:s21], $0x1400  }
0xb6: {  	s11 =	sshrl.u32 s11, $0x3;
	[sflag:s21] =	ssyncset.done $0x0  }
0xb7: {  	s11 =	sadd.s32 s6, s11;
	[sflag:s21] =	ssyncadd.s32 $0xFFFFEC00  }
0xb8: {  	[tilespmem:s31], [sflag:$0x5] =	stream.linear.gather [hbm4b:s11+s4], $0x28, $0x38;
	[tilespmem:$0x1C680] =	vst v63  }
0xb9: {  	_ = 	snop  }
0xba: {  	[tilespmem:s0], [sflag:$0xA] =	stream.indirect.gather [hbm4b:s5+s23], $0x80, s9, s23, $0xb8;
	[tilespmem:$0x1C680] =	vst v63  }
0xbb: {  	_ =	swait.ge [sflag:s18], $0x28  }
0xbc: {  	[sflag:s18] =	ssyncset.done $0x0  }
0xbd: {  	s9 =	smin.u32 s20, $0xF0;
	[sflag:s18] =	ssyncadd.s32 $0xFFFFFFD8  }
0xbe: {  	s9 =	smul.u32 $0x28, s9;
	_ =	swait.ge [sflag:s19], $0x1400  }
0xbf: {  	[sflag:s19] =	ssyncset.done $0x0  }
0xc0: {  	s9 =	sadd.s32 $0x168, s9;
	[sflag:s19] =	ssyncadd.s32 $0xFFFFEC00  }
0xc1: {  	[spmem:s2] =	stream.indirect.scatter.add.f32 [tilespmem:s1], [sflag:$0xC], $0x80, s29, s23, $0xb8;
	[tilespmem:$0x1C680] =	vst v63  }
.Ltmp0:
0xc2: {  	_ = 	snop;
	(pc) =	sbr.rel @p1 .LBB2_2-.Ltmp0, $4  }
0xc3: {  	s11 =	sadd.s32 s3, s9;
	_ =	swait.ge [sflag:s21], $0x1400  }
0xc4: {  	s11 =	sshrl.u32 s11, $0x3;
	[sflag:s21] =	ssyncset.done $0x0  }
0xc5: {  	s11 =	sadd.s32 s6, s11;
	[sflag:s21] =	ssyncadd.s32 $0xFFFFEC00  }
0xc6: {  	[tilespmem:s29], [sflag:$0x6] =	stream.linear.gather [hbm4b:s11+s4], $0x28, $0x38;
	[tilespmem:$0x1C680] =	vst v63  }
0xc7: {  	[tilespmem:s1], [sflag:$0xB] =	stream.indirect.gather [hbm4b:s5+s23], $0x80, s9, s23, $0xb8;
	[tilespmem:$0x1C680] =	vst v63  }
0xc8: {  	_ =	swait.ge [sflag:s10], $0x28  }
0xc9: {  	[sflag:s10] =	ssyncset.done $0x0  }
0xca: {  	[sflag:s10] =	ssyncadd.s32 $0xFFFFFFD8  }
0xcb: {  	_ =	swait.ge [sflag:s12], $0x1400  }
0xcc: {  	[sflag:s12] =	ssyncset.done $0x0  }
0xcd: {  	[sflag:s12] =	ssyncadd.s32 $0xFFFFEC00  }
0xce: {  	_ =	swait.ge [sflag:s13], $0x28  }
0xcf: {  	[sflag:s13] =	ssyncset.done $0x0  }
0xd0: {  	[sflag:s13] =	ssyncadd.s32 $0xFFFFFFD8  }
0xd1: {  	_ =	swait.ge [sflag:s8], $0x1400  }
0xd2: {  	[sflag:s8] =	ssyncset.done $0x0  }
0xd3: {  	[sflag:s8] =	ssyncadd.s32 $0xFFFFEC00  }
0xd4: {  	_ =	swait.ge [sflag:s14], $0x28  }
0xd5: {  	[sflag:s14] =	ssyncset.done $0x0  }
0xd6: {  	[sflag:s14] =	ssyncadd.s32 $0xFFFFFFD8  }
0xd7: {  	_ =	swait.ge [sflag:s15], $0x1400  }
0xd8: {  	[sflag:s15] =	ssyncset.done $0x0  }
0xd9: {  	[sflag:s15] =	ssyncadd.s32 $0xFFFFEC00  }
0xda: {  	_ =	swait.ge [sflag:s16], $0x28  }
0xdb: {  	[sflag:s16] =	ssyncset.done $0x0  }
0xdc: {  	[sflag:s16] =	ssyncadd.s32 $0xFFFFFFD8  }
0xdd: {  	_ =	swait.ge [sflag:s17], $0x1400  }
0xde: {  	[sflag:s17] =	ssyncset.done $0x0  }
0xdf: {  	[sflag:s17] =	ssyncadd.s32 $0xFFFFEC00  }
0xe0: {  	_ =	swait.ge [sflag:s18], $0x28  }
0xe1: {  	[sflag:s18] =	ssyncset.done $0x0  }
0xe2: {  	[sflag:s18] =	ssyncadd.s32 $0xFFFFFFD8  }
0xe3: {  	_ =	swait.ge [sflag:s19], $0x1400  }
0xe4: {  	[sflag:s19] =	ssyncset.done $0x0  }
0xe5: {  	[sflag:s19] =	ssyncadd.s32 $0xFFFFEC00  }
0xe6: {  	[bflag:$0x0] =	sbarrier.arrive $0xFFFF  }
0xe7: {  	s7 =	rddreg [dreg:$0x4]  }
0xe8: {  	s20 =	rddreg [dreg:$0xd]  }
0xe9: {  	s11 =	rddreg [dreg:$0x10];
	s7 =	sor.u32 $0x1C0C, s7  }
0xea: {  	[hbm:s20], [sflag:s7] =	dma.local [spmem:s11], $0x2700  }
0xeb: {  	_ =	swait.ge [sflag:s21], $0x2700  }
0xec: {  	[sflag:s21] =	ssyncset.done $0x0;
	s9 =	rddreg [dreg:$0xe]  }
0xed: {  	s20 =	rddreg [dreg:$0x12];
	[sflag:s21] =	ssyncadd.s32 $0xFFFFD900  }
0xee: {  	[hbm:s9], [sflag:s7] =	dma.local @!p0 [spmem:s20], $0x100  }
0xef: {  	s7 =	simm.s32 @!p0 $0xC  }
0xf0: {  	_ =	swait.ge @!p0 [sflag:s7], $0x100  }
0xf1: {  	s9 =	rddreg [dreg:$0x11]  }
0xf2: {  	s20 =	sadd.s32 $0x1, s9;
	s9 =	rddreg [dreg:$0xf]  }
0xf3: {  	p1 =	sne.s32 s20, s9  }
.Ltmp1:
0xf4: {  	_ = 	snop;
	(pc) =	sbr.rel @p1 .LBB2_1-.Ltmp1, $3  }
0xf5: {  	_ =	sdelay $0x1  }
0xf6: {  	[sflag:s7] =	ssyncset.done @!p0 $0x0  }
0xf7: {  	[sflag:s7] =	ssyncadd.s32 @!p0 $0xFFFFFF00  }
0xf8: {  	_ =	sfence.sel $0x180000  }
0xf9: {  	[bflag:$0x0] =	sbarrier.arrive $0xFFFF  }
0xfa: {  	_ =	strace $0x9000004D  }
0xfb: {  	s0 =	stileid.u32;
	[bflag:$0x2] =	sbarrier.arrive $0xFFFF  }
0xfc: {  	p0 =	sne.s32 s0, $0x0;
	s0 =	rddreg [dreg:$0x2]  }
0xfd: {  	s0 =	sadd.s32 @!p0 $0x100000, s0  }
0xfe: {  	[sflag:s0] =	ssyncadd.tile.s32 @!p0 $0x1;
	_ =	shalt  }
.Lfunc_end2:
_tile_overlayer_lowered:
.L_overlay_start_2:
0xff: {  	(tag) =	ssettag $0x2  }
0x100: {  	s0 =	rddreg [dreg:$0x0];
	s2 =	stileid.u32  }
0x101: {  	s1 =	rddreg [dreg:$0x1];
	p0 =	sne.s32 s2, $0x0  }
0x102: {  	s3 =	rddreg [dreg:$0x2];
	[bflag:$0x3] =	sbarrier.arrive $0xFFFF;
	s2 =	simm.s32 @!p0 $0x1C0C  }
0x103: {  	[timem:s3], [sflag:s2] =	dma.local @!p0 [hbm:s0], s1  }
0x104: {  	s0 =	simm.s32 @!p0 $0xC  }
0x105: {  	_ =	swait.ge @!p0 [sflag:s0], s1  }
0x106: {  	s1 =	ssub.s32 @!p0 $0x0, s1;
	[sflag:s0] =	ssyncset.done @!p0 $0x0  }
0x107: {  	[sflag:s0] =	ssyncadd.s32 @!p0 s1  }
0x108: {  	[bflag:$0x3] =	sbarrier.arrive $0xFFFF  }
0x109: {  	_ =	shalt  }

// kernel: kernel.8.cloned.1.call-start
scs
__scs_entry_jumppad:
0x0: {  	(pc) =	sbr.rel $0x88, $3  }
0x1: {  	(tag) =	ssettag $0x0;
	lr =	simm.s32 $0x1  }
0x2: {  	[smem:$0x3F93] =	sst lr;
	_ =	strace $0xD0000000  }
0x3: {  	_ = 	snop  }
0x4: {  	_ = 	snop  }
0x5: {  	_ = 	snop  }
0x6: {  	_ = 	snop  }
0x7: {  	_ = 	snop  }
__scs_overlays_trampoline_lowered:
0x8: {  	[smem:$0x3FA2] =	sst s0  }
0x9: {  	[smem:$0x3FA3] =	sst s1  }
0xa: {  	[smem:$0x3FA4] =	sst s2  }
0xb: {  	[smem:$0x3FA5] =	sst s3  }
0xc: {  	[smem:$0x3FA6] =	sst s4  }
0xd: {  	[smem:$0x3FA7] =	sst s5  }
0xe: {  	[smem:$0x3FA8] =	sst s6  }
0xf: {  	[smem:$0x3FA9] =	sst s7  }
0x10: {  	[smem:$0x3FAA] =	sst s8  }
0x11: {  	[smem:$0x3FAB] =	sst s9;
	s0 =	simm.s32 @!p0 $0x0  }
0x12: {  	s1 =	sld [smem:$0x3F91];
	s0 =	simm.s32 @p0 $0x1  }
0x13: {  	[smem:$0x3FAC] =	sst s0;
	s0 =	simm.s32 @!p1 $0x0  }
0x14: {  	s2 =	sld [smem:$0x3F90];
	s0 =	simm.s32 @p1 $0x1  }
0x15: {  	[smem:$0x3FAD] =	sst s0;
	s0 =	simm.s32 @!p2 $0x0  }
0x16: {  	s3 =	sld [smem:$0x3FDB];
	s0 =	simm.s32 @p2 $0x1  }
0x17: {  	s4 =	simm.s32 $0x1BF5;
	[smem:$0x3FAF] =	sst s0  }
0x18: {  	s0 =	sld [smem:$0x3F92];
	_ =	swait.ge [sflag:s4], $0x0  }
0x19: {  	s7 =	sld [smem:$0x3F93]  }
0x1a: {  	s8 =	sadd.s32 $0xFFFFE003, lr  }
0x1b: {  	s9 =	sadd.s32 $0xFFFFFEF7, lr;
	s5 =	simm.s32 $0xFFFFFFFF;
	p2 =	slt.u32 s8, $0xFFFFF086  }
0x1c: {  	p1 =	slt.u32 s9, $0xF7A;
	s5 =	simm.s32 @!p2 $0x0  }
0x1d: {  	s5 =	simm.s32 @p1 $0x1;
	p0 =	seq.s32 s7, s2  }
0x1e: {  	s7 =	smul.u32 @!p0 $0xF7A, s2;
	p2 =	seq.s32 @!p0 s5, $0x0  }
0x1f: {  	s9 =	smul.u32 $0xF7A, s1;
	s8 =	simm.s32 @!p0 $0x1BF5;
	p2 =	por !p2, p0  }
0x20: {  	[sflag:s8] =	ssyncset.s32 @!p0 $0xFFFFF086;
	s6 =	sadd.s32 @!p0 s3, s7;
	s7 =	simm.s32 @!p0 $0x108  }
0x21: {  	s3 =	sadd.s32 s3, s9;
	s6 =	sadd.s32 @!p0 $0x88, s6;
	s7 =	simm.s32 @p2 $0x1082  }
0x22: {  	[simem:s7], [sflag:s8] =	dma.local @!p0 [hbm:s6], $0xF7A  }
0x23: {  	s9 =	sor.u32 $0xD0000000, s2;
	s6 =	simm.s32 $0x108;
	_ =	swait.ge @!p0 [sflag:s8], $0x0  }
0x24: {  	s3 =	sadd.s32 $0x88, s3;
	s6 =	simm.s32 @!p1 $0x1082;
	[sflag:s4] =	ssyncset.s32 $0xFFFFF086  }
0x25: {  	[simem:s6], [sflag:s4] =	dma.local [hbm:s3], $0xF7A  }
0x26: {  	[smem:$0x3F93] =	sst s1;
	(tag) =	ssettag s2;
	_ =	strace s9  }
0x27: {  	s1 =	sld [smem:$0x3FA3]  }
0x28: {  	s2 =	sld [smem:$0x3FA4]  }
0x29: {  	s4 =	sld [smem:$0x3FA6]  }
0x2a: {  	p0 =	seq.s32 s5, $0x0;
	s5 =	sld [smem:$0x3FA7]  }
0x2b: {  	s6 =	sld [smem:$0x3FA8]  }
0x2c: {  	s7 =	sld [smem:$0x3FA9]  }
0x2d: {  	s3 =	simm.s32 $0x108;
	s8 =	sld [smem:$0x3FAA]  }
0x2e: {  	s3 =	simm.s32 @!p0 $0x1082;
	s9 =	sld [smem:$0x3FAB]  }
0x2f: {  	lr =	sadd.s32 s0, s3;
	s0 =	sld [smem:$0x3FA2]  }
0x30: {  	s3 =	sld [smem:$0x3FA5]  }
0x31: {  	[smem:$0x3FAE] =	sst s10  }
0x32: {  	s10 =	sld [smem:$0x3FAC];
	_ =	sdelay $0x3  }
0x33: {  	p0 =	seq.s32 s10, $0x1;
	s10 =	sld [smem:$0x3FAE];
	_ =	sdelay $0x3  }
0x34: {  	[smem:$0x3FAE] =	sst s10  }
0x35: {  	s10 =	sld [smem:$0x3FAD];
	_ =	sdelay $0x3  }
0x36: {  	p1 =	seq.s32 s10, $0x1;
	s10 =	sld [smem:$0x3FAE];
	_ =	sdelay $0x3  }
0x37: {  	[smem:$0x3FAE] =	sst s10  }
0x38: {  	s10 =	sld [smem:$0x3FAF]  }
0x39: {  	_ = 	snop;
	(pc) =	sbr.ind lr, $3  }
0x3a: {  	_ = 	snop  }
0x3b: {  	_ = 	snop  }
0x3c: {  	p2 =	seq.s32 s10, $0x1;
	s10 =	sld [smem:$0x3FAE]  }
0x3d: {  	_ =	shalt  }
0x3e: {  	_ =	shalt  }
0x3f: {  	_ =	shalt  }
0x40: {  	_ =	shalt  }
0x41: {  	_ =	shalt  }
0x42: {  	_ =	shalt  }
0x43: {  	_ =	shalt  }
0x44: {  	_ =	shalt  }
0x45: {  	_ =	shalt  }
0x46: {  	_ =	shalt  }
0x47: {  	_ =	shalt  }
0x48: {  	_ =	shalt  }
0x49: {  	_ =	shalt  }
0x4a: {  	_ =	shalt  }
0x4b: {  	_ =	shalt  }
0x4c: {  	_ =	shalt  }
0x4d: {  	_ =	shalt  }
0x4e: {  	_ =	shalt  }
0x4f: {  	_ =	shalt  }
0x50: {  	_ =	shalt  }
0x51: {  	_ =	shalt  }
0x52: {  	_ =	shalt  }
0x53: {  	_ =	shalt  }
0x54: {  	_ =	shalt  }
0x55: {  	_ =	shalt  }
0x56: {  	_ =	shalt  }
0x57: {  	_ =	shalt  }
0x58: {  	_ =	shalt  }
0x59: {  	_ =	shalt  }
0x5a: {  	_ =	shalt  }
0x5b: {  	_ =	shalt  }
0x5c: {  	_ =	shalt  }
0x5d: {  	_ =	shalt  }
0x5e: {  	_ =	shalt  }
0x5f: {  	_ =	shalt  }
0x60: {  	_ =	shalt  }
0x61: {  	_ =	shalt  }
0x62: {  	_ =	shalt  }
0x63: {  	_ =	shalt  }
0x64: {  	_ =	shalt  }
0x65: {  	_ =	shalt  }
0x66: {  	_ =	shalt  }
0x67: {  	_ =	shalt  }
0x68: {  	_ =	shalt  }
0x69: {  	_ =	shalt  }
0x6a: {  	_ =	shalt  }
0x6b: {  	_ =	shalt  }
0x6c: {  	_ =	shalt  }
0x6d: {  	_ =	shalt  }
0x6e: {  	_ =	shalt  }
0x6f: {  	_ =	shalt  }
0x70: {  	_ =	shalt  }
0x71: {  	_ =	shalt  }
0x72: {  	_ =	shalt  }
0x73: {  	_ =	shalt  }
0x74: {  	_ =	shalt  }
0x75: {  	_ =	shalt  }
0x76: {  	_ =	shalt  }
0x77: {  	_ =	shalt  }
0x78: {  	_ =	shalt  }
0x79: {  	_ =	shalt  }
0x7a: {  	_ =	shalt  }
0x7b: {  	_ =	shalt  }
0x7c: {  	_ =	shalt  }
0x7d: {  	_ =	shalt  }
0x7e: {  	_ =	shalt  }
0x7f: {  	_ =	shalt  }
0x80: {  	_ =	shalt  }
0x81: {  	_ =	shalt  }
0x82: {  	_ =	shalt  }
0x83: {  	_ =	shalt  }
0x84: {  	_ =	shalt  }
0x85: {  	_ =	shalt  }
0x86: {  	_ =	shalt  }
0x87: {  	_ =	shalt  }
.Lfunc_end0:
.L_simem_size_0:
called_computation_lowered:
.L_overlay_start_0:
0x88: {  	s2 =	sld [smem:$0x3FD9]  }
0x89: {  	s3 =	sld [smem:$0x3FFE];
	_ =	sdelay $0x1  }
0x8a: {  	s1 =	srdreg.scid  }
0x8b: {  	s0 =	sand.u32 $0x1, s1  }
0x8c: {  	s16 =	sshll.u32 s0, $0xA;
	s2 =	sadd.s32 s3, s2  }
0x8d: {  	s2 =	sadd.s32 s2, s16  }
0x8e: {  	[smem:$0x3FBA] =	sst s2  }
0x8f: {  	_ = 	snop  }
0x90: {  	(tm) =	ssettm $0x1  }
0x91: {  	s17 =	sld [smem:$0x3FFB];
	_ =	sdelay $0x3  }
0x92: {  	_ =	strace s17  }
0x93: {  	s2 =	sld [smem:$0x3FFC];
	_ =	sdelay $0x3  }
0x94: {  	_ =	strace s2  }
0x95: {  	s2 =	sld [smem:$0x3FFD];
	_ =	sdelay $0x3  }
0x96: {  	_ =	strace s2  }
0x97: {  	_ =	strace $0x8FFFFFFF  }
0x98: {  	s18 =	sld [smem:$0x3FDB];
	_ =	sdelay $0x1  }
0x99: {  	s19 =	simm.s32 $_scs_section_size  }
0x9a: {  	s4 =	simm.s32 $_size__tile_overlayer_lowered;
	s5 =	simm.s32 $_tile_overlayer_lowered  }
0x9b: {  	s22 =	simm.s32 $0x1BFF;
	s21 =	sshll.u32 s5, $0x1;
	s2 =	sadd.s32 s19, s18  }
0x9c: {  	s6 =	simm.s32 $0x0;
	s20 =	sshll.u32 s4, $0x1;
	s4 =	sadd.s32 s21, s2  }
0x9d: {  	[timem:s6], [sflag:s22] =	dma.local [hbm:s4], s20  }
0x9e: {  	_ =	swait.ge [sflag:s22], s20  }
0x9f: {  	s3 =	ssub.s32 $0x0, s20;
	[sflag:s22] =	ssyncset.done $0x0  }
0xa0: {  	[sflag:s22] =	ssyncadd.s32 s3;
	_ =	sdelay $0x1  }
0xa1: {  	s23 =	simm.s32 $0x1B8B  }
0xa2: {  	_ =	swait.ge [sflag:s23], $0x1  }
0xa3: {  	[sflag:s23] =	ssyncset.done $0x0  }
0xa4: {  	s25 =	simm.s32 $0x1B8E;
	s24 =	sld [smem:$0x3FFE];
	[sflag:s23] =	ssyncadd.s32 $0xFFFFFFFF  }
0xa5: {  	s26 =	simm.s32 $execute0_lowered;
	[smem:$0x3FD2] =	sst s25  }
0xa6: {  	s4 =	sshll.u32 s26, $0x1;
	_ =	strace $0x80000046;
	[dreg:$0x1] =	wrdreg $0xFFFFFFFF  }
0xa7: {  	s28 =	simm.s32 $_size_execute0_lowered;
	s2 =	sadd.s32 s2, s4;
	[dreg:$0x0] =	wrdreg $0x0  }
0xa8: {  	s4 =	sshll.u32 s28, $0x1;
	[dreg:$0x2] =	wrdreg s2  }
0xa9: {  	[dreg:$0x3] =	wrdreg s4  }
0xaa: {  	[dreg:$0x4] =	wrdreg $0xC0  }
0xab: {  	_ =	task [dreg:s6], $0x5FFFF  }
0xac: {  	[dreg:$0x1] =	wrdreg $0xFFFFFFFF  }
0xad: {  	[dreg:$0x0] =	wrdreg $0x60  }
0xae: {  	[dreg:$0x2] =	wrdreg s24  }
0xaf: {  	[dreg:$0x3] =	wrdreg $0x9  }
0xb0: {  	_ =	task.clear_ibuf [dreg:s6], $0x4FFFF;
	_ =	strace $0x90000046  }
0xb1: {  	s29 =	simm.s32 $0x9;
	_ =	strace $0x80000048  }
0xb2: {  	_ =	swait.ge [sflag:s29], $0x1  }
0xb3: {  	[sflag:s29] =	ssyncadd.s32 $0xFFFFFFFF  }
0xb4: {  	_ =	strace $0x90000048  }
0xb5: {  	_ =	sfence  }
0xb6: {  	s30 =	sld [smem:$0x0];
	_ =	sdelay $0x2  }
0xb7: {  	s31 =	sshll.u32 s1, $0xD;
	s1 =	sshrl.u32 s1, $0x2  }
0xb8: {  	s3 =	sand.u32 $0x4000, s31;
	s1 =	sadd.s32 s1, s30  }
0xb9: {  	s0 =	sor.u32 s3, s0;
	s1 =	sshll.u32 s1, $0x11  }
0xba: {  	s0 =	sor.u32 s1, s0  }
0xbb: {  	s0 =	sadd.s32 $0x8F2B, s0  }
0xbc: {  	[sflag:s0] =	ssyncadd.remote.s32 $0x1  }
0xbd: {  	_ =	sfence.sel $0xFFFF  }
0xbe: {  	[dreg:$0x0] =	wrdreg $0xFFFFFFFF;
	(pc) =	sbr.abs _section_cstart, $3  }
0xbf: {  	[dreg:$0x1] =	wrdreg $0xFFFFFFFF  }
0xc0: {  	_ =	task.clear_ibuf [dreg:s6], $0x2FFFF;
	_ =	strace $0x9FFFFFFF  }
0xc1: {  	(tm) =	ssettm $0x7FFFFFFF  }
tec
execute0_lowered:
.L_overlay_start_1:
0x0: {  	(tag) =	ssettag $0x1  }
0x1: {  	s0 =	srdreg.scid  }
0x2: {  	s4 =	rddreg [dreg:$0x0];
	s1 =	stileid.u32;
	s3 =	sand.u32 $0x1, s0  }
0x3: {  	s2 =	simm.s32 $0x0;
	s8 =	simm.s32 $0x1;
	s5 =	sshll.u32 s3, $0x4  }
0x4: {  	s9 =	simm.s32 $0x0;
	s0 =	rddreg [dreg:$0x1];
	s5 =	sor.u32 s1, s5  }
0x5: {  	[smem:$0x7FF] =	sst s2;
	s6 =	ssub.s32 $0x2, s3;
	s5 =	smul.u32 $0x4E2, s5  }
0x6: {  	_ =	strace $0x80000047;
	s3 =	sadd.s32 $0x16C00, s4;
	s7 =	sshrl.u32 s6, $0x1  }
0x7: {  	s6 =	ssub.s32 s6, s7;
	s7 =	simm.s32 $0x2780;
	s5 =	sadd.s32 s5, s4  }
0x8: {  	v0 =	vimm.f32 $1.000000000e+00;
	s6 =	smax.u32 s6, $0x1;
	s4 =	sadd.s32 $0xCE00, s5;
	s5 =	sadd.s32 $0x17200, s5  }
.LBB2_1:
0x9: {  	[tilespmem:s7], [sflag:$0x1] =	stream.linear.gather [hbm4b:s3+s2], $0x2780, $0x38;
	[tilespmem:$0x4F00] =	vst v63  }
0xa: {  	_ =	swait.ge [sflag:s8], $0x2780  }
0xb: {  	[sflag:s8] =	ssyncset.done $0x0  }
0xc: {  	[sflag:s8] =	ssyncadd.s32 $0xFFFFD880  }
0xd: {  	[tilespmem:s2], [sflag:$0x1] =	stream.linear.gather [hbm4b:s4+s2], $0x2710, $0x38;
	[tilespmem:$0x4F00] =	vst v63  }
0xe: {  	_ =	swait.ge [sflag:s8], $0x2710  }
0xf: {  	[sflag:s8] =	ssyncset.done $0x0  }
0x10: {  	s11 =	simm.s32 $0x0;
	s10 =	simm.s32 $0x40;
	[sflag:s8] =	ssyncadd.s32 $0xFFFFD8F0  }
.LBB2_2:
0x11: {  	p0 =	sne.s32 s10, $0x9C00;
	v1 =	vld [tilespmem:s11+$0x0];
	_ =	sdelay $0x3  }
.Ltmp0:
0x12: {  	(pc) =	sbr.rel @p0 .LBB2_2-.Ltmp0, $2  }
0x13: {  	_ =	sdelay $0x2  }
0x14: {  	s11 =	sshra.s32 s10, $0x2;
	s10 =	sadd.s32 $0x40, s10;
	[tilespmem:v1+s7+$0x0] =	vst.idx.add.f32.msk $0xffff, v0  }
0x15: {  	v1 =	vld [tilespmem:s11+$0x0];
	_ =	sdelay $0x5  }
0x16: {  	s9 =	sadd.s32 $0x1, s9  }
0x17: {  	p0 =	sne.s32 s9, s6  }
.Ltmp1:
0x18: {  	[tilespmem:v1+s7+$0x0] =	vst.idx.add.f32.msk $0xffff, v0;
	(pc) =	sbr.rel @p0 .LBB2_1-.Ltmp1, $4  }
0x19: {  	[hbm4b:s5+s2] =	stream.linear.scatter [tilespmem:s7], [sflag:$0x1], $0x2710, $0x38;
	[tilespmem:$0x4F00] =	vst v63  }
0x1a: {  	_ =	swait.ge [sflag:s8], $0x2710  }
0x1b: {  	[sflag:s8] =	ssyncset.done $0x0  }
0x1c: {  	[sflag:s8] =	ssyncadd.s32 $0xFFFFD8F0  }
0x1d: {  	_ =	sfence.sel $0x180000  }
0x1e: {  	[bflag:$0x0] =	sbarrier.arrive $0xFFFF  }
0x1f: {  	p0 =	sne.s32 s1, $0x0;
	_ =	strace $0x90000047  }
0x20: {  	s0 =	sadd.s32 @!p0 $0x100000, s0;
	[bflag:$0x2] =	sbarrier.arrive $0xFFFF  }
0x21: {  	[sflag:s0] =	ssyncadd.tile.s32 @!p0 $0x1;
	_ =	shalt  }
.Lfunc_end2:
_tile_overlayer_lowered:
.L_overlay_start_2:
0x22: {  	(tag) =	ssettag $0x2  }
0x23: {  	s0 =	rddreg [dreg:$0x0];
	s2 =	stileid.u32  }
0x24: {  	s1 =	rddreg [dreg:$0x1];
	p0 =	sne.s32 s2, $0x0  }
0x25: {  	s3 =	rddreg [dreg:$0x2];
	[bflag:$0x3] =	sbarrier.arrive $0xFFFF;
	s2 =	simm.s32 @!p0 $0x1C01  }
0x26: {  	[timem:s3], [sflag:s2] =	dma.local @!p0 [hbm:s0], s1  }
0x27: {  	s0 =	simm.s32 @!p0 $0x1  }
0x28: {  	_ =	swait.ge @!p0 [sflag:s0], s1  }
0x29: {  	s1 =	ssub.s32 @!p0 $0x0, s1;
	[sflag:s0] =	ssyncset.done @!p0 $0x0  }
0x2a: {  	[sflag:s0] =	ssyncadd.s32 @!p0 s1  }
0x2b: {  	[bflag:$0x3] =	sbarrier.arrive $0xFFFF  }
0x2c: {  	_ =	shalt  }

</sc_bundles>
